<compile_context>
chip_gen: v7x
topology: tpu7x:2x2x1
jax: 0.10.2.dev20260603
libtpu: 0.0.44.dev20260713+nightly
codegen_flags: <defaults>
</compile_context>

<pallas_src>
import functools

import jax
import jax.numpy as jnp
from jax import lax
from jax.experimental import pallas as pl
from jax.experimental.pallas import tpu as pltpu
from jax.experimental.pallas import tpu_sc as plsc

N_NODES = 10000
N_EDGES = 320000
D_EDGE = 16
D_IN = 128
D_OUT = 128

NC = 2
NS = 16
NW = NC * NS

LANES = 16
EROWS = N_EDGES // 128
ROWS_BASE = EROWS // NW
ROWS_REM = EROWS % NW
NPAD = 10240


def _sc_body(et_hbm, tgt_hbm, sums_hbm, counts_hbm, idx_v, ones_v, zc_v,
             st_v, acc2_sh, cnt_sh, sem, sem_i, sem_s):
    c = lax.axis_index("c")
    s = lax.axis_index("s")
    wid = c * NS + s

    zero16 = jnp.zeros((LANES,), jnp.float32)
    ones16 = jnp.ones((LANES,), jnp.float32)

    for k in range(8):
        ones_v[pl.ds(k * LANES, LANES)] = ones16

    def zc(i, _):
        zc_v[pl.ds(i * LANES, LANES)] = zero16
        return 0
    lax.fori_loop(0, 40, zc, 0)

    for d in range(D_EDGE):
        pltpu.sync_copy(zc_v, acc2_sh.at[d, pl.ds(s * 640, 640)])
    pltpu.sync_copy(zc_v, cnt_sh.at[pl.ds(s * 640, 640)])

    plsc.subcore_barrier()

    start = ROWS_BASE * wid + jnp.minimum(wid, ROWS_REM)
    cnt = ROWS_BASE + jnp.where(wid < ROWS_REM, 1, 0)
    end = start + cnt

    def issue_loads(r, slot):
        pltpu.async_copy(tgt_hbm.at[0, pl.ds(r * 128, 128)], idx_v.at[slot],
                         sem_i)
        pltpu.async_copy(et_hbm.at[:, pl.ds(r * 128, 128)], st_v.at[slot],
                         sem_s)

    issue_loads(start, 0)

    def body(r, _):
        slot = lax.rem(r - start, 2)
        pltpu.make_async_copy(tgt_hbm.at[0, pl.ds(r * 128, 128)],
                              idx_v.at[slot], sem_i).wait()
        pltpu.make_async_copy(et_hbm.at[:, pl.ds(r * 128, 128)],
                              st_v.at[slot], sem_s).wait()

        @pl.when(r + 1 < end)
        def _():
            issue_loads(r + 1, 1 - slot)

        hs = [
            pltpu.async_copy(st_v.at[slot, d], acc2_sh.at[d].at[idx_v.at[slot]],
                             sem, add=True)
            for d in range(D_EDGE)
        ]
        hc = pltpu.async_copy(ones_v, cnt_sh.at[idx_v.at[slot]], sem, add=True)
        for h in hs:
            h.wait()
        hc.wait()
        return 0

    lax.fori_loop(start, end, body, 0)

    plsc.subcore_barrier()

    pltpu.sync_copy(acc2_sh.at[:, pl.ds(s * 640, 640)],
                    sums_hbm.at[c, :, pl.ds(s * 640, 640)])
    pltpu.sync_copy(cnt_sh.at[pl.ds(s * 640, 640)],
                    counts_hbm.at[c, pl.ds(s * 640, 640)])


def _sc_segment_sum(edge_attr_t, edge_index):
    mesh = plsc.VectorSubcoreMesh(
        core_axis_name="c", subcore_axis_name="s", num_cores=NC,
        num_subcores=NS)
    f = functools.partial(
        pl.kernel,
        out_type=[
            jax.ShapeDtypeStruct((NC, D_EDGE, NPAD), jnp.float32),
            jax.ShapeDtypeStruct((NC, NPAD), jnp.float32),
        ],
        mesh=mesh,
        compiler_params=pltpu.CompilerParams(
            needs_layout_passes=False, use_tc_tiling_on_sc=False),
        scratch_types=[
            pltpu.VMEM((2, 128), jnp.int32),
            pltpu.VMEM((128,), jnp.float32),
            pltpu.VMEM((640,), jnp.float32),
            pltpu.VMEM((2, D_EDGE, 128), jnp.float32),
            pltpu.VMEM_SHARED((D_EDGE, NPAD), jnp.float32),
            pltpu.VMEM_SHARED((NPAD,), jnp.float32),
            pltpu.SemaphoreType.DMA,
            pltpu.SemaphoreType.DMA,
            pltpu.SemaphoreType.DMA,
        ],
    )(_sc_body)
    return f(edge_attr_t, edge_index)


def _tc_body(node_ref, sums_ref, counts_ref, wn_ref, we_ref, b_ref, out_ref):
    s_t = sums_ref[0] + sums_ref[1]
    cnts = counts_ref[0] + counts_ref[1]
    mean_t = s_t / jnp.maximum(cnts, 1.0)[None, :]
    acc = jnp.dot(node_ref[...], wn_ref[...], preferred_element_type=jnp.float32)
    acc += lax.dot_general(mean_t, we_ref[...], (((0,), (0,)), ((), ())),
                           preferred_element_type=jnp.float32)
    out_ref[...] = jax.nn.sigmoid(acc + b_ref[...])


def _tc_finish(node_attr, sums, counts, wn, we, b2d):
    blk = 1024
    grid = pl.cdiv(N_NODES, blk)
    return pl.pallas_call(
        _tc_body,
        grid=(grid,),
        in_specs=[
            pl.BlockSpec((blk, D_IN), lambda i: (i, 0)),
            pl.BlockSpec((NC, D_EDGE, blk), lambda i: (0, 0, i)),
            pl.BlockSpec((NC, blk), lambda i: (0, i)),
            pl.BlockSpec((D_IN, D_OUT), lambda i: (0, 0)),
            pl.BlockSpec((D_EDGE, D_OUT), lambda i: (0, 0)),
            pl.BlockSpec((1, D_OUT), lambda i: (0, 0)),
        ],
        out_specs=pl.BlockSpec((blk, D_OUT), lambda i: (i, 0)),
        out_shape=jax.ShapeDtypeStruct((N_NODES, D_OUT), jnp.float32),
    )(node_attr, sums, counts, wn, we, b2d)


@jax.jit
def kernel(edge_attr, edge_index, node_attr, W, b):
    sums, counts = _sc_segment_sum(edge_attr.T, edge_index)
    wn = W[:, :D_IN].T
    we = W[:, D_IN:].T
    return _tc_finish(node_attr, sums, counts, wn, we, b.reshape(1, D_OUT))

# --- scband reference (transcript-rebuilt; emitter-appended) ---
"""Pipeline reference for scband-edge-sagelayer-8701603742217 (READ-ONLY COPY).

The authoritative reference and input builder live on the scoring server;
editing this copy changes nothing except your own understanding.
"""

import jax, jax.numpy as jnp
import numpy as np

N_NODES = 10000
N_EDGES = 320000
D_EDGE = 16
D_IN = 128
D_OUT = 128

def setup_inputs(seed: int = 0) -> dict:
    key = jax.random.key(seed)
    k1, k2, k3, k4 = jax.random.split(key, 4)
    edge_attr = jax.random.normal(k1, (N_EDGES, D_EDGE), dtype=jnp.float32)
    edge_index = jax.random.randint(k2, (2, N_EDGES), 0, N_NODES, dtype=jnp.int32)
    node_attr = jax.random.normal(k3, (N_NODES, D_IN), dtype=jnp.float32)
    # nn.Linear(in_channels + edge_features, out_channels): weight [out, in], bias [out]
    fan_in = D_IN + D_EDGE
    bound = 1.0 / np.sqrt(fan_in)
    W = jax.random.uniform(k4, (D_OUT, fan_in), dtype=jnp.float32, minval=-bound, maxval=bound)
    b = jax.random.uniform(jax.random.fold_in(k4, 1), (D_OUT,), dtype=jnp.float32, minval=-bound, maxval=bound)
    return {"edge_attr": edge_attr, "edge_index": edge_index, "node_attr": node_attr, "W": W, "b": b}

def reference(edge_attr, edge_index, node_attr, W, b):
    # num_nodes = edge_index.max() + 1; with dense random edges this equals node_attr.shape[0]
    num_nodes = node_attr.shape[0]
    target_indices = edge_index[0, :].reshape(-1)
    sums = jax.ops.segment_sum(edge_attr, target_indices, num_segments=num_nodes)
    counts = jax.ops.segment_sum(jnp.ones((edge_attr.shape[0],), dtype=edge_attr.dtype), target_indices, num_segments=num_nodes)
    edge_aggregated_mean = sums / jnp.clip(counts, 1.0, None)[:, None]
    node_edge_concat = jnp.concatenate([node_attr, edge_aggregated_mean], axis=1)
    new_node_embeddings = jax.nn.sigmoid(node_edge_concat @ W.T + b)
    return new_node_embeddings

if __name__ == "__main__":
    import jax
    _d = setup_inputs()
    print(jax.jit(kernel)(*tuple(_d.values())))

</pallas_src>

<mosaic_0001>
#map = affine_map<(d0, d1) -> (0, 0)>
#map1 = affine_map<(d0, d1) -> (0, 0, 0)>
module attributes {stable_mosaic.version = 14 : i64} {
  func.func @_sc_body(%arg0: i32, %arg1: i32, %arg2: memref<16x320000xf32, #tpu.memory_space<hbm>>, %arg3: memref<2x320000xi32, #tpu.memory_space<hbm>>, %arg4: memref<2x16x10240xf32, #tpu.memory_space<hbm>>, %arg5: memref<2x10240xf32, #tpu.memory_space<hbm>>, %arg6: memref<2x128xi32, #tpu.memory_space<vmem>>, %arg7: memref<128xf32, #tpu.memory_space<vmem>>, %arg8: memref<640xf32, #tpu.memory_space<vmem>>, %arg9: memref<2x16x128xf32, #tpu.memory_space<vmem>>, %arg10: memref<16x10240xf32, #tpu.memory_space<vmem_shared>>, %arg11: memref<10240xf32, #tpu.memory_space<vmem_shared>>, %arg12: memref<!tpu.dma_semaphore, #tpu.memory_space<semaphore_mem>>, %arg13: memref<!tpu.dma_semaphore, #tpu.memory_space<semaphore_mem>>, %arg14: memref<!tpu.dma_semaphore, #tpu.memory_space<semaphore_mem>>) attributes {dimension_semantics = [#tpu.dimension_semantics<core_parallel>, #tpu.dimension_semantics<subcore_parallel>], iteration_bounds = array<i64: 2, 16>, scalar_prefetch = 0 : i64, scratch_operands = 9 : i64, tpu.core_type = #tpu.core_type<sc_vector_subcore>, window_params = [{transform_indices = #map}, {transform_indices = #map}, {transform_indices = #map1}, {transform_indices = #map}]} {
    %mul3A = arith.constant 16 : i32
    %mul3A_0 = arith.muli %arg0, %mul3A : i32
    %add3A = arith.addi %mul3A_0, %arg1 : i32
    %broadcast_in_dim3A = arith.constant 0.000000e+00 : f32
    %broadcast_in_dim3A_1 = vector.broadcast %broadcast_in_dim3A : f32 to vector<16xf32>
    %broadcast_in_dim3A_2 = arith.constant 1.000000e+00 : f32
    %broadcast_in_dim3A_3 = vector.broadcast %broadcast_in_dim3A_2 : f32 to vector<16xf32>
    %swap3A = arith.constant 0 : index
    %swap3A_4 = tpu.vector_load %arg7[%swap3A] {strides = array<i32>} : memref<128xf32, #tpu.memory_space<vmem>>, vector<16xf32>,
    tpu.vector_store %arg7[%swap3A], %broadcast_in_dim3A_3 {strides = array<i32>} : memref<128xf32, #tpu.memory_space<vmem>>, vector<16xf32>,
    %swap3A_5 = arith.constant 16 : index
    %swap3A_6 = tpu.vector_load %arg7[%swap3A_5] {strides = array<i32>} : memref<128xf32, #tpu.memory_space<vmem>>, vector<16xf32>,
    tpu.vector_store %arg7[%swap3A_5], %broadcast_in_dim3A_3 {strides = array<i32>} : memref<128xf32, #tpu.memory_space<vmem>>, vector<16xf32>,
    %swap3A_7 = arith.constant 32 : index
    %swap3A_8 = tpu.vector_load %arg7[%swap3A_7] {strides = array<i32>} : memref<128xf32, #tpu.memory_space<vmem>>, vector<16xf32>,
    tpu.vector_store %arg7[%swap3A_7], %broadcast_in_dim3A_3 {strides = array<i32>} : memref<128xf32, #tpu.memory_space<vmem>>, vector<16xf32>,
    %swap3A_9 = arith.constant 48 : index
    %swap3A_10 = tpu.vector_load %arg7[%swap3A_9] {strides = array<i32>} : memref<128xf32, #tpu.memory_space<vmem>>, vector<16xf32>,
    tpu.vector_store %arg7[%swap3A_9], %broadcast_in_dim3A_3 {strides = array<i32>} : memref<128xf32, #tpu.memory_space<vmem>>, vector<16xf32>,
    %swap3A_11 = arith.constant 64 : index
    %swap3A_12 = tpu.vector_load %arg7[%swap3A_11] {strides = array<i32>} : memref<128xf32, #tpu.memory_space<vmem>>, vector<16xf32>,
    tpu.vector_store %arg7[%swap3A_11], %broadcast_in_dim3A_3 {strides = array<i32>} : memref<128xf32, #tpu.memory_space<vmem>>, vector<16xf32>,
    %swap3A_13 = arith.constant 80 : index
    %swap3A_14 = tpu.vector_load %arg7[%swap3A_13] {strides = array<i32>} : memref<128xf32, #tpu.memory_space<vmem>>, vector<16xf32>,
    tpu.vector_store %arg7[%swap3A_13], %broadcast_in_dim3A_3 {strides = array<i32>} : memref<128xf32, #tpu.memory_space<vmem>>, vector<16xf32>,
    %swap3A_15 = arith.constant 96 : index
    %swap3A_16 = tpu.vector_load %arg7[%swap3A_15] {strides = array<i32>} : memref<128xf32, #tpu.memory_space<vmem>>, vector<16xf32>,
    tpu.vector_store %arg7[%swap3A_15], %broadcast_in_dim3A_3 {strides = array<i32>} : memref<128xf32, #tpu.memory_space<vmem>>, vector<16xf32>,
    %swap3A_17 = arith.constant 112 : index
    %swap3A_18 = tpu.vector_load %arg7[%swap3A_17] {strides = array<i32>} : memref<128xf32, #tpu.memory_space<vmem>>, vector<16xf32>,
    tpu.vector_store %arg7[%swap3A_17], %broadcast_in_dim3A_3 {strides = array<i32>} : memref<128xf32, #tpu.memory_space<vmem>>, vector<16xf32>,
    %scan3A = arith.constant 0 : i32
    %scan3A_19 = arith.constant 0 : i32
    %scan3A_20 = arith.constant 40 : i32
    %scan3A_21 = arith.addi %scan3A_19, %scan3A_20 : i32
    %scan3A_22 = arith.constant 1 : i32
    %scan3A_23 = scf.for %scan3A_130 = %scan3A_19 to %scan3A_21 step %scan3A_22 iter_args(%scan3A_131 = %scan3A) -> (i32)  : i32 {
      %mul3A_132 = arith.constant 16 : i32
      %mul3A_133 = arith.muli %scan3A_130, %mul3A_132 : i32
      %swap3A_134 = arith.index_cast %mul3A_133 : i32 to index
      %swap3A_135 = tpu.vector_load %arg8[%swap3A_134] {strides = array<i32>} : memref<640xf32, #tpu.memory_space<vmem>>, vector<16xf32>,
      tpu.vector_store %arg8[%swap3A_134], %broadcast_in_dim3A_1 {strides = array<i32>} : memref<640xf32, #tpu.memory_space<vmem>>, vector<16xf32>,
      %scan3A_136 = arith.constant 0 : i32
      scf.yield %scan3A_136 : i32
    }
    %scan3A_24 = arith.constant 40 : i32
    %mul3A_25 = arith.constant 640 : i32
    %mul3A_26 = arith.muli %arg1, %mul3A_25 : i32
    %run_scoped3A = arith.constant 0 : i32
    "tpu.region"() ({
      %run_scoped3A_130 = tpu.sem_alloc : memref<!tpu.dma_semaphore, #tpu.memory_space<semaphore_mem>>
      %dma_start3A_131 = tpu.memref_slice %arg10[%run_scoped3A, %mul3A_26] : memref<16x10240xf32, #tpu.memory_space<vmem_shared>> -> memref<1x640xf32, #tpu.memory_space<vmem_shared>>
      %dma_start3A_132 = tpu.memref_squeeze %dma_start3A_131 : memref<1x640xf32, #tpu.memory_space<vmem_shared>> -> memref<640xf32, #tpu.memory_space<vmem_shared>>
      %dma_start3A_133 = tpu.memref_slice %arg10[%run_scoped3A, %mul3A_26] : memref<16x10240xf32, #tpu.memory_space<vmem_shared>> -> memref<1x640xf32, #tpu.memory_space<vmem_shared>>
      %dma_start3A_134 = tpu.memref_squeeze %dma_start3A_133 : memref<1x640xf32, #tpu.memory_space<vmem_shared>> -> memref<640xf32, #tpu.memory_space<vmem_shared>>
      tpu.enqueue_dma source(%arg8 : memref<640xf32, #tpu.memory_space<vmem>>) target(%dma_start3A_134 : memref<640xf32, #tpu.memory_space<vmem_shared>>) target_semaphore(%run_scoped3A_130 : memref<!tpu.dma_semaphore, #tpu.memory_space<semaphore_mem>>)
      %dma_wait3A = tpu.memref_slice %arg10[%run_scoped3A, %mul3A_26] : memref<16x10240xf32, #tpu.memory_space<vmem_shared>> -> memref<1x640xf32, #tpu.memory_space<vmem_shared>>
      %dma_wait3A_135 = tpu.memref_squeeze %dma_wait3A : memref<1x640xf32, #tpu.memory_space<vmem_shared>> -> memref<640xf32, #tpu.memory_space<vmem_shared>>
      %dma_wait3A_136 = tpu.memref_slice %arg10[%run_scoped3A, %mul3A_26] : memref<16x10240xf32, #tpu.memory_space<vmem_shared>> -> memref<1x640xf32, #tpu.memory_space<vmem_shared>>
      %dma_wait3A_137 = tpu.memref_squeeze %dma_wait3A_136 : memref<1x640xf32, #tpu.memory_space<vmem_shared>> -> memref<640xf32, #tpu.memory_space<vmem_shared>>
      tpu.wait_dma2 semaphore(%run_scoped3A_130 : memref<!tpu.dma_semaphore, #tpu.memory_space<semaphore_mem>>) src(%arg8 : memref<640xf32, #tpu.memory_space<vmem>>) dst(%dma_wait3A_137 : memref<640xf32, #tpu.memory_space<vmem_shared>>)
      tpu.yield
    }) : () -> ()
    %mul3A_27 = arith.constant 640 : i32
    %mul3A_28 = arith.muli %arg1, %mul3A_27 : i32
    %run_scoped3A_29 = arith.constant 1 : i32
    "tpu.region"() ({
      %run_scoped3A_130 = tpu.sem_alloc : memref<!tpu.dma_semaphore, #tpu.memory_space<semaphore_mem>>
      %dma_start3A_131 = tpu.memref_slice %arg10[%run_scoped3A_29, %mul3A_28] : memref<16x10240xf32, #tpu.memory_space<vmem_shared>> -> memref<1x640xf32, #tpu.memory_space<vmem_shared>>
      %dma_start3A_132 = tpu.memref_squeeze %dma_start3A_131 : memref<1x640xf32, #tpu.memory_space<vmem_shared>> -> memref<640xf32, #tpu.memory_space<vmem_shared>>
      %dma_start3A_133 = tpu.memref_slice %arg10[%run_scoped3A_29, %mul3A_28] : memref<16x10240xf32, #tpu.memory_space<vmem_shared>> -> memref<1x640xf32, #tpu.memory_space<vmem_shared>>
      %dma_start3A_134 = tpu.memref_squeeze %dma_start3A_133 : memref<1x640xf32, #tpu.memory_space<vmem_shared>> -> memref<640xf32, #tpu.memory_space<vmem_shared>>
      tpu.enqueue_dma source(%arg8 : memref<640xf32, #tpu.memory_space<vmem>>) target(%dma_start3A_134 : memref<640xf32, #tpu.memory_space<vmem_shared>>) target_semaphore(%run_scoped3A_130 : memref<!tpu.dma_semaphore, #tpu.memory_space<semaphore_mem>>)
      %dma_wait3A = tpu.memref_slice %arg10[%run_scoped3A_29, %mul3A_28] : memref<16x10240xf32, #tpu.memory_space<vmem_shared>> -> memref<1x640xf32, #tpu.memory_space<vmem_shared>>
      %dma_wait3A_135 = tpu.memref_squeeze %dma_wait3A : memref<1x640xf32, #tpu.memory_space<vmem_shared>> -> memref<640xf32, #tpu.memory_space<vmem_shared>>
      %dma_wait3A_136 = tpu.memref_slice %arg10[%run_scoped3A_29, %mul3A_28] : memref<16x10240xf32, #tpu.memory_space<vmem_shared>> -> memref<1x640xf32, #tpu.memory_space<vmem_shared>>
      %dma_wait3A_137 = tpu.memref_squeeze %dma_wait3A_136 : memref<1x640xf32, #tpu.memory_space<vmem_shared>> -> memref<640xf32, #tpu.memory_space<vmem_shared>>
      tpu.wait_dma2 semaphore(%run_scoped3A_130 : memref<!tpu.dma_semaphore, #tpu.memory_space<semaphore_mem>>) src(%arg8 : memref<640xf32, #tpu.memory_space<vmem>>) dst(%dma_wait3A_137 : memref<640xf32, #tpu.memory_space<vmem_shared>>)
      tpu.yield
    }) : () -> ()
    %mul3A_30 = arith.constant 640 : i32
    %mul3A_31 = arith.muli %arg1, %mul3A_30 : i32
    %run_scoped3A_32 = arith.constant 2 : i32
    "tpu.region"() ({
      %run_scoped3A_130 = tpu.sem_alloc : memref<!tpu.dma_semaphore, #tpu.memory_space<semaphore_mem>>
      %dma_start3A_131 = tpu.memref_slice %arg10[%run_scoped3A_32, %mul3A_31] : memref<16x10240xf32, #tpu.memory_space<vmem_shared>> -> memref<1x640xf32, #tpu.memory_space<vmem_shared>>
      %dma_start3A_132 = tpu.memref_squeeze %dma_start3A_131 : memref<1x640xf32, #tpu.memory_space<vmem_shared>> -> memref<640xf32, #tpu.memory_space<vmem_shared>>
      %dma_start3A_133 = tpu.memref_slice %arg10[%run_scoped3A_32, %mul3A_31] : memref<16x10240xf32, #tpu.memory_space<vmem_shared>> -> memref<1x640xf32, #tpu.memory_space<vmem_shared>>
      %dma_start3A_134 = tpu.memref_squeeze %dma_start3A_133 : memref<1x640xf32, #tpu.memory_space<vmem_shared>> -> memref<640xf32, #tpu.memory_space<vmem_shared>>
      tpu.enqueue_dma source(%arg8 : memref<640xf32, #tpu.memory_space<vmem>>) target(%dma_start3A_134 : memref<640xf32, #tpu.memory_space<vmem_shared>>) target_semaphore(%run_scoped3A_130 : memref<!tpu.dma_semaphore, #tpu.memory_space<semaphore_mem>>)
      %dma_wait3A = tpu.memref_slice %arg10[%run_scoped3A_32, %mul3A_31] : memref<16x10240xf32, #tpu.memory_space<vmem_shared>> -> memref<1x640xf32, #tpu.memory_space<vmem_shared>>
      %dma_wait3A_135 = tpu.memref_squeeze %dma_wait3A : memref<1x640xf32, #tpu.memory_space<vmem_shared>> -> memref<640xf32, #tpu.memory_space<vmem_shared>>
      %dma_wait3A_136 = tpu.memref_slice %arg10[%run_scoped3A_32, %mul3A_31] : memref<16x10240xf32, #tpu.memory_space<vmem_shared>> -> memref<1x640xf32, #tpu.memory_space<vmem_shared>>
      %dma_wait3A_137 = tpu.memref_squeeze %dma_wait3A_136 : memref<1x640xf32, #tpu.memory_space<vmem_shared>> -> memref<640xf32, #tpu.memory_space<vmem_shared>>
      tpu.wait_dma2 semaphore(%run_scoped3A_130 : memref<!tpu.dma_semaphore, #tpu.memory_space<semaphore_mem>>) src(%arg8 : memref<640xf32, #tpu.memory_space<vmem>>) dst(%dma_wait3A_137 : memref<640xf32, #tpu.memory_space<vmem_shared>>)
      tpu.yield
    }) : () -> ()
    %mul3A_33 = arith.constant 640 : i32
    %mul3A_34 = arith.muli %arg1, %mul3A_33 : i32
    %run_scoped3A_35 = arith.constant 3 : i32
    "tpu.region"() ({
      %run_scoped3A_130 = tpu.sem_alloc : memref<!tpu.dma_semaphore, #tpu.memory_space<semaphore_mem>>
      %dma_start3A_131 = tpu.memref_slice %arg10[%run_scoped3A_35, %mul3A_34] : memref<16x10240xf32, #tpu.memory_space<vmem_shared>> -> memref<1x640xf32, #tpu.memory_space<vmem_shared>>
      %dma_start3A_132 = tpu.memref_squeeze %dma_start3A_131 : memref<1x640xf32, #tpu.memory_space<vmem_shared>> -> memref<640xf32, #tpu.memory_space<vmem_shared>>
      %dma_start3A_133 = tpu.memref_slice %arg10[%run_scoped3A_35, %mul3A_34] : memref<16x10240xf32, #tpu.memory_space<vmem_shared>> -> memref<1x640xf32, #tpu.memory_space<vmem_shared>>
      %dma_start3A_134 = tpu.memref_squeeze %dma_start3A_133 : memref<1x640xf32, #tpu.memory_space<vmem_shared>> -> memref<640xf32, #tpu.memory_space<vmem_shared>>
      tpu.enqueue_dma source(%arg8 : memref<640xf32, #tpu.memory_space<vmem>>) target(%dma_start3A_134 : memref<640xf32, #tpu.memory_space<vmem_shared>>) target_semaphore(%run_scoped3A_130 : memref<!tpu.dma_semaphore, #tpu.memory_space<semaphore_mem>>)
      %dma_wait3A = tpu.memref_slice %arg10[%run_scoped3A_35, %mul3A_34] : memref<16x10240xf32, #tpu.memory_space<vmem_shared>> -> memref<1x640xf32, #tpu.memory_space<vmem_shared>>
      %dma_wait3A_135 = tpu.memref_squeeze %dma_wait3A : memref<1x640xf32, #tpu.memory_space<vmem_shared>> -> memref<640xf32, #tpu.memory_space<vmem_shared>>
      %dma_wait3A_136 = tpu.memref_slice %arg10[%run_scoped3A_35, %mul3A_34] : memref<16x10240xf32, #tpu.memory_space<vmem_shared>> -> memref<1x640xf32, #tpu.memory_space<vmem_shared>>
      %dma_wait3A_137 = tpu.memref_squeeze %dma_wait3A_136 : memref<1x640xf32, #tpu.memory_space<vmem_shared>> -> memref<640xf32, #tpu.memory_space<vmem_shared>>
      tpu.wait_dma2 semaphore(%run_scoped3A_130 : memref<!tpu.dma_semaphore, #tpu.memory_space<semaphore_mem>>) src(%arg8 : memref<640xf32, #tpu.memory_space<vmem>>) dst(%dma_wait3A_137 : memref<640xf32, #tpu.memory_space<vmem_shared>>)
      tpu.yield
    }) : () -> ()
    %mul3A_36 = arith.constant 640 : i32
    %mul3A_37 = arith.muli %arg1, %mul3A_36 : i32
    %run_scoped3A_38 = arith.constant 4 : i32
    "tpu.region"() ({
      %run_scoped3A_130 = tpu.sem_alloc : memref<!tpu.dma_semaphore, #tpu.memory_space<semaphore_mem>>
      %dma_start3A_131 = tpu.memref_slice %arg10[%run_scoped3A_38, %mul3A_37] : memref<16x10240xf32, #tpu.memory_space<vmem_shared>> -> memref<1x640xf32, #tpu.memory_space<vmem_shared>>
      %dma_start3A_132 = tpu.memref_squeeze %dma_start3A_131 : memref<1x640xf32, #tpu.memory_space<vmem_shared>> -> memref<640xf32, #tpu.memory_space<vmem_shared>>
      %dma_start3A_133 = tpu.memref_slice %arg10[%run_scoped3A_38, %mul3A_37] : memref<16x10240xf32, #tpu.memory_space<vmem_shared>> -> memref<1x640xf32, #tpu.memory_space<vmem_shared>>
      %dma_start3A_134 = tpu.memref_squeeze %dma_start3A_133 : memref<1x640xf32, #tpu.memory_space<vmem_shared>> -> memref<640xf32, #tpu.memory_space<vmem_shared>>
      tpu.enqueue_dma source(%arg8 : memref<640xf32, #tpu.memory_space<vmem>>) target(%dma_start3A_134 : memref<640xf32, #tpu.memory_space<vmem_shared>>) target_semaphore(%run_scoped3A_130 : memref<!tpu.dma_semaphore, #tpu.memory_space<semaphore_mem>>)
      %dma_wait3A = tpu.memref_slice %arg10[%run_scoped3A_38, %mul3A_37] : memref<16x10240xf32, #tpu.memory_space<vmem_shared>> -> memref<1x640xf32, #tpu.memory_space<vmem_shared>>
      %dma_wait3A_135 = tpu.memref_squeeze %dma_wait3A : memref<1x640xf32, #tpu.memory_space<vmem_shared>> -> memref<640xf32, #tpu.memory_space<vmem_shared>>
      %dma_wait3A_136 = tpu.memref_slice %arg10[%run_scoped3A_38, %mul3A_37] : memref<16x10240xf32, #tpu.memory_space<vmem_shared>> -> memref<1x640xf32, #tpu.memory_space<vmem_shared>>
      %dma_wait3A_137 = tpu.memref_squeeze %dma_wait3A_136 : memref<1x640xf32, #tpu.memory_space<vmem_shared>> -> memref<640xf32, #tpu.memory_space<vmem_shared>>
      tpu.wait_dma2 semaphore(%run_scoped3A_130 : memref<!tpu.dma_semaphore, #tpu.memory_space<semaphore_mem>>) src(%arg8 : memref<640xf32, #tpu.memory_space<vmem>>) dst(%dma_wait3A_137 : memref<640xf32, #tpu.memory_space<vmem_shared>>)
      tpu.yield
    }) : () -> ()
    %mul3A_39 = arith.constant 640 : i32
    %mul3A_40 = arith.muli %arg1, %mul3A_39 : i32
    %run_scoped3A_41 = arith.constant 5 : i32
    "tpu.region"() ({
      %run_scoped3A_130 = tpu.sem_alloc : memref<!tpu.dma_semaphore, #tpu.memory_space<semaphore_mem>>
      %dma_start3A_131 = tpu.memref_slice %arg10[%run_scoped3A_41, %mul3A_40] : memref<16x10240xf32, #tpu.memory_space<vmem_shared>> -> memref<1x640xf32, #tpu.memory_space<vmem_shared>>
      %dma_start3A_132 = tpu.memref_squeeze %dma_start3A_131 : memref<1x640xf32, #tpu.memory_space<vmem_shared>> -> memref<640xf32, #tpu.memory_space<vmem_shared>>
      %dma_start3A_133 = tpu.memref_slice %arg10[%run_scoped3A_41, %mul3A_40] : memref<16x10240xf32, #tpu.memory_space<vmem_shared>> -> memref<1x640xf32, #tpu.memory_space<vmem_shared>>
      %dma_start3A_134 = tpu.memref_squeeze %dma_start3A_133 : memref<1x640xf32, #tpu.memory_space<vmem_shared>> -> memref<640xf32, #tpu.memory_space<vmem_shared>>
      tpu.enqueue_dma source(%arg8 : memref<640xf32, #tpu.memory_space<vmem>>) target(%dma_start3A_134 : memref<640xf32, #tpu.memory_space<vmem_shared>>) target_semaphore(%run_scoped3A_130 : memref<!tpu.dma_semaphore, #tpu.memory_space<semaphore_mem>>)
      %dma_wait3A = tpu.memref_slice %arg10[%run_scoped3A_41, %mul3A_40] : memref<16x10240xf32, #tpu.memory_space<vmem_shared>> -> memref<1x640xf32, #tpu.memory_space<vmem_shared>>
      %dma_wait3A_135 = tpu.memref_squeeze %dma_wait3A : memref<1x640xf32, #tpu.memory_space<vmem_shared>> -> memref<640xf32, #tpu.memory_space<vmem_shared>>
      %dma_wait3A_136 = tpu.memref_slice %arg10[%run_scoped3A_41, %mul3A_40] : memref<16x10240xf32, #tpu.memory_space<vmem_shared>> -> memref<1x640xf32, #tpu.memory_space<vmem_shared>>
      %dma_wait3A_137 = tpu.memref_squeeze %dma_wait3A_136 : memref<1x640xf32, #tpu.memory_space<vmem_shared>> -> memref<640xf32, #tpu.memory_space<vmem_shared>>
      tpu.wait_dma2 semaphore(%run_scoped3A_130 : memref<!tpu.dma_semaphore, #tpu.memory_space<semaphore_mem>>) src(%arg8 : memref<640xf32, #tpu.memory_space<vmem>>) dst(%dma_wait3A_137 : memref<640xf32, #tpu.memory_space<vmem_shared>>)
      tpu.yield
    }) : () -> ()
    %mul3A_42 = arith.constant 640 : i32
    %mul3A_43 = arith.muli %arg1, %mul3A_42 : i32
    %run_scoped3A_44 = arith.constant 6 : i32
    "tpu.region"() ({
      %run_scoped3A_130 = tpu.sem_alloc : memref<!tpu.dma_semaphore, #tpu.memory_space<semaphore_mem>>
      %dma_start3A_131 = tpu.memref_slice %arg10[%run_scoped3A_44, %mul3A_43] : memref<16x10240xf32, #tpu.memory_space<vmem_shared>> -> memref<1x640xf32, #tpu.memory_space<vmem_shared>>
      %dma_start3A_132 = tpu.memref_squeeze %dma_start3A_131 : memref<1x640xf32, #tpu.memory_space<vmem_shared>> -> memref<640xf32, #tpu.memory_space<vmem_shared>>
      %dma_start3A_133 = tpu.memref_slice %arg10[%run_scoped3A_44, %mul3A_43] : memref<16x10240xf32, #tpu.memory_space<vmem_shared>> -> memref<1x640xf32, #tpu.memory_space<vmem_shared>>
      %dma_start3A_134 = tpu.memref_squeeze %dma_start3A_133 : memref<1x640xf32, #tpu.memory_space<vmem_shared>> -> memref<640xf32, #tpu.memory_space<vmem_shared>>
      tpu.enqueue_dma source(%arg8 : memref<640xf32, #tpu.memory_space<vmem>>) target(%dma_start3A_134 : memref<640xf32, #tpu.memory_space<vmem_shared>>) target_semaphore(%run_scoped3A_130 : memref<!tpu.dma_semaphore, #tpu.memory_space<semaphore_mem>>)
      %dma_wait3A = tpu.memref_slice %arg10[%run_scoped3A_44, %mul3A_43] : memref<16x10240xf32, #tpu.memory_space<vmem_shared>> -> memref<1x640xf32, #tpu.memory_space<vmem_shared>>
      %dma_wait3A_135 = tpu.memref_squeeze %dma_wait3A : memref<1x640xf32, #tpu.memory_space<vmem_shared>> -> memref<640xf32, #tpu.memory_space<vmem_shared>>
      %dma_wait3A_136 = tpu.memref_slice %arg10[%run_scoped3A_44, %mul3A_43] : memref<16x10240xf32, #tpu.memory_space<vmem_shared>> -> memref<1x640xf32, #tpu.memory_space<vmem_shared>>
      %dma_wait3A_137 = tpu.memref_squeeze %dma_wait3A_136 : memref<1x640xf32, #tpu.memory_space<vmem_shared>> -> memref<640xf32, #tpu.memory_space<vmem_shared>>
      tpu.wait_dma2 semaphore(%run_scoped3A_130 : memref<!tpu.dma_semaphore, #tpu.memory_space<semaphore_mem>>) src(%arg8 : memref<640xf32, #tpu.memory_space<vmem>>) dst(%dma_wait3A_137 : memref<640xf32, #tpu.memory_space<vmem_shared>>)
      tpu.yield
    }) : () -> ()
    %mul3A_45 = arith.constant 640 : i32
    %mul3A_46 = arith.muli %arg1, %mul3A_45 : i32
    %run_scoped3A_47 = arith.constant 7 : i32
    "tpu.region"() ({
      %run_scoped3A_130 = tpu.sem_alloc : memref<!tpu.dma_semaphore, #tpu.memory_space<semaphore_mem>>
      %dma_start3A_131 = tpu.memref_slice %arg10[%run_scoped3A_47, %mul3A_46] : memref<16x10240xf32, #tpu.memory_space<vmem_shared>> -> memref<1x640xf32, #tpu.memory_space<vmem_shared>>
      %dma_start3A_132 = tpu.memref_squeeze %dma_start3A_131 : memref<1x640xf32, #tpu.memory_space<vmem_shared>> -> memref<640xf32, #tpu.memory_space<vmem_shared>>
      %dma_start3A_133 = tpu.memref_slice %arg10[%run_scoped3A_47, %mul3A_46] : memref<16x10240xf32, #tpu.memory_space<vmem_shared>> -> memref<1x640xf32, #tpu.memory_space<vmem_shared>>
      %dma_start3A_134 = tpu.memref_squeeze %dma_start3A_133 : memref<1x640xf32, #tpu.memory_space<vmem_shared>> -> memref<640xf32, #tpu.memory_space<vmem_shared>>
      tpu.enqueue_dma source(%arg8 : memref<640xf32, #tpu.memory_space<vmem>>) target(%dma_start3A_134 : memref<640xf32, #tpu.memory_space<vmem_shared>>) target_semaphore(%run_scoped3A_130 : memref<!tpu.dma_semaphore, #tpu.memory_space<semaphore_mem>>)
      %dma_wait3A = tpu.memref_slice %arg10[%run_scoped3A_47, %mul3A_46] : memref<16x10240xf32, #tpu.memory_space<vmem_shared>> -> memref<1x640xf32, #tpu.memory_space<vmem_shared>>
      %dma_wait3A_135 = tpu.memref_squeeze %dma_wait3A : memref<1x640xf32, #tpu.memory_space<vmem_shared>> -> memref<640xf32, #tpu.memory_space<vmem_shared>>
      %dma_wait3A_136 = tpu.memref_slice %arg10[%run_scoped3A_47, %mul3A_46] : memref<16x10240xf32, #tpu.memory_space<vmem_shared>> -> memref<1x640xf32, #tpu.memory_space<vmem_shared>>
      %dma_wait3A_137 = tpu.memref_squeeze %dma_wait3A_136 : memref<1x640xf32, #tpu.memory_space<vmem_shared>> -> memref<640xf32, #tpu.memory_space<vmem_shared>>
      tpu.wait_dma2 semaphore(%run_scoped3A_130 : memref<!tpu.dma_semaphore, #tpu.memory_space<semaphore_mem>>) src(%arg8 : memref<640xf32, #tpu.memory_space<vmem>>) dst(%dma_wait3A_137 : memref<640xf32, #tpu.memory_space<vmem_shared>>)
      tpu.yield
    }) : () -> ()
    %mul3A_48 = arith.constant 640 : i32
    %mul3A_49 = arith.muli %arg1, %mul3A_48 : i32
    %run_scoped3A_50 = arith.constant 8 : i32
    "tpu.region"() ({
      %run_scoped3A_130 = tpu.sem_alloc : memref<!tpu.dma_semaphore, #tpu.memory_space<semaphore_mem>>
      %dma_start3A_131 = tpu.memref_slice %arg10[%run_scoped3A_50, %mul3A_49] : memref<16x10240xf32, #tpu.memory_space<vmem_shared>> -> memref<1x640xf32, #tpu.memory_space<vmem_shared>>
      %dma_start3A_132 = tpu.memref_squeeze %dma_start3A_131 : memref<1x640xf32, #tpu.memory_space<vmem_shared>> -> memref<640xf32, #tpu.memory_space<vmem_shared>>
      %dma_start3A_133 = tpu.memref_slice %arg10[%run_scoped3A_50, %mul3A_49] : memref<16x10240xf32, #tpu.memory_space<vmem_shared>> -> memref<1x640xf32, #tpu.memory_space<vmem_shared>>
      %dma_start3A_134 = tpu.memref_squeeze %dma_start3A_133 : memref<1x640xf32, #tpu.memory_space<vmem_shared>> -> memref<640xf32, #tpu.memory_space<vmem_shared>>
      tpu.enqueue_dma source(%arg8 : memref<640xf32, #tpu.memory_space<vmem>>) target(%dma_start3A_134 : memref<640xf32, #tpu.memory_space<vmem_shared>>) target_semaphore(%run_scoped3A_130 : memref<!tpu.dma_semaphore, #tpu.memory_space<semaphore_mem>>)
      %dma_wait3A = tpu.memref_slice %arg10[%run_scoped3A_50, %mul3A_49] : memref<16x10240xf32, #tpu.memory_space<vmem_shared>> -> memref<1x640xf32, #tpu.memory_space<vmem_shared>>
      %dma_wait3A_135 = tpu.memref_squeeze %dma_wait3A : memref<1x640xf32, #tpu.memory_space<vmem_shared>> -> memref<640xf32, #tpu.memory_space<vmem_shared>>
      %dma_wait3A_136 = tpu.memref_slice %arg10[%run_scoped3A_50, %mul3A_49] : memref<16x10240xf32, #tpu.memory_space<vmem_shared>> -> memref<1x640xf32, #tpu.memory_space<vmem_shared>>
      %dma_wait3A_137 = tpu.memref_squeeze %dma_wait3A_136 : memref<1x640xf32, #tpu.memory_space<vmem_shared>> -> memref<640xf32, #tpu.memory_space<vmem_shared>>
      tpu.wait_dma2 semaphore(%run_scoped3A_130 : memref<!tpu.dma_semaphore, #tpu.memory_space<semaphore_mem>>) src(%arg8 : memref<640xf32, #tpu.memory_space<vmem>>) dst(%dma_wait3A_137 : memref<640xf32, #tpu.memory_space<vmem_shared>>)
      tpu.yield
    }) : () -> ()
    %mul3A_51 = arith.constant 640 : i32
    %mul3A_52 = arith.muli %arg1, %mul3A_51 : i32
    %run_scoped3A_53 = arith.constant 9 : i32
    "tpu.region"() ({
      %run_scoped3A_130 = tpu.sem_alloc : memref<!tpu.dma_semaphore, #tpu.memory_space<semaphore_mem>>
      %dma_start3A_131 = tpu.memref_slice %arg10[%run_scoped3A_53, %mul3A_52] : memref<16x10240xf32, #tpu.memory_space<vmem_shared>> -> memref<1x640xf32, #tpu.memory_space<vmem_shared>>
      %dma_start3A_132 = tpu.memref_squeeze %dma_start3A_131 : memref<1x640xf32, #tpu.memory_space<vmem_shared>> -> memref<640xf32, #tpu.memory_space<vmem_shared>>
      %dma_start3A_133 = tpu.memref_slice %arg10[%run_scoped3A_53, %mul3A_52] : memref<16x10240xf32, #tpu.memory_space<vmem_shared>> -> memref<1x640xf32, #tpu.memory_space<vmem_shared>>
      %dma_start3A_134 = tpu.memref_squeeze %dma_start3A_133 : memref<1x640xf32, #tpu.memory_space<vmem_shared>> -> memref<640xf32, #tpu.memory_space<vmem_shared>>
      tpu.enqueue_dma source(%arg8 : memref<640xf32, #tpu.memory_space<vmem>>) target(%dma_start3A_134 : memref<640xf32, #tpu.memory_space<vmem_shared>>) target_semaphore(%run_scoped3A_130 : memref<!tpu.dma_semaphore, #tpu.memory_space<semaphore_mem>>)
      %dma_wait3A = tpu.memref_slice %arg10[%run_scoped3A_53, %mul3A_52] : memref<16x10240xf32, #tpu.memory_space<vmem_shared>> -> memref<1x640xf32, #tpu.memory_space<vmem_shared>>
      %dma_wait3A_135 = tpu.memref_squeeze %dma_wait3A : memref<1x640xf32, #tpu.memory_space<vmem_shared>> -> memref<640xf32, #tpu.memory_space<vmem_shared>>
      %dma_wait3A_136 = tpu.memref_slice %arg10[%run_scoped3A_53, %mul3A_52] : memref<16x10240xf32, #tpu.memory_space<vmem_shared>> -> memref<1x640xf32, #tpu.memory_space<vmem_shared>>
      %dma_wait3A_137 = tpu.memref_squeeze %dma_wait3A_136 : memref<1x640xf32, #tpu.memory_space<vmem_shared>> -> memref<640xf32, #tpu.memory_space<vmem_shared>>
      tpu.wait_dma2 semaphore(%run_scoped3A_130 : memref<!tpu.dma_semaphore, #tpu.memory_space<semaphore_mem>>) src(%arg8 : memref<640xf32, #tpu.memory_space<vmem>>) dst(%dma_wait3A_137 : memref<640xf32, #tpu.memory_space<vmem_shared>>)
      tpu.yield
    }) : () -> ()
    %mul3A_54 = arith.constant 640 : i32
    %mul3A_55 = arith.muli %arg1, %mul3A_54 : i32
    %run_scoped3A_56 = arith.constant 10 : i32
    "tpu.region"() ({
      %run_scoped3A_130 = tpu.sem_alloc : memref<!tpu.dma_semaphore, #tpu.memory_space<semaphore_mem>>
      %dma_start3A_131 = tpu.memref_slice %arg10[%run_scoped3A_56, %mul3A_55] : memref<16x10240xf32, #tpu.memory_space<vmem_shared>> -> memref<1x640xf32, #tpu.memory_space<vmem_shared>>
      %dma_start3A_132 = tpu.memref_squeeze %dma_start3A_131 : memref<1x640xf32, #tpu.memory_space<vmem_shared>> -> memref<640xf32, #tpu.memory_space<vmem_shared>>
      %dma_start3A_133 = tpu.memref_slice %arg10[%run_scoped3A_56, %mul3A_55] : memref<16x10240xf32, #tpu.memory_space<vmem_shared>> -> memref<1x640xf32, #tpu.memory_space<vmem_shared>>
      %dma_start3A_134 = tpu.memref_squeeze %dma_start3A_133 : memref<1x640xf32, #tpu.memory_space<vmem_shared>> -> memref<640xf32, #tpu.memory_space<vmem_shared>>
      tpu.enqueue_dma source(%arg8 : memref<640xf32, #tpu.memory_space<vmem>>) target(%dma_start3A_134 : memref<640xf32, #tpu.memory_space<vmem_shared>>) target_semaphore(%run_scoped3A_130 : memref<!tpu.dma_semaphore, #tpu.memory_space<semaphore_mem>>)
      %dma_wait3A = tpu.memref_slice %arg10[%run_scoped3A_56, %mul3A_55] : memref<16x10240xf32, #tpu.memory_space<vmem_shared>> -> memref<1x640xf32, #tpu.memory_space<vmem_shared>>
      %dma_wait3A_135 = tpu.memref_squeeze %dma_wait3A : memref<1x640xf32, #tpu.memory_space<vmem_shared>> -> memref<640xf32, #tpu.memory_space<vmem_shared>>
      %dma_wait3A_136 = tpu.memref_slice %arg10[%run_scoped3A_56, %mul3A_55] : memref<16x10240xf32, #tpu.memory_space<vmem_shared>> -> memref<1x640xf32, #tpu.memory_space<vmem_shared>>
      %dma_wait3A_137 = tpu.memref_squeeze %dma_wait3A_136 : memref<1x640xf32, #tpu.memory_space<vmem_shared>> -> memref<640xf32, #tpu.memory_space<vmem_shared>>
      tpu.wait_dma2 semaphore(%run_scoped3A_130 : memref<!tpu.dma_semaphore, #tpu.memory_space<semaphore_mem>>) src(%arg8 : memref<640xf32, #tpu.memory_space<vmem>>) dst(%dma_wait3A_137 : memref<640xf32, #tpu.memory_space<vmem_shared>>)
      tpu.yield
    }) : () -> ()
    %mul3A_57 = arith.constant 640 : i32
    %mul3A_58 = arith.muli %arg1, %mul3A_57 : i32
    %run_scoped3A_59 = arith.constant 11 : i32
    "tpu.region"() ({
      %run_scoped3A_130 = tpu.sem_alloc : memref<!tpu.dma_semaphore, #tpu.memory_space<semaphore_mem>>
      %dma_start3A_131 = tpu.memref_slice %arg10[%run_scoped3A_59, %mul3A_58] : memref<16x10240xf32, #tpu.memory_space<vmem_shared>> -> memref<1x640xf32, #tpu.memory_space<vmem_shared>>
      %dma_start3A_132 = tpu.memref_squeeze %dma_start3A_131 : memref<1x640xf32, #tpu.memory_space<vmem_shared>> -> memref<640xf32, #tpu.memory_space<vmem_shared>>
      %dma_start3A_133 = tpu.memref_slice %arg10[%run_scoped3A_59, %mul3A_58] : memref<16x10240xf32, #tpu.memory_space<vmem_shared>> -> memref<1x640xf32, #tpu.memory_space<vmem_shared>>
      %dma_start3A_134 = tpu.memref_squeeze %dma_start3A_133 : memref<1x640xf32, #tpu.memory_space<vmem_shared>> -> memref<640xf32, #tpu.memory_space<vmem_shared>>
      tpu.enqueue_dma source(%arg8 : memref<640xf32, #tpu.memory_space<vmem>>) target(%dma_start3A_134 : memref<640xf32, #tpu.memory_space<vmem_shared>>) target_semaphore(%run_scoped3A_130 : memref<!tpu.dma_semaphore, #tpu.memory_space<semaphore_mem>>)
      %dma_wait3A = tpu.memref_slice %arg10[%run_scoped3A_59, %mul3A_58] : memref<16x10240xf32, #tpu.memory_space<vmem_shared>> -> memref<1x640xf32, #tpu.memory_space<vmem_shared>>
      %dma_wait3A_135 = tpu.memref_squeeze %dma_wait3A : memref<1x640xf32, #tpu.memory_space<vmem_shared>> -> memref<640xf32, #tpu.memory_space<vmem_shared>>
      %dma_wait3A_136 = tpu.memref_slice %arg10[%run_scoped3A_59, %mul3A_58] : memref<16x10240xf32, #tpu.memory_space<vmem_shared>> -> memref<1x640xf32, #tpu.memory_space<vmem_shared>>
      %dma_wait3A_137 = tpu.memref_squeeze %dma_wait3A_136 : memref<1x640xf32, #tpu.memory_space<vmem_shared>> -> memref<640xf32, #tpu.memory_space<vmem_shared>>
      tpu.wait_dma2 semaphore(%run_scoped3A_130 : memref<!tpu.dma_semaphore, #tpu.memory_space<semaphore_mem>>) src(%arg8 : memref<640xf32, #tpu.memory_space<vmem>>) dst(%dma_wait3A_137 : memref<640xf32, #tpu.memory_space<vmem_shared>>)
      tpu.yield
    }) : () -> ()
    %mul3A_60 = arith.constant 640 : i32
    %mul3A_61 = arith.muli %arg1, %mul3A_60 : i32
    %run_scoped3A_62 = arith.constant 12 : i32
    "tpu.region"() ({
      %run_scoped3A_130 = tpu.sem_alloc : memref<!tpu.dma_semaphore, #tpu.memory_space<semaphore_mem>>
      %dma_start3A_131 = tpu.memref_slice %arg10[%run_scoped3A_62, %mul3A_61] : memref<16x10240xf32, #tpu.memory_space<vmem_shared>> -> memref<1x640xf32, #tpu.memory_space<vmem_shared>>
      %dma_start3A_132 = tpu.memref_squeeze %dma_start3A_131 : memref<1x640xf32, #tpu.memory_space<vmem_shared>> -> memref<640xf32, #tpu.memory_space<vmem_shared>>
      %dma_start3A_133 = tpu.memref_slice %arg10[%run_scoped3A_62, %mul3A_61] : memref<16x10240xf32, #tpu.memory_space<vmem_shared>> -> memref<1x640xf32, #tpu.memory_space<vmem_shared>>
      %dma_start3A_134 = tpu.memref_squeeze %dma_start3A_133 : memref<1x640xf32, #tpu.memory_space<vmem_shared>> -> memref<640xf32, #tpu.memory_space<vmem_shared>>
      tpu.enqueue_dma source(%arg8 : memref<640xf32, #tpu.memory_space<vmem>>) target(%dma_start3A_134 : memref<640xf32, #tpu.memory_space<vmem_shared>>) target_semaphore(%run_scoped3A_130 : memref<!tpu.dma_semaphore, #tpu.memory_space<semaphore_mem>>)
      %dma_wait3A = tpu.memref_slice %arg10[%run_scoped3A_62, %mul3A_61] : memref<16x10240xf32, #tpu.memory_space<vmem_shared>> -> memref<1x640xf32, #tpu.memory_space<vmem_shared>>
      %dma_wait3A_135 = tpu.memref_squeeze %dma_wait3A : memref<1x640xf32, #tpu.memory_space<vmem_shared>> -> memref<640xf32, #tpu.memory_space<vmem_shared>>
      %dma_wait3A_136 = tpu.memref_slice %arg10[%run_scoped3A_62, %mul3A_61] : memref<16x10240xf32, #tpu.memory_space<vmem_shared>> -> memref<1x640xf32, #tpu.memory_space<vmem_shared>>
      %dma_wait3A_137 = tpu.memref_squeeze %dma_wait3A_136 : memref<1x640xf32, #tpu.memory_space<vmem_shared>> -> memref<640xf32, #tpu.memory_space<vmem_shared>>
      tpu.wait_dma2 semaphore(%run_scoped3A_130 : memref<!tpu.dma_semaphore, #tpu.memory_space<semaphore_mem>>) src(%arg8 : memref<640xf32, #tpu.memory_space<vmem>>) dst(%dma_wait3A_137 : memref<640xf32, #tpu.memory_space<vmem_shared>>)
      tpu.yield
    }) : () -> ()
    %mul3A_63 = arith.constant 640 : i32
    %mul3A_64 = arith.muli %arg1, %mul3A_63 : i32
    %run_scoped3A_65 = arith.constant 13 : i32
    "tpu.region"() ({
      %run_scoped3A_130 = tpu.sem_alloc : memref<!tpu.dma_semaphore, #tpu.memory_space<semaphore_mem>>
      %dma_start3A_131 = tpu.memref_slice %arg10[%run_scoped3A_65, %mul3A_64] : memref<16x10240xf32, #tpu.memory_space<vmem_shared>> -> memref<1x640xf32, #tpu.memory_space<vmem_shared>>
      %dma_start3A_132 = tpu.memref_squeeze %dma_start3A_131 : memref<1x640xf32, #tpu.memory_space<vmem_shared>> -> memref<640xf32, #tpu.memory_space<vmem_shared>>
      %dma_start3A_133 = tpu.memref_slice %arg10[%run_scoped3A_65, %mul3A_64] : memref<16x10240xf32, #tpu.memory_space<vmem_shared>> -> memref<1x640xf32, #tpu.memory_space<vmem_shared>>
      %dma_start3A_134 = tpu.memref_squeeze %dma_start3A_133 : memref<1x640xf32, #tpu.memory_space<vmem_shared>> -> memref<640xf32, #tpu.memory_space<vmem_shared>>
      tpu.enqueue_dma source(%arg8 : memref<640xf32, #tpu.memory_space<vmem>>) target(%dma_start3A_134 : memref<640xf32, #tpu.memory_space<vmem_shared>>) target_semaphore(%run_scoped3A_130 : memref<!tpu.dma_semaphore, #tpu.memory_space<semaphore_mem>>)
      %dma_wait3A = tpu.memref_slice %arg10[%run_scoped3A_65, %mul3A_64] : memref<16x10240xf32, #tpu.memory_space<vmem_shared>> -> memref<1x640xf32, #tpu.memory_space<vmem_shared>>
      %dma_wait3A_135 = tpu.memref_squeeze %dma_wait3A : memref<1x640xf32, #tpu.memory_space<vmem_shared>> -> memref<640xf32, #tpu.memory_space<vmem_shared>>
      %dma_wait3A_136 = tpu.memref_slice %arg10[%run_scoped3A_65, %mul3A_64] : memref<16x10240xf32, #tpu.memory_space<vmem_shared>> -> memref<1x640xf32, #tpu.memory_space<vmem_shared>>
      %dma_wait3A_137 = tpu.memref_squeeze %dma_wait3A_136 : memref<1x640xf32, #tpu.memory_space<vmem_shared>> -> memref<640xf32, #tpu.memory_space<vmem_shared>>
      tpu.wait_dma2 semaphore(%run_scoped3A_130 : memref<!tpu.dma_semaphore, #tpu.memory_space<semaphore_mem>>) src(%arg8 : memref<640xf32, #tpu.memory_space<vmem>>) dst(%dma_wait3A_137 : memref<640xf32, #tpu.memory_space<vmem_shared>>)
      tpu.yield
    }) : () -> ()
    %mul3A_66 = arith.constant 640 : i32
    %mul3A_67 = arith.muli %arg1, %mul3A_66 : i32
    %run_scoped3A_68 = arith.constant 14 : i32
    "tpu.region"() ({
      %run_scoped3A_130 = tpu.sem_alloc : memref<!tpu.dma_semaphore, #tpu.memory_space<semaphore_mem>>
      %dma_start3A_131 = tpu.memref_slice %arg10[%run_scoped3A_68, %mul3A_67] : memref<16x10240xf32, #tpu.memory_space<vmem_shared>> -> memref<1x640xf32, #tpu.memory_space<vmem_shared>>
      %dma_start3A_132 = tpu.memref_squeeze %dma_start3A_131 : memref<1x640xf32, #tpu.memory_space<vmem_shared>> -> memref<640xf32, #tpu.memory_space<vmem_shared>>
      %dma_start3A_133 = tpu.memref_slice %arg10[%run_scoped3A_68, %mul3A_67] : memref<16x10240xf32, #tpu.memory_space<vmem_shared>> -> memref<1x640xf32, #tpu.memory_space<vmem_shared>>
      %dma_start3A_134 = tpu.memref_squeeze %dma_start3A_133 : memref<1x640xf32, #tpu.memory_space<vmem_shared>> -> memref<640xf32, #tpu.memory_space<vmem_shared>>
      tpu.enqueue_dma source(%arg8 : memref<640xf32, #tpu.memory_space<vmem>>) target(%dma_start3A_134 : memref<640xf32, #tpu.memory_space<vmem_shared>>) target_semaphore(%run_scoped3A_130 : memref<!tpu.dma_semaphore, #tpu.memory_space<semaphore_mem>>)
      %dma_wait3A = tpu.memref_slice %arg10[%run_scoped3A_68, %mul3A_67] : memref<16x10240xf32, #tpu.memory_space<vmem_shared>> -> memref<1x640xf32, #tpu.memory_space<vmem_shared>>
      %dma_wait3A_135 = tpu.memref_squeeze %dma_wait3A : memref<1x640xf32, #tpu.memory_space<vmem_shared>> -> memref<640xf32, #tpu.memory_space<vmem_shared>>
      %dma_wait3A_136 = tpu.memref_slice %arg10[%run_scoped3A_68, %mul3A_67] : memref<16x10240xf32, #tpu.memory_space<vmem_shared>> -> memref<1x640xf32, #tpu.memory_space<vmem_shared>>
      %dma_wait3A_137 = tpu.memref_squeeze %dma_wait3A_136 : memref<1x640xf32, #tpu.memory_space<vmem_shared>> -> memref<640xf32, #tpu.memory_space<vmem_shared>>
      tpu.wait_dma2 semaphore(%run_scoped3A_130 : memref<!tpu.dma_semaphore, #tpu.memory_space<semaphore_mem>>) src(%arg8 : memref<640xf32, #tpu.memory_space<vmem>>) dst(%dma_wait3A_137 : memref<640xf32, #tpu.memory_space<vmem_shared>>)
      tpu.yield
    }) : () -> ()
    %mul3A_69 = arith.constant 640 : i32
    %mul3A_70 = arith.muli %arg1, %mul3A_69 : i32
    %run_scoped3A_71 = arith.constant 15 : i32
    "tpu.region"() ({
      %run_scoped3A_130 = tpu.sem_alloc : memref<!tpu.dma_semaphore, #tpu.memory_space<semaphore_mem>>
      %dma_start3A_131 = tpu.memref_slice %arg10[%run_scoped3A_71, %mul3A_70] : memref<16x10240xf32, #tpu.memory_space<vmem_shared>> -> memref<1x640xf32, #tpu.memory_space<vmem_shared>>
      %dma_start3A_132 = tpu.memref_squeeze %dma_start3A_131 : memref<1x640xf32, #tpu.memory_space<vmem_shared>> -> memref<640xf32, #tpu.memory_space<vmem_shared>>
      %dma_start3A_133 = tpu.memref_slice %arg10[%run_scoped3A_71, %mul3A_70] : memref<16x10240xf32, #tpu.memory_space<vmem_shared>> -> memref<1x640xf32, #tpu.memory_space<vmem_shared>>
      %dma_start3A_134 = tpu.memref_squeeze %dma_start3A_133 : memref<1x640xf32, #tpu.memory_space<vmem_shared>> -> memref<640xf32, #tpu.memory_space<vmem_shared>>
      tpu.enqueue_dma source(%arg8 : memref<640xf32, #tpu.memory_space<vmem>>) target(%dma_start3A_134 : memref<640xf32, #tpu.memory_space<vmem_shared>>) target_semaphore(%run_scoped3A_130 : memref<!tpu.dma_semaphore, #tpu.memory_space<semaphore_mem>>)
      %dma_wait3A = tpu.memref_slice %arg10[%run_scoped3A_71, %mul3A_70] : memref<16x10240xf32, #tpu.memory_space<vmem_shared>> -> memref<1x640xf32, #tpu.memory_space<vmem_shared>>
      %dma_wait3A_135 = tpu.memref_squeeze %dma_wait3A : memref<1x640xf32, #tpu.memory_space<vmem_shared>> -> memref<640xf32, #tpu.memory_space<vmem_shared>>
      %dma_wait3A_136 = tpu.memref_slice %arg10[%run_scoped3A_71, %mul3A_70] : memref<16x10240xf32, #tpu.memory_space<vmem_shared>> -> memref<1x640xf32, #tpu.memory_space<vmem_shared>>
      %dma_wait3A_137 = tpu.memref_squeeze %dma_wait3A_136 : memref<1x640xf32, #tpu.memory_space<vmem_shared>> -> memref<640xf32, #tpu.memory_space<vmem_shared>>
      tpu.wait_dma2 semaphore(%run_scoped3A_130 : memref<!tpu.dma_semaphore, #tpu.memory_space<semaphore_mem>>) src(%arg8 : memref<640xf32, #tpu.memory_space<vmem>>) dst(%dma_wait3A_137 : memref<640xf32, #tpu.memory_space<vmem_shared>>)
      tpu.yield
    }) : () -> ()
    %mul3A_72 = arith.constant 640 : i32
    %mul3A_73 = arith.muli %arg1, %mul3A_72 : i32
    "tpu.region"() ({
      %run_scoped3A_130 = tpu.sem_alloc : memref<!tpu.dma_semaphore, #tpu.memory_space<semaphore_mem>>
      %dma_start3A_131 = tpu.memref_slice %arg11[%mul3A_73] : memref<10240xf32, #tpu.memory_space<vmem_shared>> -> memref<640xf32, #tpu.memory_space<vmem_shared>>
      %dma_start3A_132 = tpu.memref_slice %arg11[%mul3A_73] : memref<10240xf32, #tpu.memory_space<vmem_shared>> -> memref<640xf32, #tpu.memory_space<vmem_shared>>
      tpu.enqueue_dma source(%arg8 : memref<640xf32, #tpu.memory_space<vmem>>) target(%dma_start3A_132 : memref<640xf32, #tpu.memory_space<vmem_shared>>) target_semaphore(%run_scoped3A_130 : memref<!tpu.dma_semaphore, #tpu.memory_space<semaphore_mem>>)
      %dma_wait3A = tpu.memref_slice %arg11[%mul3A_73] : memref<10240xf32, #tpu.memory_space<vmem_shared>> -> memref<640xf32, #tpu.memory_space<vmem_shared>>
      %dma_wait3A_133 = tpu.memref_slice %arg11[%mul3A_73] : memref<10240xf32, #tpu.memory_space<vmem_shared>> -> memref<640xf32, #tpu.memory_space<vmem_shared>>
      tpu.wait_dma2 semaphore(%run_scoped3A_130 : memref<!tpu.dma_semaphore, #tpu.memory_space<semaphore_mem>>) src(%arg8 : memref<640xf32, #tpu.memory_space<vmem>>) dst(%dma_wait3A_133 : memref<640xf32, #tpu.memory_space<vmem_shared>>)
      tpu.yield
    }) : () -> ()
    %barrier3A = arith.constant 0 : index
    tpu.barrier barrier_id(%barrier3A)
    %mul3A_74 = arith.constant 78 : i32
    %mul3A_75 = arith.muli %mul3A_74, %add3A : i32
    %min3A = arith.constant 4 : i32
    %min3A_76 = arith.minsi %add3A, %min3A : i32
    %add3A_77 = arith.addi %mul3A_75, %min3A_76 : i32
    %lt3A = arith.constant 4 : i32
    %lt3A_78 = arith.cmpi slt, %add3A, %lt3A : i32
    %jit3A = arith.constant 1 : i32
    %jit3A_79 = arith.constant 0 : i32
    %select_n3A = arith.select %lt3A_78, %jit3A, %jit3A_79 : i32
    %add3A_80 = arith.constant 78 : i32
    %add3A_81 = arith.addi %add3A_80, %select_n3A : i32
    %add3A_82 = arith.addi %add3A_77, %add3A_81 : i32
    %mul3A_83 = arith.constant 128 : i32
    %mul3A_84 = arith.muli %add3A_77, %mul3A_83 : i32
    %dma_start3A = arith.constant 0 : i32
    %dma_start3A_85 = arith.constant 0 : i32
    %dma_start3A_86 = arith.constant 0 : i32
    %dma_start3A_87 = tpu.memref_slice %arg6[%dma_start3A_85, %dma_start3A_86] : memref<2x128xi32, #tpu.memory_space<vmem>> -> memref<1x128xi32, #tpu.memory_space<vmem>>
    %dma_start3A_88 = tpu.memref_squeeze %dma_start3A_87 : memref<1x128xi32, #tpu.memory_space<vmem>> -> memref<128xi32, #tpu.memory_space<vmem>>
    %dma_start3A_89 = tpu.memref_slice %arg3[%dma_start3A, %mul3A_84] : memref<2x320000xi32, #tpu.memory_space<hbm>> -> memref<1x128xi32, #tpu.memory_space<hbm>>
    %dma_start3A_90 = tpu.memref_squeeze %dma_start3A_89 : memref<1x128xi32, #tpu.memory_space<hbm>> -> memref<128xi32, #tpu.memory_space<hbm>>
    %dma_start3A_91 = arith.constant 0 : i32
    %dma_start3A_92 = tpu.memref_slice %arg6[%dma_start3A_85, %dma_start3A_91] : memref<2x128xi32, #tpu.memory_space<vmem>> -> memref<1x128xi32, #tpu.memory_space<vmem>>
    %dma_start3A_93 = tpu.memref_squeeze %dma_start3A_92 : memref<1x128xi32, #tpu.memory_space<vmem>> -> memref<128xi32, #tpu.memory_space<vmem>>
    %dma_start3A_94 = tpu.memref_slice %arg3[%dma_start3A, %mul3A_84] : memref<2x320000xi32, #tpu.memory_space<hbm>> -> memref<1x128xi32, #tpu.memory_space<hbm>>
    %dma_start3A_95 = tpu.memref_squeeze %dma_start3A_94 : memref<1x128xi32, #tpu.memory_space<hbm>> -> memref<128xi32, #tpu.memory_space<hbm>>
    tpu.enqueue_dma source(%dma_start3A_95 : memref<128xi32, #tpu.memory_space<hbm>>) target(%dma_start3A_93 : memref<128xi32, #tpu.memory_space<vmem>>) target_semaphore(%arg13 : memref<!tpu.dma_semaphore, #tpu.memory_space<semaphore_mem>>)
    %mul3A_96 = arith.constant 128 : i32
    %mul3A_97 = arith.muli %add3A_77, %mul3A_96 : i32
    %dma_start3A_98 = arith.constant 0 : i32
    %dma_start3A_99 = arith.constant 0 : i32
    %dma_start3A_100 = arith.constant 0 : i32
    %dma_start3A_101 = tpu.memref_slice %arg9[%dma_start3A_98, %dma_start3A_99, %dma_start3A_100] : memref<2x16x128xf32, #tpu.memory_space<vmem>> -> memref<1x16x128xf32, #tpu.memory_space<vmem>>
    %dma_start3A_102 = tpu.memref_squeeze %dma_start3A_101 : memref<1x16x128xf32, #tpu.memory_space<vmem>> -> memref<16x128xf32, #tpu.memory_space<vmem>>
    %dma_start3A_103 = arith.constant 0 : i32
    %dma_start3A_104 = tpu.memref_slice %arg2[%dma_start3A_103, %mul3A_97] : memref<16x320000xf32, #tpu.memory_space<hbm>> -> memref<16x128xf32, #tpu.memory_space<hbm>>
    %dma_start3A_105 = arith.constant 0 : i32
    %dma_start3A_106 = arith.constant 0 : i32
    %dma_start3A_107 = tpu.memref_slice %arg9[%dma_start3A_98, %dma_start3A_105, %dma_start3A_106] : memref<2x16x128xf32, #tpu.memory_space<vmem>> -> memref<1x16x128xf32, #tpu.memory_space<vmem>>
    %dma_start3A_108 = tpu.memref_squeeze %dma_start3A_107 : memref<1x16x128xf32, #tpu.memory_space<vmem>> -> memref<16x128xf32, #tpu.memory_space<vmem>>
    %dma_start3A_109 = arith.constant 0 : i32
    %dma_start3A_110 = tpu.memref_slice %arg2[%dma_start3A_109, %mul3A_97] : memref<16x320000xf32, #tpu.memory_space<hbm>> -> memref<16x128xf32, #tpu.memory_space<hbm>>
    tpu.enqueue_dma source(%dma_start3A_110 : memref<16x128xf32, #tpu.memory_space<hbm>>) target(%dma_start3A_108 : memref<16x128xf32, #tpu.memory_space<vmem>>) target_semaphore(%arg14 : memref<!tpu.dma_semaphore, #tpu.memory_space<semaphore_mem>>)
    %while3A = arith.constant 0 : i32
    %while3A_111 = arith.subi %add3A_82, %add3A_77 : i32
    %while3A_112 = arith.addi %add3A_77, %while3A_111 : i32
    %while3A_113 = arith.constant 1 : i32
    %while3A_114 = arith.divsi %while3A_111, %while3A_113 : i32
    %while3A_115 = arith.muli %while3A_114, %while3A_113 : i32
    %while3A_116 = arith.addi %add3A_77, %while3A_115 : i32
    %while3A_117 = arith.constant 1 : i32
    %while3A_118 = scf.for %while3A_130 = %add3A_77 to %while3A_116 step %while3A_117 iter_args(%while3A_131 = %while3A) -> (i32)  : i32 {
      %sub3A = arith.subi %while3A_130, %add3A_77 : i32
      %rem3A = arith.constant 2 : i32
      %rem3A_132 = arith.remsi %sub3A, %rem3A : i32
      %mul3A_133 = arith.constant 128 : i32
      %mul3A_134 = arith.muli %while3A_130, %mul3A_133 : i32
      %dma_wait3A = arith.constant 0 : i32
      %dma_wait3A_135 = arith.constant 0 : i32
      %dma_wait3A_136 = tpu.memref_slice %arg6[%rem3A_132, %dma_wait3A_135] : memref<2x128xi32, #tpu.memory_space<vmem>> -> memref<1x128xi32, #tpu.memory_space<vmem>>
      %dma_wait3A_137 = tpu.memref_squeeze %dma_wait3A_136 : memref<1x128xi32, #tpu.memory_space<vmem>> -> memref<128xi32, #tpu.memory_space<vmem>>
      %dma_wait3A_138 = tpu.memref_slice %arg3[%dma_wait3A, %mul3A_134] : memref<2x320000xi32, #tpu.memory_space<hbm>> -> memref<1x128xi32, #tpu.memory_space<hbm>>
      %dma_wait3A_139 = tpu.memref_squeeze %dma_wait3A_138 : memref<1x128xi32, #tpu.memory_space<hbm>> -> memref<128xi32, #tpu.memory_space<hbm>>
      %dma_wait3A_140 = arith.constant 0 : i32
      %dma_wait3A_141 = tpu.memref_slice %arg6[%rem3A_132, %dma_wait3A_140] : memref<2x128xi32, #tpu.memory_space<vmem>> -> memref<1x128xi32, #tpu.memory_space<vmem>>
      %dma_wait3A_142 = tpu.memref_squeeze %dma_wait3A_141 : memref<1x128xi32, #tpu.memory_space<vmem>> -> memref<128xi32, #tpu.memory_space<vmem>>
      %dma_wait3A_143 = tpu.memref_slice %arg3[%dma_wait3A, %mul3A_134] : memref<2x320000xi32, #tpu.memory_space<hbm>> -> memref<1x128xi32, #tpu.memory_space<hbm>>
      %dma_wait3A_144 = tpu.memref_squeeze %dma_wait3A_143 : memref<1x128xi32, #tpu.memory_space<hbm>> -> memref<128xi32, #tpu.memory_space<hbm>>
      tpu.wait_dma2 semaphore(%arg13 : memref<!tpu.dma_semaphore, #tpu.memory_space<semaphore_mem>>) src(%dma_wait3A_144 : memref<128xi32, #tpu.memory_space<hbm>>) dst(%dma_wait3A_142 : memref<128xi32, #tpu.memory_space<vmem>>)
      %mul3A_145 = arith.constant 128 : i32
      %mul3A_146 = arith.muli %while3A_130, %mul3A_145 : i32
      %dma_wait3A_147 = arith.constant 0 : i32
      %dma_wait3A_148 = arith.constant 0 : i32
      %dma_wait3A_149 = tpu.memref_slice %arg9[%rem3A_132, %dma_wait3A_147, %dma_wait3A_148] : memref<2x16x128xf32, #tpu.memory_space<vmem>> -> memref<1x16x128xf32, #tpu.memory_space<vmem>>
      %dma_wait3A_150 = tpu.memref_squeeze %dma_wait3A_149 : memref<1x16x128xf32, #tpu.memory_space<vmem>> -> memref<16x128xf32, #tpu.memory_space<vmem>>
      %dma_wait3A_151 = arith.constant 0 : i32
      %dma_wait3A_152 = tpu.memref_slice %arg2[%dma_wait3A_151, %mul3A_146] : memref<16x320000xf32, #tpu.memory_space<hbm>> -> memref<16x128xf32, #tpu.memory_space<hbm>>
      %dma_wait3A_153 = arith.constant 0 : i32
      %dma_wait3A_154 = arith.constant 0 : i32
      %dma_wait3A_155 = tpu.memref_slice %arg9[%rem3A_132, %dma_wait3A_153, %dma_wait3A_154] : memref<2x16x128xf32, #tpu.memory_space<vmem>> -> memref<1x16x128xf32, #tpu.memory_space<vmem>>
      %dma_wait3A_156 = tpu.memref_squeeze %dma_wait3A_155 : memref<1x16x128xf32, #tpu.memory_space<vmem>> -> memref<16x128xf32, #tpu.memory_space<vmem>>
      %dma_wait3A_157 = arith.constant 0 : i32
      %dma_wait3A_158 = tpu.memref_slice %arg2[%dma_wait3A_157, %mul3A_146] : memref<16x320000xf32, #tpu.memory_space<hbm>> -> memref<16x128xf32, #tpu.memory_space<hbm>>
      tpu.wait_dma2 semaphore(%arg14 : memref<!tpu.dma_semaphore, #tpu.memory_space<semaphore_mem>>) src(%dma_wait3A_158 : memref<16x128xf32, #tpu.memory_space<hbm>>) dst(%dma_wait3A_156 : memref<16x128xf32, #tpu.memory_space<vmem>>)
      %add3A_159 = arith.constant 1 : i32
      %add3A_160 = arith.addi %while3A_130, %add3A_159 : i32
      %lt3A_161 = arith.cmpi slt, %add3A_160, %add3A_82 : i32
      %convert_element_type3A = arith.extui %lt3A_161 : i1 to i32
      %cond3A = arith.constant 0 : i32
      %cond3A_162 = arith.cmpi ne, %convert_element_type3A, %cond3A : i32
      scf.if %cond3A_162 {
        %add3A_590 = arith.constant 1 : i32
        %add3A_591 = arith.addi %while3A_130, %add3A_590 : i32
        %sub3A_592 = arith.constant 1 : i32
        %sub3A_593 = arith.subi %sub3A_592, %rem3A_132 : i32
        %mul3A_594 = arith.constant 128 : i32
        %mul3A_595 = arith.muli %add3A_591, %mul3A_594 : i32
        %dma_start3A_596 = arith.constant 0 : i32
        %dma_start3A_597 = arith.constant 0 : i32
        %dma_start3A_598 = tpu.memref_slice %arg6[%sub3A_593, %dma_start3A_597] : memref<2x128xi32, #tpu.memory_space<vmem>> -> memref<1x128xi32, #tpu.memory_space<vmem>>
        %dma_start3A_599 = tpu.memref_squeeze %dma_start3A_598 : memref<1x128xi32, #tpu.memory_space<vmem>> -> memref<128xi32, #tpu.memory_space<vmem>>
        %dma_start3A_600 = tpu.memref_slice %arg3[%dma_start3A_596, %mul3A_595] : memref<2x320000xi32, #tpu.memory_space<hbm>> -> memref<1x128xi32, #tpu.memory_space<hbm>>
        %dma_start3A_601 = tpu.memref_squeeze %dma_start3A_600 : memref<1x128xi32, #tpu.memory_space<hbm>> -> memref<128xi32, #tpu.memory_space<hbm>>
        %dma_start3A_602 = arith.constant 0 : i32
        %dma_start3A_603 = tpu.memref_slice %arg6[%sub3A_593, %dma_start3A_602] : memref<2x128xi32, #tpu.memory_space<vmem>> -> memref<1x128xi32, #tpu.memory_space<vmem>>
        %dma_start3A_604 = tpu.memref_squeeze %dma_start3A_603 : memref<1x128xi32, #tpu.memory_space<vmem>> -> memref<128xi32, #tpu.memory_space<vmem>>
        %dma_start3A_605 = tpu.memref_slice %arg3[%dma_start3A_596, %mul3A_595] : memref<2x320000xi32, #tpu.memory_space<hbm>> -> memref<1x128xi32, #tpu.memory_space<hbm>>
        %dma_start3A_606 = tpu.memref_squeeze %dma_start3A_605 : memref<1x128xi32, #tpu.memory_space<hbm>> -> memref<128xi32, #tpu.memory_space<hbm>>
        tpu.enqueue_dma source(%dma_start3A_606 : memref<128xi32, #tpu.memory_space<hbm>>) target(%dma_start3A_604 : memref<128xi32, #tpu.memory_space<vmem>>) target_semaphore(%arg13 : memref<!tpu.dma_semaphore, #tpu.memory_space<semaphore_mem>>)
        %mul3A_607 = arith.constant 128 : i32
        %mul3A_608 = arith.muli %add3A_591, %mul3A_607 : i32
        %dma_start3A_609 = arith.constant 0 : i32
        %dma_start3A_610 = arith.constant 0 : i32
        %dma_start3A_611 = tpu.memref_slice %arg9[%sub3A_593, %dma_start3A_609, %dma_start3A_610] : memref<2x16x128xf32, #tpu.memory_space<vmem>> -> memref<1x16x128xf32, #tpu.memory_space<vmem>>
        %dma_start3A_612 = tpu.memref_squeeze %dma_start3A_611 : memref<1x16x128xf32, #tpu.memory_space<vmem>> -> memref<16x128xf32, #tpu.memory_space<vmem>>
        %dma_start3A_613 = arith.constant 0 : i32
        %dma_start3A_614 = tpu.memref_slice %arg2[%dma_start3A_613, %mul3A_608] : memref<16x320000xf32, #tpu.memory_space<hbm>> -> memref<16x128xf32, #tpu.memory_space<hbm>>
        %dma_start3A_615 = arith.constant 0 : i32
        %dma_start3A_616 = arith.constant 0 : i32
        %dma_start3A_617 = tpu.memref_slice %arg9[%sub3A_593, %dma_start3A_615, %dma_start3A_616] : memref<2x16x128xf32, #tpu.memory_space<vmem>> -> memref<1x16x128xf32, #tpu.memory_space<vmem>>
        %dma_start3A_618 = tpu.memref_squeeze %dma_start3A_617 : memref<1x16x128xf32, #tpu.memory_space<vmem>> -> memref<16x128xf32, #tpu.memory_space<vmem>>
        %dma_start3A_619 = arith.constant 0 : i32
        %dma_start3A_620 = tpu.memref_slice %arg2[%dma_start3A_619, %mul3A_608] : memref<16x320000xf32, #tpu.memory_space<hbm>> -> memref<16x128xf32, #tpu.memory_space<hbm>>
        tpu.enqueue_dma source(%dma_start3A_620 : memref<16x128xf32, #tpu.memory_space<hbm>>) target(%dma_start3A_618 : memref<16x128xf32, #tpu.memory_space<vmem>>) target_semaphore(%arg14 : memref<!tpu.dma_semaphore, #tpu.memory_space<semaphore_mem>>)
      } else {
      }
      %dma_start3A_163 = arith.constant 0 : i32
      %dma_start3A_164 = arith.constant 0 : i32
      %dma_start3A_165 = arith.constant 0 : i32
      %dma_start3A_166 = tpu.memref_slice %arg9[%rem3A_132, %dma_start3A_163, %dma_start3A_165] : memref<2x16x128xf32, #tpu.memory_space<vmem>> -> memref<1x1x128xf32, #tpu.memory_space<vmem>>
      %dma_start3A_167 = tpu.memref_squeeze %dma_start3A_166 : memref<1x1x128xf32, #tpu.memory_space<vmem>> -> memref<128xf32, #tpu.memory_space<vmem>>
      %dma_start3A_168 = arith.constant 0 : i32
      %dma_start3A_169 = tpu.memref_slice %arg6[%rem3A_132, %dma_start3A_168] : memref<2x128xi32, #tpu.memory_space<vmem>> -> memref<1x128xi32, #tpu.memory_space<vmem>>
      %dma_start3A_170 = tpu.memref_squeeze %dma_start3A_169 : memref<1x128xi32, #tpu.memory_space<vmem>> -> memref<128xi32, #tpu.memory_space<vmem>>
      %dma_start3A_171 = arith.constant 0 : i32
      %dma_start3A_172 = tpu.memref_slice %arg10[%dma_start3A_164, %dma_start3A_171] : memref<16x10240xf32, #tpu.memory_space<vmem_shared>> -> memref<1x10240xf32, #tpu.memory_space<vmem_shared>>
      %dma_start3A_173 = tpu.memref_squeeze %dma_start3A_172 : memref<1x10240xf32, #tpu.memory_space<vmem_shared>> -> memref<10240xf32, #tpu.memory_space<vmem_shared>>
      %dma_start3A_174 = arith.constant 0 : i32
      %dma_start3A_175 = tpu.memref_slice %dma_start3A_173[%dma_start3A_174] : memref<10240xf32, #tpu.memory_space<vmem_shared>> -> memref<10240xf32, #tpu.memory_space<vmem_shared>>
      tpu.enqueue_indirect_dma source(%dma_start3A_167 : memref<128xf32, #tpu.memory_space<vmem>>) target(%dma_start3A_175 : memref<10240xf32, #tpu.memory_space<vmem_shared>>) offsets(%dma_start3A_170 : memref<128xi32, #tpu.memory_space<vmem>>) semaphore(%arg12 : memref<!tpu.dma_semaphore, #tpu.memory_space<semaphore_mem>>) {add = true}
      %dma_start3A_176 = arith.constant 1 : i32
      %dma_start3A_177 = arith.constant 1 : i32
      %dma_start3A_178 = arith.constant 0 : i32
      %dma_start3A_179 = tpu.memref_slice %arg9[%rem3A_132, %dma_start3A_176, %dma_start3A_178] : memref<2x16x128xf32, #tpu.memory_space<vmem>> -> memref<1x1x128xf32, #tpu.memory_space<vmem>>
      %dma_start3A_180 = tpu.memref_squeeze %dma_start3A_179 : memref<1x1x128xf32, #tpu.memory_space<vmem>> -> memref<128xf32, #tpu.memory_space<vmem>>
      %dma_start3A_181 = arith.constant 0 : i32
      %dma_start3A_182 = tpu.memref_slice %arg6[%rem3A_132, %dma_start3A_181] : memref<2x128xi32, #tpu.memory_space<vmem>> -> memref<1x128xi32, #tpu.memory_space<vmem>>
      %dma_start3A_183 = tpu.memref_squeeze %dma_start3A_182 : memref<1x128xi32, #tpu.memory_space<vmem>> -> memref<128xi32, #tpu.memory_space<vmem>>
      %dma_start3A_184 = arith.constant 0 : i32
      %dma_start3A_185 = tpu.memref_slice %arg10[%dma_start3A_177, %dma_start3A_184] : memref<16x10240xf32, #tpu.memory_space<vmem_shared>> -> memref<1x10240xf32, #tpu.memory_space<vmem_shared>>
      %dma_start3A_186 = tpu.memref_squeeze %dma_start3A_185 : memref<1x10240xf32, #tpu.memory_space<vmem_shared>> -> memref<10240xf32, #tpu.memory_space<vmem_shared>>
      %dma_start3A_187 = arith.constant 0 : i32
      %dma_start3A_188 = tpu.memref_slice %dma_start3A_186[%dma_start3A_187] : memref<10240xf32, #tpu.memory_space<vmem_shared>> -> memref<10240xf32, #tpu.memory_space<vmem_shared>>
      tpu.enqueue_indirect_dma source(%dma_start3A_180 : memref<128xf32, #tpu.memory_space<vmem>>) target(%dma_start3A_188 : memref<10240xf32, #tpu.memory_space<vmem_shared>>) offsets(%dma_start3A_183 : memref<128xi32, #tpu.memory_space<vmem>>) semaphore(%arg12 : memref<!tpu.dma_semaphore, #tpu.memory_space<semaphore_mem>>) {add = true}
      %dma_start3A_189 = arith.constant 2 : i32
      %dma_start3A_190 = arith.constant 2 : i32
      %dma_start3A_191 = arith.constant 0 : i32
      %dma_start3A_192 = tpu.memref_slice %arg9[%rem3A_132, %dma_start3A_189, %dma_start3A_191] : memref<2x16x128xf32, #tpu.memory_space<vmem>> -> memref<1x1x128xf32, #tpu.memory_space<vmem>>
      %dma_start3A_193 = tpu.memref_squeeze %dma_start3A_192 : memref<1x1x128xf32, #tpu.memory_space<vmem>> -> memref<128xf32, #tpu.memory_space<vmem>>
      %dma_start3A_194 = arith.constant 0 : i32
      %dma_start3A_195 = tpu.memref_slice %arg6[%rem3A_132, %dma_start3A_194] : memref<2x128xi32, #tpu.memory_space<vmem>> -> memref<1x128xi32, #tpu.memory_space<vmem>>
      %dma_start3A_196 = tpu.memref_squeeze %dma_start3A_195 : memref<1x128xi32, #tpu.memory_space<vmem>> -> memref<128xi32, #tpu.memory_space<vmem>>
      %dma_start3A_197 = arith.constant 0 : i32
      %dma_start3A_198 = tpu.memref_slice %arg10[%dma_start3A_190, %dma_start3A_197] : memref<16x10240xf32, #tpu.memory_space<vmem_shared>> -> memref<1x10240xf32, #tpu.memory_space<vmem_shared>>
      %dma_start3A_199 = tpu.memref_squeeze %dma_start3A_198 : memref<1x10240xf32, #tpu.memory_space<vmem_shared>> -> memref<10240xf32, #tpu.memory_space<vmem_shared>>
      %dma_start3A_200 = arith.constant 0 : i32
      %dma_start3A_201 = tpu.memref_slice %dma_start3A_199[%dma_start3A_200] : memref<10240xf32, #tpu.memory_space<vmem_shared>> -> memref<10240xf32, #tpu.memory_space<vmem_shared>>
      tpu.enqueue_indirect_dma source(%dma_start3A_193 : memref<128xf32, #tpu.memory_space<vmem>>) target(%dma_start3A_201 : memref<10240xf32, #tpu.memory_space<vmem_shared>>) offsets(%dma_start3A_196 : memref<128xi32, #tpu.memory_space<vmem>>) semaphore(%arg12 : memref<!tpu.dma_semaphore, #tpu.memory_space<semaphore_mem>>) {add = true}
      %dma_start3A_202 = arith.constant 3 : i32
      %dma_start3A_203 = arith.constant 3 : i32
      %dma_start3A_204 = arith.constant 0 : i32
      %dma_start3A_205 = tpu.memref_slice %arg9[%rem3A_132, %dma_start3A_202, %dma_start3A_204] : memref<2x16x128xf32, #tpu.memory_space<vmem>> -> memref<1x1x128xf32, #tpu.memory_space<vmem>>
      %dma_start3A_206 = tpu.memref_squeeze %dma_start3A_205 : memref<1x1x128xf32, #tpu.memory_space<vmem>> -> memref<128xf32, #tpu.memory_space<vmem>>
      %dma_start3A_207 = arith.constant 0 : i32
      %dma_start3A_208 = tpu.memref_slice %arg6[%rem3A_132, %dma_start3A_207] : memref<2x128xi32, #tpu.memory_space<vmem>> -> memref<1x128xi32, #tpu.memory_space<vmem>>
      %dma_start3A_209 = tpu.memref_squeeze %dma_start3A_208 : memref<1x128xi32, #tpu.memory_space<vmem>> -> memref<128xi32, #tpu.memory_space<vmem>>
      %dma_start3A_210 = arith.constant 0 : i32
      %dma_start3A_211 = tpu.memref_slice %arg10[%dma_start3A_203, %dma_start3A_210] : memref<16x10240xf32, #tpu.memory_space<vmem_shared>> -> memref<1x10240xf32, #tpu.memory_space<vmem_shared>>
      %dma_start3A_212 = tpu.memref_squeeze %dma_start3A_211 : memref<1x10240xf32, #tpu.memory_space<vmem_shared>> -> memref<10240xf32, #tpu.memory_space<vmem_shared>>
      %dma_start3A_213 = arith.constant 0 : i32
      %dma_start3A_214 = tpu.memref_slice %dma_start3A_212[%dma_start3A_213] : memref<10240xf32, #tpu.memory_space<vmem_shared>> -> memref<10240xf32, #tpu.memory_space<vmem_shared>>
      tpu.enqueue_indirect_dma source(%dma_start3A_206 : memref<128xf32, #tpu.memory_space<vmem>>) target(%dma_start3A_214 : memref<10240xf32, #tpu.memory_space<vmem_shared>>) offsets(%dma_start3A_209 : memref<128xi32, #tpu.memory_space<vmem>>) semaphore(%arg12 : memref<!tpu.dma_semaphore, #tpu.memory_space<semaphore_mem>>) {add = true}
      %dma_start3A_215 = arith.constant 4 : i32
      %dma_start3A_216 = arith.constant 4 : i32
      %dma_start3A_217 = arith.constant 0 : i32
      %dma_start3A_218 = tpu.memref_slice %arg9[%rem3A_132, %dma_start3A_215, %dma_start3A_217] : memref<2x16x128xf32, #tpu.memory_space<vmem>> -> memref<1x1x128xf32, #tpu.memory_space<vmem>>
      %dma_start3A_219 = tpu.memref_squeeze %dma_start3A_218 : memref<1x1x128xf32, #tpu.memory_space<vmem>> -> memref<128xf32, #tpu.memory_space<vmem>>
      %dma_start3A_220 = arith.constant 0 : i32
      %dma_start3A_221 = tpu.memref_slice %arg6[%rem3A_132, %dma_start3A_220] : memref<2x128xi32, #tpu.memory_space<vmem>> -> memref<1x128xi32, #tpu.memory_space<vmem>>
      %dma_start3A_222 = tpu.memref_squeeze %dma_start3A_221 : memref<1x128xi32, #tpu.memory_space<vmem>> -> memref<128xi32, #tpu.memory_space<vmem>>
      %dma_start3A_223 = arith.constant 0 : i32
      %dma_start3A_224 = tpu.memref_slice %arg10[%dma_start3A_216, %dma_start3A_223] : memref<16x10240xf32, #tpu.memory_space<vmem_shared>> -> memref<1x10240xf32, #tpu.memory_space<vmem_shared>>
      %dma_start3A_225 = tpu.memref_squeeze %dma_start3A_224 : memref<1x10240xf32, #tpu.memory_space<vmem_shared>> -> memref<10240xf32, #tpu.memory_space<vmem_shared>>
      %dma_start3A_226 = arith.constant 0 : i32
      %dma_start3A_227 = tpu.memref_slice %dma_start3A_225[%dma_start3A_226] : memref<10240xf32, #tpu.memory_space<vmem_shared>> -> memref<10240xf32, #tpu.memory_space<vmem_shared>>
      tpu.enqueue_indirect_dma source(%dma_start3A_219 : memref<128xf32, #tpu.memory_space<vmem>>) target(%dma_start3A_227 : memref<10240xf32, #tpu.memory_space<vmem_shared>>) offsets(%dma_start3A_222 : memref<128xi32, #tpu.memory_space<vmem>>) semaphore(%arg12 : memref<!tpu.dma_semaphore, #tpu.memory_space<semaphore_mem>>) {add = true}
      %dma_start3A_228 = arith.constant 5 : i32
      %dma_start3A_229 = arith.constant 5 : i32
      %dma_start3A_230 = arith.constant 0 : i32
      %dma_start3A_231 = tpu.memref_slice %arg9[%rem3A_132, %dma_start3A_228, %dma_start3A_230] : memref<2x16x128xf32, #tpu.memory_space<vmem>> -> memref<1x1x128xf32, #tpu.memory_space<vmem>>
      %dma_start3A_232 = tpu.memref_squeeze %dma_start3A_231 : memref<1x1x128xf32, #tpu.memory_space<vmem>> -> memref<128xf32, #tpu.memory_space<vmem>>
      %dma_start3A_233 = arith.constant 0 : i32
      %dma_start3A_234 = tpu.memref_slice %arg6[%rem3A_132, %dma_start3A_233] : memref<2x128xi32, #tpu.memory_space<vmem>> -> memref<1x128xi32, #tpu.memory_space<vmem>>
      %dma_start3A_235 = tpu.memref_squeeze %dma_start3A_234 : memref<1x128xi32, #tpu.memory_space<vmem>> -> memref<128xi32, #tpu.memory_space<vmem>>
      %dma_start3A_236 = arith.constant 0 : i32
      %dma_start3A_237 = tpu.memref_slice %arg10[%dma_start3A_229, %dma_start3A_236] : memref<16x10240xf32, #tpu.memory_space<vmem_shared>> -> memref<1x10240xf32, #tpu.memory_space<vmem_shared>>
      %dma_start3A_238 = tpu.memref_squeeze %dma_start3A_237 : memref<1x10240xf32, #tpu.memory_space<vmem_shared>> -> memref<10240xf32, #tpu.memory_space<vmem_shared>>
      %dma_start3A_239 = arith.constant 0 : i32
      %dma_start3A_240 = tpu.memref_slice %dma_start3A_238[%dma_start3A_239] : memref<10240xf32, #tpu.memory_space<vmem_shared>> -> memref<10240xf32, #tpu.memory_space<vmem_shared>>
      tpu.enqueue_indirect_dma source(%dma_start3A_232 : memref<128xf32, #tpu.memory_space<vmem>>) target(%dma_start3A_240 : memref<10240xf32, #tpu.memory_space<vmem_shared>>) offsets(%dma_start3A_235 : memref<128xi32, #tpu.memory_space<vmem>>) semaphore(%arg12 : memref<!tpu.dma_semaphore, #tpu.memory_space<semaphore_mem>>) {add = true}
      %dma_start3A_241 = arith.constant 6 : i32
      %dma_start3A_242 = arith.constant 6 : i32
      %dma_start3A_243 = arith.constant 0 : i32
      %dma_start3A_244 = tpu.memref_slice %arg9[%rem3A_132, %dma_start3A_241, %dma_start3A_243] : memref<2x16x128xf32, #tpu.memory_space<vmem>> -> memref<1x1x128xf32, #tpu.memory_space<vmem>>
      %dma_start3A_245 = tpu.memref_squeeze %dma_start3A_244 : memref<1x1x128xf32, #tpu.memory_space<vmem>> -> memref<128xf32, #tpu.memory_space<vmem>>
      %dma_start3A_246 = arith.constant 0 : i32
      %dma_start3A_247 = tpu.memref_slice %arg6[%rem3A_132, %dma_start3A_246] : memref<2x128xi32, #tpu.memory_space<vmem>> -> memref<1x128xi32, #tpu.memory_space<vmem>>
      %dma_start3A_248 = tpu.memref_squeeze %dma_start3A_247 : memref<1x128xi32, #tpu.memory_space<vmem>> -> memref<128xi32, #tpu.memory_space<vmem>>
      %dma_start3A_249 = arith.constant 0 : i32
      %dma_start3A_250 = tpu.memref_slice %arg10[%dma_start3A_242, %dma_start3A_249] : memref<16x10240xf32, #tpu.memory_space<vmem_shared>> -> memref<1x10240xf32, #tpu.memory_space<vmem_shared>>
      %dma_start3A_251 = tpu.memref_squeeze %dma_start3A_250 : memref<1x10240xf32, #tpu.memory_space<vmem_shared>> -> memref<10240xf32, #tpu.memory_space<vmem_shared>>
      %dma_start3A_252 = arith.constant 0 : i32
      %dma_start3A_253 = tpu.memref_slice %dma_start3A_251[%dma_start3A_252] : memref<10240xf32, #tpu.memory_space<vmem_shared>> -> memref<10240xf32, #tpu.memory_space<vmem_shared>>
      tpu.enqueue_indirect_dma source(%dma_start3A_245 : memref<128xf32, #tpu.memory_space<vmem>>) target(%dma_start3A_253 : memref<10240xf32, #tpu.memory_space<vmem_shared>>) offsets(%dma_start3A_248 : memref<128xi32, #tpu.memory_space<vmem>>) semaphore(%arg12 : memref<!tpu.dma_semaphore, #tpu.memory_space<semaphore_mem>>) {add = true}
      %dma_start3A_254 = arith.constant 7 : i32
      %dma_start3A_255 = arith.constant 7 : i32
      %dma_start3A_256 = arith.constant 0 : i32
      %dma_start3A_257 = tpu.memref_slice %arg9[%rem3A_132, %dma_start3A_254, %dma_start3A_256] : memref<2x16x128xf32, #tpu.memory_space<vmem>> -> memref<1x1x128xf32, #tpu.memory_space<vmem>>
      %dma_start3A_258 = tpu.memref_squeeze %dma_start3A_257 : memref<1x1x128xf32, #tpu.memory_space<vmem>> -> memref<128xf32, #tpu.memory_space<vmem>>
      %dma_start3A_259 = arith.constant 0 : i32
      %dma_start3A_260 = tpu.memref_slice %arg6[%rem3A_132, %dma_start3A_259] : memref<2x128xi32, #tpu.memory_space<vmem>> -> memref<1x128xi32, #tpu.memory_space<vmem>>
      %dma_start3A_261 = tpu.memref_squeeze %dma_start3A_260 : memref<1x128xi32, #tpu.memory_space<vmem>> -> memref<128xi32, #tpu.memory_space<vmem>>
      %dma_start3A_262 = arith.constant 0 : i32
      %dma_start3A_263 = tpu.memref_slice %arg10[%dma_start3A_255, %dma_start3A_262] : memref<16x10240xf32, #tpu.memory_space<vmem_shared>> -> memref<1x10240xf32, #tpu.memory_space<vmem_shared>>
      %dma_start3A_264 = tpu.memref_squeeze %dma_start3A_263 : memref<1x10240xf32, #tpu.memory_space<vmem_shared>> -> memref<10240xf32, #tpu.memory_space<vmem_shared>>
      %dma_start3A_265 = arith.constant 0 : i32
      %dma_start3A_266 = tpu.memref_slice %dma_start3A_264[%dma_start3A_265] : memref<10240xf32, #tpu.memory_space<vmem_shared>> -> memref<10240xf32, #tpu.memory_space<vmem_shared>>
      tpu.enqueue_indirect_dma source(%dma_start3A_258 : memref<128xf32, #tpu.memory_space<vmem>>) target(%dma_start3A_266 : memref<10240xf32, #tpu.memory_space<vmem_shared>>) offsets(%dma_start3A_261 : memref<128xi32, #tpu.memory_space<vmem>>) semaphore(%arg12 : memref<!tpu.dma_semaphore, #tpu.memory_space<semaphore_mem>>) {add = true}
      %dma_start3A_267 = arith.constant 8 : i32
      %dma_start3A_268 = arith.constant 8 : i32
      %dma_start3A_269 = arith.constant 0 : i32
      %dma_start3A_270 = tpu.memref_slice %arg9[%rem3A_132, %dma_start3A_267, %dma_start3A_269] : memref<2x16x128xf32, #tpu.memory_space<vmem>> -> memref<1x1x128xf32, #tpu.memory_space<vmem>>
      %dma_start3A_271 = tpu.memref_squeeze %dma_start3A_270 : memref<1x1x128xf32, #tpu.memory_space<vmem>> -> memref<128xf32, #tpu.memory_space<vmem>>
      %dma_start3A_272 = arith.constant 0 : i32
      %dma_start3A_273 = tpu.memref_slice %arg6[%rem3A_132, %dma_start3A_272] : memref<2x128xi32, #tpu.memory_space<vmem>> -> memref<1x128xi32, #tpu.memory_space<vmem>>
      %dma_start3A_274 = tpu.memref_squeeze %dma_start3A_273 : memref<1x128xi32, #tpu.memory_space<vmem>> -> memref<128xi32, #tpu.memory_space<vmem>>
      %dma_start3A_275 = arith.constant 0 : i32
      %dma_start3A_276 = tpu.memref_slice %arg10[%dma_start3A_268, %dma_start3A_275] : memref<16x10240xf32, #tpu.memory_space<vmem_shared>> -> memref<1x10240xf32, #tpu.memory_space<vmem_shared>>
      %dma_start3A_277 = tpu.memref_squeeze %dma_start3A_276 : memref<1x10240xf32, #tpu.memory_space<vmem_shared>> -> memref<10240xf32, #tpu.memory_space<vmem_shared>>
      %dma_start3A_278 = arith.constant 0 : i32
      %dma_start3A_279 = tpu.memref_slice %dma_start3A_277[%dma_start3A_278] : memref<10240xf32, #tpu.memory_space<vmem_shared>> -> memref<10240xf32, #tpu.memory_space<vmem_shared>>
      tpu.enqueue_indirect_dma source(%dma_start3A_271 : memref<128xf32, #tpu.memory_space<vmem>>) target(%dma_start3A_279 : memref<10240xf32, #tpu.memory_space<vmem_shared>>) offsets(%dma_start3A_274 : memref<128xi32, #tpu.memory_space<vmem>>) semaphore(%arg12 : memref<!tpu.dma_semaphore, #tpu.memory_space<semaphore_mem>>) {add = true}
      %dma_start3A_280 = arith.constant 9 : i32
      %dma_start3A_281 = arith.constant 9 : i32
      %dma_start3A_282 = arith.constant 0 : i32
      %dma_start3A_283 = tpu.memref_slice %arg9[%rem3A_132, %dma_start3A_280, %dma_start3A_282] : memref<2x16x128xf32, #tpu.memory_space<vmem>> -> memref<1x1x128xf32, #tpu.memory_space<vmem>>
      %dma_start3A_284 = tpu.memref_squeeze %dma_start3A_283 : memref<1x1x128xf32, #tpu.memory_space<vmem>> -> memref<128xf32, #tpu.memory_space<vmem>>
      %dma_start3A_285 = arith.constant 0 : i32
      %dma_start3A_286 = tpu.memref_slice %arg6[%rem3A_132, %dma_start3A_285] : memref<2x128xi32, #tpu.memory_space<vmem>> -> memref<1x128xi32, #tpu.memory_space<vmem>>
      %dma_start3A_287 = tpu.memref_squeeze %dma_start3A_286 : memref<1x128xi32, #tpu.memory_space<vmem>> -> memref<128xi32, #tpu.memory_space<vmem>>
      %dma_start3A_288 = arith.constant 0 : i32
      %dma_start3A_289 = tpu.memref_slice %arg10[%dma_start3A_281, %dma_start3A_288] : memref<16x10240xf32, #tpu.memory_space<vmem_shared>> -> memref<1x10240xf32, #tpu.memory_space<vmem_shared>>
      %dma_start3A_290 = tpu.memref_squeeze %dma_start3A_289 : memref<1x10240xf32, #tpu.memory_space<vmem_shared>> -> memref<10240xf32, #tpu.memory_space<vmem_shared>>
      %dma_start3A_291 = arith.constant 0 : i32
      %dma_start3A_292 = tpu.memref_slice %dma_start3A_290[%dma_start3A_291] : memref<10240xf32, #tpu.memory_space<vmem_shared>> -> memref<10240xf32, #tpu.memory_space<vmem_shared>>
      tpu.enqueue_indirect_dma source(%dma_start3A_284 : memref<128xf32, #tpu.memory_space<vmem>>) target(%dma_start3A_292 : memref<10240xf32, #tpu.memory_space<vmem_shared>>) offsets(%dma_start3A_287 : memref<128xi32, #tpu.memory_space<vmem>>) semaphore(%arg12 : memref<!tpu.dma_semaphore, #tpu.memory_space<semaphore_mem>>) {add = true}
      %dma_start3A_293 = arith.constant 10 : i32
      %dma_start3A_294 = arith.constant 10 : i32
      %dma_start3A_295 = arith.constant 0 : i32
      %dma_start3A_296 = tpu.memref_slice %arg9[%rem3A_132, %dma_start3A_293, %dma_start3A_295] : memref<2x16x128xf32, #tpu.memory_space<vmem>> -> memref<1x1x128xf32, #tpu.memory_space<vmem>>
      %dma_start3A_297 = tpu.memref_squeeze %dma_start3A_296 : memref<1x1x128xf32, #tpu.memory_space<vmem>> -> memref<128xf32, #tpu.memory_space<vmem>>
      %dma_start3A_298 = arith.constant 0 : i32
      %dma_start3A_299 = tpu.memref_slice %arg6[%rem3A_132, %dma_start3A_298] : memref<2x128xi32, #tpu.memory_space<vmem>> -> memref<1x128xi32, #tpu.memory_space<vmem>>
      %dma_start3A_300 = tpu.memref_squeeze %dma_start3A_299 : memref<1x128xi32, #tpu.memory_space<vmem>> -> memref<128xi32, #tpu.memory_space<vmem>>
      %dma_start3A_301 = arith.constant 0 : i32
      %dma_start3A_302 = tpu.memref_slice %arg10[%dma_start3A_294, %dma_start3A_301] : memref<16x10240xf32, #tpu.memory_space<vmem_shared>> -> memref<1x10240xf32, #tpu.memory_space<vmem_shared>>
      %dma_start3A_303 = tpu.memref_squeeze %dma_start3A_302 : memref<1x10240xf32, #tpu.memory_space<vmem_shared>> -> memref<10240xf32, #tpu.memory_space<vmem_shared>>
      %dma_start3A_304 = arith.constant 0 : i32
      %dma_start3A_305 = tpu.memref_slice %dma_start3A_303[%dma_start3A_304] : memref<10240xf32, #tpu.memory_space<vmem_shared>> -> memref<10240xf32, #tpu.memory_space<vmem_shared>>
      tpu.enqueue_indirect_dma source(%dma_start3A_297 : memref<128xf32, #tpu.memory_space<vmem>>) target(%dma_start3A_305 : memref<10240xf32, #tpu.memory_space<vmem_shared>>) offsets(%dma_start3A_300 : memref<128xi32, #tpu.memory_space<vmem>>) semaphore(%arg12 : memref<!tpu.dma_semaphore, #tpu.memory_space<semaphore_mem>>) {add = true}
      %dma_start3A_306 = arith.constant 11 : i32
      %dma_start3A_307 = arith.constant 11 : i32
      %dma_start3A_308 = arith.constant 0 : i32
      %dma_start3A_309 = tpu.memref_slice %arg9[%rem3A_132, %dma_start3A_306, %dma_start3A_308] : memref<2x16x128xf32, #tpu.memory_space<vmem>> -> memref<1x1x128xf32, #tpu.memory_space<vmem>>
      %dma_start3A_310 = tpu.memref_squeeze %dma_start3A_309 : memref<1x1x128xf32, #tpu.memory_space<vmem>> -> memref<128xf32, #tpu.memory_space<vmem>>
      %dma_start3A_311 = arith.constant 0 : i32
      %dma_start3A_312 = tpu.memref_slice %arg6[%rem3A_132, %dma_start3A_311] : memref<2x128xi32, #tpu.memory_space<vmem>> -> memref<1x128xi32, #tpu.memory_space<vmem>>
      %dma_start3A_313 = tpu.memref_squeeze %dma_start3A_312 : memref<1x128xi32, #tpu.memory_space<vmem>> -> memref<128xi32, #tpu.memory_space<vmem>>
      %dma_start3A_314 = arith.constant 0 : i32
      %dma_start3A_315 = tpu.memref_slice %arg10[%dma_start3A_307, %dma_start3A_314] : memref<16x10240xf32, #tpu.memory_space<vmem_shared>> -> memref<1x10240xf32, #tpu.memory_space<vmem_shared>>
      %dma_start3A_316 = tpu.memref_squeeze %dma_start3A_315 : memref<1x10240xf32, #tpu.memory_space<vmem_shared>> -> memref<10240xf32, #tpu.memory_space<vmem_shared>>
      %dma_start3A_317 = arith.constant 0 : i32
      %dma_start3A_318 = tpu.memref_slice %dma_start3A_316[%dma_start3A_317] : memref<10240xf32, #tpu.memory_space<vmem_shared>> -> memref<10240xf32, #tpu.memory_space<vmem_shared>>
      tpu.enqueue_indirect_dma source(%dma_start3A_310 : memref<128xf32, #tpu.memory_space<vmem>>) target(%dma_start3A_318 : memref<10240xf32, #tpu.memory_space<vmem_shared>>) offsets(%dma_start3A_313 : memref<128xi32, #tpu.memory_space<vmem>>) semaphore(%arg12 : memref<!tpu.dma_semaphore, #tpu.memory_space<semaphore_mem>>) {add = true}
      %dma_start3A_319 = arith.constant 12 : i32
      %dma_start3A_320 = arith.constant 12 : i32
      %dma_start3A_321 = arith.constant 0 : i32
      %dma_start3A_322 = tpu.memref_slice %arg9[%rem3A_132, %dma_start3A_319, %dma_start3A_321] : memref<2x16x128xf32, #tpu.memory_space<vmem>> -> memref<1x1x128xf32, #tpu.memory_space<vmem>>
      %dma_start3A_323 = tpu.memref_squeeze %dma_start3A_322 : memref<1x1x128xf32, #tpu.memory_space<vmem>> -> memref<128xf32, #tpu.memory_space<vmem>>
      %dma_start3A_324 = arith.constant 0 : i32
      %dma_start3A_325 = tpu.memref_slice %arg6[%rem3A_132, %dma_start3A_324] : memref<2x128xi32, #tpu.memory_space<vmem>> -> memref<1x128xi32, #tpu.memory_space<vmem>>
      %dma_start3A_326 = tpu.memref_squeeze %dma_start3A_325 : memref<1x128xi32, #tpu.memory_space<vmem>> -> memref<128xi32, #tpu.memory_space<vmem>>
      %dma_start3A_327 = arith.constant 0 : i32
      %dma_start3A_328 = tpu.memref_slice %arg10[%dma_start3A_320, %dma_start3A_327] : memref<16x10240xf32, #tpu.memory_space<vmem_shared>> -> memref<1x10240xf32, #tpu.memory_space<vmem_shared>>
      %dma_start3A_329 = tpu.memref_squeeze %dma_start3A_328 : memref<1x10240xf32, #tpu.memory_space<vmem_shared>> -> memref<10240xf32, #tpu.memory_space<vmem_shared>>
      %dma_start3A_330 = arith.constant 0 : i32
      %dma_start3A_331 = tpu.memref_slice %dma_start3A_329[%dma_start3A_330] : memref<10240xf32, #tpu.memory_space<vmem_shared>> -> memref<10240xf32, #tpu.memory_space<vmem_shared>>
      tpu.enqueue_indirect_dma source(%dma_start3A_323 : memref<128xf32, #tpu.memory_space<vmem>>) target(%dma_start3A_331 : memref<10240xf32, #tpu.memory_space<vmem_shared>>) offsets(%dma_start3A_326 : memref<128xi32, #tpu.memory_space<vmem>>) semaphore(%arg12 : memref<!tpu.dma_semaphore, #tpu.memory_space<semaphore_mem>>) {add = true}
      %dma_start3A_332 = arith.constant 13 : i32
      %dma_start3A_333 = arith.constant 13 : i32
      %dma_start3A_334 = arith.constant 0 : i32
      %dma_start3A_335 = tpu.memref_slice %arg9[%rem3A_132, %dma_start3A_332, %dma_start3A_334] : memref<2x16x128xf32, #tpu.memory_space<vmem>> -> memref<1x1x128xf32, #tpu.memory_space<vmem>>
      %dma_start3A_336 = tpu.memref_squeeze %dma_start3A_335 : memref<1x1x128xf32, #tpu.memory_space<vmem>> -> memref<128xf32, #tpu.memory_space<vmem>>
      %dma_start3A_337 = arith.constant 0 : i32
      %dma_start3A_338 = tpu.memref_slice %arg6[%rem3A_132, %dma_start3A_337] : memref<2x128xi32, #tpu.memory_space<vmem>> -> memref<1x128xi32, #tpu.memory_space<vmem>>
      %dma_start3A_339 = tpu.memref_squeeze %dma_start3A_338 : memref<1x128xi32, #tpu.memory_space<vmem>> -> memref<128xi32, #tpu.memory_space<vmem>>
      %dma_start3A_340 = arith.constant 0 : i32
      %dma_start3A_341 = tpu.memref_slice %arg10[%dma_start3A_333, %dma_start3A_340] : memref<16x10240xf32, #tpu.memory_space<vmem_shared>> -> memref<1x10240xf32, #tpu.memory_space<vmem_shared>>
      %dma_start3A_342 = tpu.memref_squeeze %dma_start3A_341 : memref<1x10240xf32, #tpu.memory_space<vmem_shared>> -> memref<10240xf32, #tpu.memory_space<vmem_shared>>
      %dma_start3A_343 = arith.constant 0 : i32
      %dma_start3A_344 = tpu.memref_slice %dma_start3A_342[%dma_start3A_343] : memref<10240xf32, #tpu.memory_space<vmem_shared>> -> memref<10240xf32, #tpu.memory_space<vmem_shared>>
      tpu.enqueue_indirect_dma source(%dma_start3A_336 : memref<128xf32, #tpu.memory_space<vmem>>) target(%dma_start3A_344 : memref<10240xf32, #tpu.memory_space<vmem_shared>>) offsets(%dma_start3A_339 : memref<128xi32, #tpu.memory_space<vmem>>) semaphore(%arg12 : memref<!tpu.dma_semaphore, #tpu.memory_space<semaphore_mem>>) {add = true}
      %dma_start3A_345 = arith.constant 14 : i32
      %dma_start3A_346 = arith.constant 14 : i32
      %dma_start3A_347 = arith.constant 0 : i32
      %dma_start3A_348 = tpu.memref_slice %arg9[%rem3A_132, %dma_start3A_345, %dma_start3A_347] : memref<2x16x128xf32, #tpu.memory_space<vmem>> -> memref<1x1x128xf32, #tpu.memory_space<vmem>>
      %dma_start3A_349 = tpu.memref_squeeze %dma_start3A_348 : memref<1x1x128xf32, #tpu.memory_space<vmem>> -> memref<128xf32, #tpu.memory_space<vmem>>
      %dma_start3A_350 = arith.constant 0 : i32
      %dma_start3A_351 = tpu.memref_slice %arg6[%rem3A_132, %dma_start3A_350] : memref<2x128xi32, #tpu.memory_space<vmem>> -> memref<1x128xi32, #tpu.memory_space<vmem>>
      %dma_start3A_352 = tpu.memref_squeeze %dma_start3A_351 : memref<1x128xi32, #tpu.memory_space<vmem>> -> memref<128xi32, #tpu.memory_space<vmem>>
      %dma_start3A_353 = arith.constant 0 : i32
      %dma_start3A_354 = tpu.memref_slice %arg10[%dma_start3A_346, %dma_start3A_353] : memref<16x10240xf32, #tpu.memory_space<vmem_shared>> -> memref<1x10240xf32, #tpu.memory_space<vmem_shared>>
      %dma_start3A_355 = tpu.memref_squeeze %dma_start3A_354 : memref<1x10240xf32, #tpu.memory_space<vmem_shared>> -> memref<10240xf32, #tpu.memory_space<vmem_shared>>
      %dma_start3A_356 = arith.constant 0 : i32
      %dma_start3A_357 = tpu.memref_slice %dma_start3A_355[%dma_start3A_356] : memref<10240xf32, #tpu.memory_space<vmem_shared>> -> memref<10240xf32, #tpu.memory_space<vmem_shared>>
      tpu.enqueue_indirect_dma source(%dma_start3A_349 : memref<128xf32, #tpu.memory_space<vmem>>) target(%dma_start3A_357 : memref<10240xf32, #tpu.memory_space<vmem_shared>>) offsets(%dma_start3A_352 : memref<128xi32, #tpu.memory_space<vmem>>) semaphore(%arg12 : memref<!tpu.dma_semaphore, #tpu.memory_space<semaphore_mem>>) {add = true}
      %dma_start3A_358 = arith.constant 15 : i32
      %dma_start3A_359 = arith.constant 15 : i32
      %dma_start3A_360 = arith.constant 0 : i32
      %dma_start3A_361 = tpu.memref_slice %arg9[%rem3A_132, %dma_start3A_358, %dma_start3A_360] : memref<2x16x128xf32, #tpu.memory_space<vmem>> -> memref<1x1x128xf32, #tpu.memory_space<vmem>>
      %dma_start3A_362 = tpu.memref_squeeze %dma_start3A_361 : memref<1x1x128xf32, #tpu.memory_space<vmem>> -> memref<128xf32, #tpu.memory_space<vmem>>
      %dma_start3A_363 = arith.constant 0 : i32
      %dma_start3A_364 = tpu.memref_slice %arg6[%rem3A_132, %dma_start3A_363] : memref<2x128xi32, #tpu.memory_space<vmem>> -> memref<1x128xi32, #tpu.memory_space<vmem>>
      %dma_start3A_365 = tpu.memref_squeeze %dma_start3A_364 : memref<1x128xi32, #tpu.memory_space<vmem>> -> memref<128xi32, #tpu.memory_space<vmem>>
      %dma_start3A_366 = arith.constant 0 : i32
      %dma_start3A_367 = tpu.memref_slice %arg10[%dma_start3A_359, %dma_start3A_366] : memref<16x10240xf32, #tpu.memory_space<vmem_shared>> -> memref<1x10240xf32, #tpu.memory_space<vmem_shared>>
      %dma_start3A_368 = tpu.memref_squeeze %dma_start3A_367 : memref<1x10240xf32, #tpu.memory_space<vmem_shared>> -> memref<10240xf32, #tpu.memory_space<vmem_shared>>
      %dma_start3A_369 = arith.constant 0 : i32
      %dma_start3A_370 = tpu.memref_slice %dma_start3A_368[%dma_start3A_369] : memref<10240xf32, #tpu.memory_space<vmem_shared>> -> memref<10240xf32, #tpu.memory_space<vmem_shared>>
      tpu.enqueue_indirect_dma source(%dma_start3A_362 : memref<128xf32, #tpu.memory_space<vmem>>) target(%dma_start3A_370 : memref<10240xf32, #tpu.memory_space<vmem_shared>>) offsets(%dma_start3A_365 : memref<128xi32, #tpu.memory_space<vmem>>) semaphore(%arg12 : memref<!tpu.dma_semaphore, #tpu.memory_space<semaphore_mem>>) {add = true}
      %dma_start3A_371 = arith.constant 0 : i32
      %dma_start3A_372 = tpu.memref_slice %arg6[%rem3A_132, %dma_start3A_371] : memref<2x128xi32, #tpu.memory_space<vmem>> -> memref<1x128xi32, #tpu.memory_space<vmem>>
      %dma_start3A_373 = tpu.memref_squeeze %dma_start3A_372 : memref<1x128xi32, #tpu.memory_space<vmem>> -> memref<128xi32, #tpu.memory_space<vmem>>
      %dma_start3A_374 = arith.constant 0 : i32
      %dma_start3A_375 = tpu.memref_slice %arg11[%dma_start3A_374] : memref<10240xf32, #tpu.memory_space<vmem_shared>> -> memref<10240xf32, #tpu.memory_space<vmem_shared>>
      tpu.enqueue_indirect_dma source(%arg7 : memref<128xf32, #tpu.memory_space<vmem>>) target(%dma_start3A_375 : memref<10240xf32, #tpu.memory_space<vmem_shared>>) offsets(%dma_start3A_373 : memref<128xi32, #tpu.memory_space<vmem>>) semaphore(%arg12 : memref<!tpu.dma_semaphore, #tpu.memory_space<semaphore_mem>>) {add = true}
      %dma_wait3A_376 = arith.constant 0 : i32
      %dma_wait3A_377 = arith.constant 0 : i32
      %dma_wait3A_378 = arith.constant 0 : i32
      %dma_wait3A_379 = tpu.memref_slice %arg9[%rem3A_132, %dma_wait3A_376, %dma_wait3A_378] : memref<2x16x128xf32, #tpu.memory_space<vmem>> -> memref<1x1x128xf32, #tpu.memory_space<vmem>>
      %dma_wait3A_380 = tpu.memref_squeeze %dma_wait3A_379 : memref<1x1x128xf32, #tpu.memory_space<vmem>> -> memref<128xf32, #tpu.memory_space<vmem>>
      %dma_wait3A_381 = arith.constant 0 : i32
      %dma_wait3A_382 = tpu.memref_slice %arg6[%rem3A_132, %dma_wait3A_381] : memref<2x128xi32, #tpu.memory_space<vmem>> -> memref<1x128xi32, #tpu.memory_space<vmem>>
      %dma_wait3A_383 = tpu.memref_squeeze %dma_wait3A_382 : memref<1x128xi32, #tpu.memory_space<vmem>> -> memref<128xi32, #tpu.memory_space<vmem>>
      %dma_wait3A_384 = arith.constant 0 : i32
      %dma_wait3A_385 = tpu.memref_slice %arg10[%dma_wait3A_377, %dma_wait3A_384] : memref<16x10240xf32, #tpu.memory_space<vmem_shared>> -> memref<1x10240xf32, #tpu.memory_space<vmem_shared>>
      %dma_wait3A_386 = tpu.memref_squeeze %dma_wait3A_385 : memref<1x10240xf32, #tpu.memory_space<vmem_shared>> -> memref<10240xf32, #tpu.memory_space<vmem_shared>>
      %dma_wait3A_387 = arith.constant 0 : i32
      %dma_wait3A_388 = tpu.memref_slice %dma_wait3A_386[%dma_wait3A_387] : memref<10240xf32, #tpu.memory_space<vmem_shared>> -> memref<10240xf32, #tpu.memory_space<vmem_shared>>
      tpu.wait_indirect_dma semaphore(%arg12 : memref<!tpu.dma_semaphore, #tpu.memory_space<semaphore_mem>>) src(%dma_wait3A_380 : memref<128xf32, #tpu.memory_space<vmem>>) dst(%dma_wait3A_388 : memref<10240xf32, #tpu.memory_space<vmem_shared>>)
      %dma_wait3A_389 = arith.constant 1 : i32
      %dma_wait3A_390 = arith.constant 1 : i32
      %dma_wait3A_391 = arith.constant 0 : i32
      %dma_wait3A_392 = tpu.memref_slice %arg9[%rem3A_132, %dma_wait3A_389, %dma_wait3A_391] : memref<2x16x128xf32, #tpu.memory_space<vmem>> -> memref<1x1x128xf32, #tpu.memory_space<vmem>>
      %dma_wait3A_393 = tpu.memref_squeeze %dma_wait3A_392 : memref<1x1x128xf32, #tpu.memory_space<vmem>> -> memref<128xf32, #tpu.memory_space<vmem>>
      %dma_wait3A_394 = arith.constant 0 : i32
      %dma_wait3A_395 = tpu.memref_slice %arg6[%rem3A_132, %dma_wait3A_394] : memref<2x128xi32, #tpu.memory_space<vmem>> -> memref<1x128xi32, #tpu.memory_space<vmem>>
      %dma_wait3A_396 = tpu.memref_squeeze %dma_wait3A_395 : memref<1x128xi32, #tpu.memory_space<vmem>> -> memref<128xi32, #tpu.memory_space<vmem>>
      %dma_wait3A_397 = arith.constant 0 : i32
      %dma_wait3A_398 = tpu.memref_slice %arg10[%dma_wait3A_390, %dma_wait3A_397] : memref<16x10240xf32, #tpu.memory_space<vmem_shared>> -> memref<1x10240xf32, #tpu.memory_space<vmem_shared>>
      %dma_wait3A_399 = tpu.memref_squeeze %dma_wait3A_398 : memref<1x10240xf32, #tpu.memory_space<vmem_shared>> -> memref<10240xf32, #tpu.memory_space<vmem_shared>>
      %dma_wait3A_400 = arith.constant 0 : i32
      %dma_wait3A_401 = tpu.memref_slice %dma_wait3A_399[%dma_wait3A_400] : memref<10240xf32, #tpu.memory_space<vmem_shared>> -> memref<10240xf32, #tpu.memory_space<vmem_shared>>
      tpu.wait_indirect_dma semaphore(%arg12 : memref<!tpu.dma_semaphore, #tpu.memory_space<semaphore_mem>>) src(%dma_wait3A_393 : memref<128xf32, #tpu.memory_space<vmem>>) dst(%dma_wait3A_401 : memref<10240xf32, #tpu.memory_space<vmem_shared>>)
      %dma_wait3A_402 = arith.constant 2 : i32
      %dma_wait3A_403 = arith.constant 2 : i32
      %dma_wait3A_404 = arith.constant 0 : i32
      %dma_wait3A_405 = tpu.memref_slice %arg9[%rem3A_132, %dma_wait3A_402, %dma_wait3A_404] : memref<2x16x128xf32, #tpu.memory_space<vmem>> -> memref<1x1x128xf32, #tpu.memory_space<vmem>>
      %dma_wait3A_406 = tpu.memref_squeeze %dma_wait3A_405 : memref<1x1x128xf32, #tpu.memory_space<vmem>> -> memref<128xf32, #tpu.memory_space<vmem>>
      %dma_wait3A_407 = arith.constant 0 : i32
      %dma_wait3A_408 = tpu.memref_slice %arg6[%rem3A_132, %dma_wait3A_407] : memref<2x128xi32, #tpu.memory_space<vmem>> -> memref<1x128xi32, #tpu.memory_space<vmem>>
      %dma_wait3A_409 = tpu.memref_squeeze %dma_wait3A_408 : memref<1x128xi32, #tpu.memory_space<vmem>> -> memref<128xi32, #tpu.memory_space<vmem>>
      %dma_wait3A_410 = arith.constant 0 : i32
      %dma_wait3A_411 = tpu.memref_slice %arg10[%dma_wait3A_403, %dma_wait3A_410] : memref<16x10240xf32, #tpu.memory_space<vmem_shared>> -> memref<1x10240xf32, #tpu.memory_space<vmem_shared>>
      %dma_wait3A_412 = tpu.memref_squeeze %dma_wait3A_411 : memref<1x10240xf32, #tpu.memory_space<vmem_shared>> -> memref<10240xf32, #tpu.memory_space<vmem_shared>>
      %dma_wait3A_413 = arith.constant 0 : i32
      %dma_wait3A_414 = tpu.memref_slice %dma_wait3A_412[%dma_wait3A_413] : memref<10240xf32, #tpu.memory_space<vmem_shared>> -> memref<10240xf32, #tpu.memory_space<vmem_shared>>
      tpu.wait_indirect_dma semaphore(%arg12 : memref<!tpu.dma_semaphore, #tpu.memory_space<semaphore_mem>>) src(%dma_wait3A_406 : memref<128xf32, #tpu.memory_space<vmem>>) dst(%dma_wait3A_414 : memref<10240xf32, #tpu.memory_space<vmem_shared>>)
      %dma_wait3A_415 = arith.constant 3 : i32
      %dma_wait3A_416 = arith.constant 3 : i32
      %dma_wait3A_417 = arith.constant 0 : i32
      %dma_wait3A_418 = tpu.memref_slice %arg9[%rem3A_132, %dma_wait3A_415, %dma_wait3A_417] : memref<2x16x128xf32, #tpu.memory_space<vmem>> -> memref<1x1x128xf32, #tpu.memory_space<vmem>>
      %dma_wait3A_419 = tpu.memref_squeeze %dma_wait3A_418 : memref<1x1x128xf32, #tpu.memory_space<vmem>> -> memref<128xf32, #tpu.memory_space<vmem>>
      %dma_wait3A_420 = arith.constant 0 : i32
      %dma_wait3A_421 = tpu.memref_slice %arg6[%rem3A_132, %dma_wait3A_420] : memref<2x128xi32, #tpu.memory_space<vmem>> -> memref<1x128xi32, #tpu.memory_space<vmem>>
      %dma_wait3A_422 = tpu.memref_squeeze %dma_wait3A_421 : memref<1x128xi32, #tpu.memory_space<vmem>> -> memref<128xi32, #tpu.memory_space<vmem>>
      %dma_wait3A_423 = arith.constant 0 : i32
      %dma_wait3A_424 = tpu.memref_slice %arg10[%dma_wait3A_416, %dma_wait3A_423] : memref<16x10240xf32, #tpu.memory_space<vmem_shared>> -> memref<1x10240xf32, #tpu.memory_space<vmem_shared>>
      %dma_wait3A_425 = tpu.memref_squeeze %dma_wait3A_424 : memref<1x10240xf32, #tpu.memory_space<vmem_shared>> -> memref<10240xf32, #tpu.memory_space<vmem_shared>>
      %dma_wait3A_426 = arith.constant 0 : i32
      %dma_wait3A_427 = tpu.memref_slice %dma_wait3A_425[%dma_wait3A_426] : memref<10240xf32, #tpu.memory_space<vmem_shared>> -> memref<10240xf32, #tpu.memory_space<vmem_shared>>
      tpu.wait_indirect_dma semaphore(%arg12 : memref<!tpu.dma_semaphore, #tpu.memory_space<semaphore_mem>>) src(%dma_wait3A_419 : memref<128xf32, #tpu.memory_space<vmem>>) dst(%dma_wait3A_427 : memref<10240xf32, #tpu.memory_space<vmem_shared>>)
      %dma_wait3A_428 = arith.constant 4 : i32
      %dma_wait3A_429 = arith.constant 4 : i32
      %dma_wait3A_430 = arith.constant 0 : i32
      %dma_wait3A_431 = tpu.memref_slice %arg9[%rem3A_132, %dma_wait3A_428, %dma_wait3A_430] : memref<2x16x128xf32, #tpu.memory_space<vmem>> -> memref<1x1x128xf32, #tpu.memory_space<vmem>>
      %dma_wait3A_432 = tpu.memref_squeeze %dma_wait3A_431 : memref<1x1x128xf32, #tpu.memory_space<vmem>> -> memref<128xf32, #tpu.memory_space<vmem>>
      %dma_wait3A_433 = arith.constant 0 : i32
      %dma_wait3A_434 = tpu.memref_slice %arg6[%rem3A_132, %dma_wait3A_433] : memref<2x128xi32, #tpu.memory_space<vmem>> -> memref<1x128xi32, #tpu.memory_space<vmem>>
      %dma_wait3A_435 = tpu.memref_squeeze %dma_wait3A_434 : memref<1x128xi32, #tpu.memory_space<vmem>> -> memref<128xi32, #tpu.memory_space<vmem>>
      %dma_wait3A_436 = arith.constant 0 : i32
      %dma_wait3A_437 = tpu.memref_slice %arg10[%dma_wait3A_429, %dma_wait3A_436] : memref<16x10240xf32, #tpu.memory_space<vmem_shared>> -> memref<1x10240xf32, #tpu.memory_space<vmem_shared>>
      %dma_wait3A_438 = tpu.memref_squeeze %dma_wait3A_437 : memref<1x10240xf32, #tpu.memory_space<vmem_shared>> -> memref<10240xf32, #tpu.memory_space<vmem_shared>>
      %dma_wait3A_439 = arith.constant 0 : i32
      %dma_wait3A_440 = tpu.memref_slice %dma_wait3A_438[%dma_wait3A_439] : memref<10240xf32, #tpu.memory_space<vmem_shared>> -> memref<10240xf32, #tpu.memory_space<vmem_shared>>
      tpu.wait_indirect_dma semaphore(%arg12 : memref<!tpu.dma_semaphore, #tpu.memory_space<semaphore_mem>>) src(%dma_wait3A_432 : memref<128xf32, #tpu.memory_space<vmem>>) dst(%dma_wait3A_440 : memref<10240xf32, #tpu.memory_space<vmem_shared>>)
      %dma_wait3A_441 = arith.constant 5 : i32
      %dma_wait3A_442 = arith.constant 5 : i32
      %dma_wait3A_443 = arith.constant 0 : i32
      %dma_wait3A_444 = tpu.memref_slice %arg9[%rem3A_132, %dma_wait3A_441, %dma_wait3A_443] : memref<2x16x128xf32, #tpu.memory_space<vmem>> -> memref<1x1x128xf32, #tpu.memory_space<vmem>>
      %dma_wait3A_445 = tpu.memref_squeeze %dma_wait3A_444 : memref<1x1x128xf32, #tpu.memory_space<vmem>> -> memref<128xf32, #tpu.memory_space<vmem>>
      %dma_wait3A_446 = arith.constant 0 : i32
      %dma_wait3A_447 = tpu.memref_slice %arg6[%rem3A_132, %dma_wait3A_446] : memref<2x128xi32, #tpu.memory_space<vmem>> -> memref<1x128xi32, #tpu.memory_space<vmem>>
      %dma_wait3A_448 = tpu.memref_squeeze %dma_wait3A_447 : memref<1x128xi32, #tpu.memory_space<vmem>> -> memref<128xi32, #tpu.memory_space<vmem>>
      %dma_wait3A_449 = arith.constant 0 : i32
      %dma_wait3A_450 = tpu.memref_slice %arg10[%dma_wait3A_442, %dma_wait3A_449] : memref<16x10240xf32, #tpu.memory_space<vmem_shared>> -> memref<1x10240xf32, #tpu.memory_space<vmem_shared>>
      %dma_wait3A_451 = tpu.memref_squeeze %dma_wait3A_450 : memref<1x10240xf32, #tpu.memory_space<vmem_shared>> -> memref<10240xf32, #tpu.memory_space<vmem_shared>>
      %dma_wait3A_452 = arith.constant 0 : i32
      %dma_wait3A_453 = tpu.memref_slice %dma_wait3A_451[%dma_wait3A_452] : memref<10240xf32, #tpu.memory_space<vmem_shared>> -> memref<10240xf32, #tpu.memory_space<vmem_shared>>
      tpu.wait_indirect_dma semaphore(%arg12 : memref<!tpu.dma_semaphore, #tpu.memory_space<semaphore_mem>>) src(%dma_wait3A_445 : memref<128xf32, #tpu.memory_space<vmem>>) dst(%dma_wait3A_453 : memref<10240xf32, #tpu.memory_space<vmem_shared>>)
      %dma_wait3A_454 = arith.constant 6 : i32
      %dma_wait3A_455 = arith.constant 6 : i32
      %dma_wait3A_456 = arith.constant 0 : i32
      %dma_wait3A_457 = tpu.memref_slice %arg9[%rem3A_132, %dma_wait3A_454, %dma_wait3A_456] : memref<2x16x128xf32, #tpu.memory_space<vmem>> -> memref<1x1x128xf32, #tpu.memory_space<vmem>>
      %dma_wait3A_458 = tpu.memref_squeeze %dma_wait3A_457 : memref<1x1x128xf32, #tpu.memory_space<vmem>> -> memref<128xf32, #tpu.memory_space<vmem>>
      %dma_wait3A_459 = arith.constant 0 : i32
      %dma_wait3A_460 = tpu.memref_slice %arg6[%rem3A_132, %dma_wait3A_459] : memref<2x128xi32, #tpu.memory_space<vmem>> -> memref<1x128xi32, #tpu.memory_space<vmem>>
      %dma_wait3A_461 = tpu.memref_squeeze %dma_wait3A_460 : memref<1x128xi32, #tpu.memory_space<vmem>> -> memref<128xi32, #tpu.memory_space<vmem>>
      %dma_wait3A_462 = arith.constant 0 : i32
      %dma_wait3A_463 = tpu.memref_slice %arg10[%dma_wait3A_455, %dma_wait3A_462] : memref<16x10240xf32, #tpu.memory_space<vmem_shared>> -> memref<1x10240xf32, #tpu.memory_space<vmem_shared>>
      %dma_wait3A_464 = tpu.memref_squeeze %dma_wait3A_463 : memref<1x10240xf32, #tpu.memory_space<vmem_shared>> -> memref<10240xf32, #tpu.memory_space<vmem_shared>>
      %dma_wait3A_465 = arith.constant 0 : i32
      %dma_wait3A_466 = tpu.memref_slice %dma_wait3A_464[%dma_wait3A_465] : memref<10240xf32, #tpu.memory_space<vmem_shared>> -> memref<10240xf32, #tpu.memory_space<vmem_shared>>
      tpu.wait_indirect_dma semaphore(%arg12 : memref<!tpu.dma_semaphore, #tpu.memory_space<semaphore_mem>>) src(%dma_wait3A_458 : memref<128xf32, #tpu.memory_space<vmem>>) dst(%dma_wait3A_466 : memref<10240xf32, #tpu.memory_space<vmem_shared>>)
      %dma_wait3A_467 = arith.constant 7 : i32
      %dma_wait3A_468 = arith.constant 7 : i32
      %dma_wait3A_469 = arith.constant 0 : i32
      %dma_wait3A_470 = tpu.memref_slice %arg9[%rem3A_132, %dma_wait3A_467, %dma_wait3A_469] : memref<2x16x128xf32, #tpu.memory_space<vmem>> -> memref<1x1x128xf32, #tpu.memory_space<vmem>>
      %dma_wait3A_471 = tpu.memref_squeeze %dma_wait3A_470 : memref<1x1x128xf32, #tpu.memory_space<vmem>> -> memref<128xf32, #tpu.memory_space<vmem>>
      %dma_wait3A_472 = arith.constant 0 : i32
      %dma_wait3A_473 = tpu.memref_slice %arg6[%rem3A_132, %dma_wait3A_472] : memref<2x128xi32, #tpu.memory_space<vmem>> -> memref<1x128xi32, #tpu.memory_space<vmem>>
      %dma_wait3A_474 = tpu.memref_squeeze %dma_wait3A_473 : memref<1x128xi32, #tpu.memory_space<vmem>> -> memref<128xi32, #tpu.memory_space<vmem>>
      %dma_wait3A_475 = arith.constant 0 : i32
      %dma_wait3A_476 = tpu.memref_slice %arg10[%dma_wait3A_468, %dma_wait3A_475] : memref<16x10240xf32, #tpu.memory_space<vmem_shared>> -> memref<1x10240xf32, #tpu.memory_space<vmem_shared>>
      %dma_wait3A_477 = tpu.memref_squeeze %dma_wait3A_476 : memref<1x10240xf32, #tpu.memory_space<vmem_shared>> -> memref<10240xf32, #tpu.memory_space<vmem_shared>>
      %dma_wait3A_478 = arith.constant 0 : i32
      %dma_wait3A_479 = tpu.memref_slice %dma_wait3A_477[%dma_wait3A_478] : memref<10240xf32, #tpu.memory_space<vmem_shared>> -> memref<10240xf32, #tpu.memory_space<vmem_shared>>
      tpu.wait_indirect_dma semaphore(%arg12 : memref<!tpu.dma_semaphore, #tpu.memory_space<semaphore_mem>>) src(%dma_wait3A_471 : memref<128xf32, #tpu.memory_space<vmem>>) dst(%dma_wait3A_479 : memref<10240xf32, #tpu.memory_space<vmem_shared>>)
      %dma_wait3A_480 = arith.constant 8 : i32
      %dma_wait3A_481 = arith.constant 8 : i32
      %dma_wait3A_482 = arith.constant 0 : i32
      %dma_wait3A_483 = tpu.memref_slice %arg9[%rem3A_132, %dma_wait3A_480, %dma_wait3A_482] : memref<2x16x128xf32, #tpu.memory_space<vmem>> -> memref<1x1x128xf32, #tpu.memory_space<vmem>>
      %dma_wait3A_484 = tpu.memref_squeeze %dma_wait3A_483 : memref<1x1x128xf32, #tpu.memory_space<vmem>> -> memref<128xf32, #tpu.memory_space<vmem>>
      %dma_wait3A_485 = arith.constant 0 : i32
      %dma_wait3A_486 = tpu.memref_slice %arg6[%rem3A_132, %dma_wait3A_485] : memref<2x128xi32, #tpu.memory_space<vmem>> -> memref<1x128xi32, #tpu.memory_space<vmem>>
      %dma_wait3A_487 = tpu.memref_squeeze %dma_wait3A_486 : memref<1x128xi32, #tpu.memory_space<vmem>> -> memref<128xi32, #tpu.memory_space<vmem>>
      %dma_wait3A_488 = arith.constant 0 : i32
      %dma_wait3A_489 = tpu.memref_slice %arg10[%dma_wait3A_481, %dma_wait3A_488] : memref<16x10240xf32, #tpu.memory_space<vmem_shared>> -> memref<1x10240xf32, #tpu.memory_space<vmem_shared>>
      %dma_wait3A_490 = tpu.memref_squeeze %dma_wait3A_489 : memref<1x10240xf32, #tpu.memory_space<vmem_shared>> -> memref<10240xf32, #tpu.memory_space<vmem_shared>>
      %dma_wait3A_491 = arith.constant 0 : i32
      %dma_wait3A_492 = tpu.memref_slice %dma_wait3A_490[%dma_wait3A_491] : memref<10240xf32, #tpu.memory_space<vmem_shared>> -> memref<10240xf32, #tpu.memory_space<vmem_shared>>
      tpu.wait_indirect_dma semaphore(%arg12 : memref<!tpu.dma_semaphore, #tpu.memory_space<semaphore_mem>>) src(%dma_wait3A_484 : memref<128xf32, #tpu.memory_space<vmem>>) dst(%dma_wait3A_492 : memref<10240xf32, #tpu.memory_space<vmem_shared>>)
      %dma_wait3A_493 = arith.constant 9 : i32
      %dma_wait3A_494 = arith.constant 9 : i32
      %dma_wait3A_495 = arith.constant 0 : i32
      %dma_wait3A_496 = tpu.memref_slice %arg9[%rem3A_132, %dma_wait3A_493, %dma_wait3A_495] : memref<2x16x128xf32, #tpu.memory_space<vmem>> -> memref<1x1x128xf32, #tpu.memory_space<vmem>>
      %dma_wait3A_497 = tpu.memref_squeeze %dma_wait3A_496 : memref<1x1x128xf32, #tpu.memory_space<vmem>> -> memref<128xf32, #tpu.memory_space<vmem>>
      %dma_wait3A_498 = arith.constant 0 : i32
      %dma_wait3A_499 = tpu.memref_slice %arg6[%rem3A_132, %dma_wait3A_498] : memref<2x128xi32, #tpu.memory_space<vmem>> -> memref<1x128xi32, #tpu.memory_space<vmem>>
      %dma_wait3A_500 = tpu.memref_squeeze %dma_wait3A_499 : memref<1x128xi32, #tpu.memory_space<vmem>> -> memref<128xi32, #tpu.memory_space<vmem>>
      %dma_wait3A_501 = arith.constant 0 : i32
      %dma_wait3A_502 = tpu.memref_slice %arg10[%dma_wait3A_494, %dma_wait3A_501] : memref<16x10240xf32, #tpu.memory_space<vmem_shared>> -> memref<1x10240xf32, #tpu.memory_space<vmem_shared>>
      %dma_wait3A_503 = tpu.memref_squeeze %dma_wait3A_502 : memref<1x10240xf32, #tpu.memory_space<vmem_shared>> -> memref<10240xf32, #tpu.memory_space<vmem_shared>>
      %dma_wait3A_504 = arith.constant 0 : i32
      %dma_wait3A_505 = tpu.memref_slice %dma_wait3A_503[%dma_wait3A_504] : memref<10240xf32, #tpu.memory_space<vmem_shared>> -> memref<10240xf32, #tpu.memory_space<vmem_shared>>
      tpu.wait_indirect_dma semaphore(%arg12 : memref<!tpu.dma_semaphore, #tpu.memory_space<semaphore_mem>>) src(%dma_wait3A_497 : memref<128xf32, #tpu.memory_space<vmem>>) dst(%dma_wait3A_505 : memref<10240xf32, #tpu.memory_space<vmem_shared>>)
      %dma_wait3A_506 = arith.constant 10 : i32
      %dma_wait3A_507 = arith.constant 10 : i32
      %dma_wait3A_508 = arith.constant 0 : i32
      %dma_wait3A_509 = tpu.memref_slice %arg9[%rem3A_132, %dma_wait3A_506, %dma_wait3A_508] : memref<2x16x128xf32, #tpu.memory_space<vmem>> -> memref<1x1x128xf32, #tpu.memory_space<vmem>>
      %dma_wait3A_510 = tpu.memref_squeeze %dma_wait3A_509 : memref<1x1x128xf32, #tpu.memory_space<vmem>> -> memref<128xf32, #tpu.memory_space<vmem>>
      %dma_wait3A_511 = arith.constant 0 : i32
      %dma_wait3A_512 = tpu.memref_slice %arg6[%rem3A_132, %dma_wait3A_511] : memref<2x128xi32, #tpu.memory_space<vmem>> -> memref<1x128xi32, #tpu.memory_space<vmem>>
      %dma_wait3A_513 = tpu.memref_squeeze %dma_wait3A_512 : memref<1x128xi32, #tpu.memory_space<vmem>> -> memref<128xi32, #tpu.memory_space<vmem>>
      %dma_wait3A_514 = arith.constant 0 : i32
      %dma_wait3A_515 = tpu.memref_slice %arg10[%dma_wait3A_507, %dma_wait3A_514] : memref<16x10240xf32, #tpu.memory_space<vmem_shared>> -> memref<1x10240xf32, #tpu.memory_space<vmem_shared>>
      %dma_wait3A_516 = tpu.memref_squeeze %dma_wait3A_515 : memref<1x10240xf32, #tpu.memory_space<vmem_shared>> -> memref<10240xf32, #tpu.memory_space<vmem_shared>>
      %dma_wait3A_517 = arith.constant 0 : i32
      %dma_wait3A_518 = tpu.memref_slice %dma_wait3A_516[%dma_wait3A_517] : memref<10240xf32, #tpu.memory_space<vmem_shared>> -> memref<10240xf32, #tpu.memory_space<vmem_shared>>
      tpu.wait_indirect_dma semaphore(%arg12 : memref<!tpu.dma_semaphore, #tpu.memory_space<semaphore_mem>>) src(%dma_wait3A_510 : memref<128xf32, #tpu.memory_space<vmem>>) dst(%dma_wait3A_518 : memref<10240xf32, #tpu.memory_space<vmem_shared>>)
      %dma_wait3A_519 = arith.constant 11 : i32
      %dma_wait3A_520 = arith.constant 11 : i32
      %dma_wait3A_521 = arith.constant 0 : i32
      %dma_wait3A_522 = tpu.memref_slice %arg9[%rem3A_132, %dma_wait3A_519, %dma_wait3A_521] : memref<2x16x128xf32, #tpu.memory_space<vmem>> -> memref<1x1x128xf32, #tpu.memory_space<vmem>>
      %dma_wait3A_523 = tpu.memref_squeeze %dma_wait3A_522 : memref<1x1x128xf32, #tpu.memory_space<vmem>> -> memref<128xf32, #tpu.memory_space<vmem>>
      %dma_wait3A_524 = arith.constant 0 : i32
      %dma_wait3A_525 = tpu.memref_slice %arg6[%rem3A_132, %dma_wait3A_524] : memref<2x128xi32, #tpu.memory_space<vmem>> -> memref<1x128xi32, #tpu.memory_space<vmem>>
      %dma_wait3A_526 = tpu.memref_squeeze %dma_wait3A_525 : memref<1x128xi32, #tpu.memory_space<vmem>> -> memref<128xi32, #tpu.memory_space<vmem>>
      %dma_wait3A_527 = arith.constant 0 : i32
      %dma_wait3A_528 = tpu.memref_slice %arg10[%dma_wait3A_520, %dma_wait3A_527] : memref<16x10240xf32, #tpu.memory_space<vmem_shared>> -> memref<1x10240xf32, #tpu.memory_space<vmem_shared>>
      %dma_wait3A_529 = tpu.memref_squeeze %dma_wait3A_528 : memref<1x10240xf32, #tpu.memory_space<vmem_shared>> -> memref<10240xf32, #tpu.memory_space<vmem_shared>>
      %dma_wait3A_530 = arith.constant 0 : i32
      %dma_wait3A_531 = tpu.memref_slice %dma_wait3A_529[%dma_wait3A_530] : memref<10240xf32, #tpu.memory_space<vmem_shared>> -> memref<10240xf32, #tpu.memory_space<vmem_shared>>
      tpu.wait_indirect_dma semaphore(%arg12 : memref<!tpu.dma_semaphore, #tpu.memory_space<semaphore_mem>>) src(%dma_wait3A_523 : memref<128xf32, #tpu.memory_space<vmem>>) dst(%dma_wait3A_531 : memref<10240xf32, #tpu.memory_space<vmem_shared>>)
      %dma_wait3A_532 = arith.constant 12 : i32
      %dma_wait3A_533 = arith.constant 12 : i32
      %dma_wait3A_534 = arith.constant 0 : i32
      %dma_wait3A_535 = tpu.memref_slice %arg9[%rem3A_132, %dma_wait3A_532, %dma_wait3A_534] : memref<2x16x128xf32, #tpu.memory_space<vmem>> -> memref<1x1x128xf32, #tpu.memory_space<vmem>>
      %dma_wait3A_536 = tpu.memref_squeeze %dma_wait3A_535 : memref<1x1x128xf32, #tpu.memory_space<vmem>> -> memref<128xf32, #tpu.memory_space<vmem>>
      %dma_wait3A_537 = arith.constant 0 : i32
      %dma_wait3A_538 = tpu.memref_slice %arg6[%rem3A_132, %dma_wait3A_537] : memref<2x128xi32, #tpu.memory_space<vmem>> -> memref<1x128xi32, #tpu.memory_space<vmem>>
      %dma_wait3A_539 = tpu.memref_squeeze %dma_wait3A_538 : memref<1x128xi32, #tpu.memory_space<vmem>> -> memref<128xi32, #tpu.memory_space<vmem>>
      %dma_wait3A_540 = arith.constant 0 : i32
      %dma_wait3A_541 = tpu.memref_slice %arg10[%dma_wait3A_533, %dma_wait3A_540] : memref<16x10240xf32, #tpu.memory_space<vmem_shared>> -> memref<1x10240xf32, #tpu.memory_space<vmem_shared>>
      %dma_wait3A_542 = tpu.memref_squeeze %dma_wait3A_541 : memref<1x10240xf32, #tpu.memory_space<vmem_shared>> -> memref<10240xf32, #tpu.memory_space<vmem_shared>>
      %dma_wait3A_543 = arith.constant 0 : i32
      %dma_wait3A_544 = tpu.memref_slice %dma_wait3A_542[%dma_wait3A_543] : memref<10240xf32, #tpu.memory_space<vmem_shared>> -> memref<10240xf32, #tpu.memory_space<vmem_shared>>
      tpu.wait_indirect_dma semaphore(%arg12 : memref<!tpu.dma_semaphore, #tpu.memory_space<semaphore_mem>>) src(%dma_wait3A_536 : memref<128xf32, #tpu.memory_space<vmem>>) dst(%dma_wait3A_544 : memref<10240xf32, #tpu.memory_space<vmem_shared>>)
      %dma_wait3A_545 = arith.constant 13 : i32
      %dma_wait3A_546 = arith.constant 13 : i32
      %dma_wait3A_547 = arith.constant 0 : i32
      %dma_wait3A_548 = tpu.memref_slice %arg9[%rem3A_132, %dma_wait3A_545, %dma_wait3A_547] : memref<2x16x128xf32, #tpu.memory_space<vmem>> -> memref<1x1x128xf32, #tpu.memory_space<vmem>>
      %dma_wait3A_549 = tpu.memref_squeeze %dma_wait3A_548 : memref<1x1x128xf32, #tpu.memory_space<vmem>> -> memref<128xf32, #tpu.memory_space<vmem>>
      %dma_wait3A_550 = arith.constant 0 : i32
      %dma_wait3A_551 = tpu.memref_slice %arg6[%rem3A_132, %dma_wait3A_550] : memref<2x128xi32, #tpu.memory_space<vmem>> -> memref<1x128xi32, #tpu.memory_space<vmem>>
      %dma_wait3A_552 = tpu.memref_squeeze %dma_wait3A_551 : memref<1x128xi32, #tpu.memory_space<vmem>> -> memref<128xi32, #tpu.memory_space<vmem>>
      %dma_wait3A_553 = arith.constant 0 : i32
      %dma_wait3A_554 = tpu.memref_slice %arg10[%dma_wait3A_546, %dma_wait3A_553] : memref<16x10240xf32, #tpu.memory_space<vmem_shared>> -> memref<1x10240xf32, #tpu.memory_space<vmem_shared>>
      %dma_wait3A_555 = tpu.memref_squeeze %dma_wait3A_554 : memref<1x10240xf32, #tpu.memory_space<vmem_shared>> -> memref<10240xf32, #tpu.memory_space<vmem_shared>>
      %dma_wait3A_556 = arith.constant 0 : i32
      %dma_wait3A_557 = tpu.memref_slice %dma_wait3A_555[%dma_wait3A_556] : memref<10240xf32, #tpu.memory_space<vmem_shared>> -> memref<10240xf32, #tpu.memory_space<vmem_shared>>
      tpu.wait_indirect_dma semaphore(%arg12 : memref<!tpu.dma_semaphore, #tpu.memory_space<semaphore_mem>>) src(%dma_wait3A_549 : memref<128xf32, #tpu.memory_space<vmem>>) dst(%dma_wait3A_557 : memref<10240xf32, #tpu.memory_space<vmem_shared>>)
      %dma_wait3A_558 = arith.constant 14 : i32
      %dma_wait3A_559 = arith.constant 14 : i32
      %dma_wait3A_560 = arith.constant 0 : i32
      %dma_wait3A_561 = tpu.memref_slice %arg9[%rem3A_132, %dma_wait3A_558, %dma_wait3A_560] : memref<2x16x128xf32, #tpu.memory_space<vmem>> -> memref<1x1x128xf32, #tpu.memory_space<vmem>>
      %dma_wait3A_562 = tpu.memref_squeeze %dma_wait3A_561 : memref<1x1x128xf32, #tpu.memory_space<vmem>> -> memref<128xf32, #tpu.memory_space<vmem>>
      %dma_wait3A_563 = arith.constant 0 : i32
      %dma_wait3A_564 = tpu.memref_slice %arg6[%rem3A_132, %dma_wait3A_563] : memref<2x128xi32, #tpu.memory_space<vmem>> -> memref<1x128xi32, #tpu.memory_space<vmem>>
      %dma_wait3A_565 = tpu.memref_squeeze %dma_wait3A_564 : memref<1x128xi32, #tpu.memory_space<vmem>> -> memref<128xi32, #tpu.memory_space<vmem>>
      %dma_wait3A_566 = arith.constant 0 : i32
      %dma_wait3A_567 = tpu.memref_slice %arg10[%dma_wait3A_559, %dma_wait3A_566] : memref<16x10240xf32, #tpu.memory_space<vmem_shared>> -> memref<1x10240xf32, #tpu.memory_space<vmem_shared>>
      %dma_wait3A_568 = tpu.memref_squeeze %dma_wait3A_567 : memref<1x10240xf32, #tpu.memory_space<vmem_shared>> -> memref<10240xf32, #tpu.memory_space<vmem_shared>>
      %dma_wait3A_569 = arith.constant 0 : i32
      %dma_wait3A_570 = tpu.memref_slice %dma_wait3A_568[%dma_wait3A_569] : memref<10240xf32, #tpu.memory_space<vmem_shared>> -> memref<10240xf32, #tpu.memory_space<vmem_shared>>
      tpu.wait_indirect_dma semaphore(%arg12 : memref<!tpu.dma_semaphore, #tpu.memory_space<semaphore_mem>>) src(%dma_wait3A_562 : memref<128xf32, #tpu.memory_space<vmem>>) dst(%dma_wait3A_570 : memref<10240xf32, #tpu.memory_space<vmem_shared>>)
      %dma_wait3A_571 = arith.constant 15 : i32
      %dma_wait3A_572 = arith.constant 15 : i32
      %dma_wait3A_573 = arith.constant 0 : i32
      %dma_wait3A_574 = tpu.memref_slice %arg9[%rem3A_132, %dma_wait3A_571, %dma_wait3A_573] : memref<2x16x128xf32, #tpu.memory_space<vmem>> -> memref<1x1x128xf32, #tpu.memory_space<vmem>>
      %dma_wait3A_575 = tpu.memref_squeeze %dma_wait3A_574 : memref<1x1x128xf32, #tpu.memory_space<vmem>> -> memref<128xf32, #tpu.memory_space<vmem>>
      %dma_wait3A_576 = arith.constant 0 : i32
      %dma_wait3A_577 = tpu.memref_slice %arg6[%rem3A_132, %dma_wait3A_576] : memref<2x128xi32, #tpu.memory_space<vmem>> -> memref<1x128xi32, #tpu.memory_space<vmem>>
      %dma_wait3A_578 = tpu.memref_squeeze %dma_wait3A_577 : memref<1x128xi32, #tpu.memory_space<vmem>> -> memref<128xi32, #tpu.memory_space<vmem>>
      %dma_wait3A_579 = arith.constant 0 : i32
      %dma_wait3A_580 = tpu.memref_slice %arg10[%dma_wait3A_572, %dma_wait3A_579] : memref<16x10240xf32, #tpu.memory_space<vmem_shared>> -> memref<1x10240xf32, #tpu.memory_space<vmem_shared>>
      %dma_wait3A_581 = tpu.memref_squeeze %dma_wait3A_580 : memref<1x10240xf32, #tpu.memory_space<vmem_shared>> -> memref<10240xf32, #tpu.memory_space<vmem_shared>>
      %dma_wait3A_582 = arith.constant 0 : i32
      %dma_wait3A_583 = tpu.memref_slice %dma_wait3A_581[%dma_wait3A_582] : memref<10240xf32, #tpu.memory_space<vmem_shared>> -> memref<10240xf32, #tpu.memory_space<vmem_shared>>
      tpu.wait_indirect_dma semaphore(%arg12 : memref<!tpu.dma_semaphore, #tpu.memory_space<semaphore_mem>>) src(%dma_wait3A_575 : memref<128xf32, #tpu.memory_space<vmem>>) dst(%dma_wait3A_583 : memref<10240xf32, #tpu.memory_space<vmem_shared>>)
      %dma_wait3A_584 = arith.constant 0 : i32
      %dma_wait3A_585 = tpu.memref_slice %arg6[%rem3A_132, %dma_wait3A_584] : memref<2x128xi32, #tpu.memory_space<vmem>> -> memref<1x128xi32, #tpu.memory_space<vmem>>
      %dma_wait3A_586 = tpu.memref_squeeze %dma_wait3A_585 : memref<1x128xi32, #tpu.memory_space<vmem>> -> memref<128xi32, #tpu.memory_space<vmem>>
      %dma_wait3A_587 = arith.constant 0 : i32
      %dma_wait3A_588 = tpu.memref_slice %arg11[%dma_wait3A_587] : memref<10240xf32, #tpu.memory_space<vmem_shared>> -> memref<10240xf32, #tpu.memory_space<vmem_shared>>
      tpu.wait_indirect_dma semaphore(%arg12 : memref<!tpu.dma_semaphore, #tpu.memory_space<semaphore_mem>>) src(%arg7 : memref<128xf32, #tpu.memory_space<vmem>>) dst(%dma_wait3A_588 : memref<10240xf32, #tpu.memory_space<vmem_shared>>)
      %while3A_589 = arith.constant 0 : i32
      scf.yield %while3A_589 : i32
    }
    %while3A_119 = arith.constant 1 : i32
    %while3A_120 = scf.for %while3A_130 = %while3A_116 to %while3A_112 step %while3A_119 iter_args(%while3A_131 = %while3A_118) -> (i32)  : i32 {
      %sub3A = arith.subi %while3A_130, %add3A_77 : i32
      %rem3A = arith.constant 2 : i32
      %rem3A_132 = arith.remsi %sub3A, %rem3A : i32
      %mul3A_133 = arith.constant 128 : i32
      %mul3A_134 = arith.muli %while3A_130, %mul3A_133 : i32
      %dma_wait3A = arith.constant 0 : i32
      %dma_wait3A_135 = arith.constant 0 : i32
      %dma_wait3A_136 = tpu.memref_slice %arg6[%rem3A_132, %dma_wait3A_135] : memref<2x128xi32, #tpu.memory_space<vmem>> -> memref<1x128xi32, #tpu.memory_space<vmem>>
      %dma_wait3A_137 = tpu.memref_squeeze %dma_wait3A_136 : memref<1x128xi32, #tpu.memory_space<vmem>> -> memref<128xi32, #tpu.memory_space<vmem>>
      %dma_wait3A_138 = tpu.memref_slice %arg3[%dma_wait3A, %mul3A_134] : memref<2x320000xi32, #tpu.memory_space<hbm>> -> memref<1x128xi32, #tpu.memory_space<hbm>>
      %dma_wait3A_139 = tpu.memref_squeeze %dma_wait3A_138 : memref<1x128xi32, #tpu.memory_space<hbm>> -> memref<128xi32, #tpu.memory_space<hbm>>
      %dma_wait3A_140 = arith.constant 0 : i32
      %dma_wait3A_141 = tpu.memref_slice %arg6[%rem3A_132, %dma_wait3A_140] : memref<2x128xi32, #tpu.memory_space<vmem>> -> memref<1x128xi32, #tpu.memory_space<vmem>>
      %dma_wait3A_142 = tpu.memref_squeeze %dma_wait3A_141 : memref<1x128xi32, #tpu.memory_space<vmem>> -> memref<128xi32, #tpu.memory_space<vmem>>
      %dma_wait3A_143 = tpu.memref_slice %arg3[%dma_wait3A, %mul3A_134] : memref<2x320000xi32, #tpu.memory_space<hbm>> -> memref<1x128xi32, #tpu.memory_space<hbm>>
      %dma_wait3A_144 = tpu.memref_squeeze %dma_wait3A_143 : memref<1x128xi32, #tpu.memory_space<hbm>> -> memref<128xi32, #tpu.memory_space<hbm>>
      tpu.wait_dma2 semaphore(%arg13 : memref<!tpu.dma_semaphore, #tpu.memory_space<semaphore_mem>>) src(%dma_wait3A_144 : memref<128xi32, #tpu.memory_space<hbm>>) dst(%dma_wait3A_142 : memref<128xi32, #tpu.memory_space<vmem>>)
      %mul3A_145 = arith.constant 128 : i32
      %mul3A_146 = arith.muli %while3A_130, %mul3A_145 : i32
      %dma_wait3A_147 = arith.constant 0 : i32
      %dma_wait3A_148 = arith.constant 0 : i32
      %dma_wait3A_149 = tpu.memref_slice %arg9[%rem3A_132, %dma_wait3A_147, %dma_wait3A_148] : memref<2x16x128xf32, #tpu.memory_space<vmem>> -> memref<1x16x128xf32, #tpu.memory_space<vmem>>
      %dma_wait3A_150 = tpu.memref_squeeze %dma_wait3A_149 : memref<1x16x128xf32, #tpu.memory_space<vmem>> -> memref<16x128xf32, #tpu.memory_space<vmem>>
      %dma_wait3A_151 = arith.constant 0 : i32
      %dma_wait3A_152 = tpu.memref_slice %arg2[%dma_wait3A_151, %mul3A_146] : memref<16x320000xf32, #tpu.memory_space<hbm>> -> memref<16x128xf32, #tpu.memory_space<hbm>>
      %dma_wait3A_153 = arith.constant 0 : i32
      %dma_wait3A_154 = arith.constant 0 : i32
      %dma_wait3A_155 = tpu.memref_slice %arg9[%rem3A_132, %dma_wait3A_153, %dma_wait3A_154] : memref<2x16x128xf32, #tpu.memory_space<vmem>> -> memref<1x16x128xf32, #tpu.memory_space<vmem>>
      %dma_wait3A_156 = tpu.memref_squeeze %dma_wait3A_155 : memref<1x16x128xf32, #tpu.memory_space<vmem>> -> memref<16x128xf32, #tpu.memory_space<vmem>>
      %dma_wait3A_157 = arith.constant 0 : i32
      %dma_wait3A_158 = tpu.memref_slice %arg2[%dma_wait3A_157, %mul3A_146] : memref<16x320000xf32, #tpu.memory_space<hbm>> -> memref<16x128xf32, #tpu.memory_space<hbm>>
      tpu.wait_dma2 semaphore(%arg14 : memref<!tpu.dma_semaphore, #tpu.memory_space<semaphore_mem>>) src(%dma_wait3A_158 : memref<16x128xf32, #tpu.memory_space<hbm>>) dst(%dma_wait3A_156 : memref<16x128xf32, #tpu.memory_space<vmem>>)
      %add3A_159 = arith.constant 1 : i32
      %add3A_160 = arith.addi %while3A_130, %add3A_159 : i32
      %lt3A_161 = arith.cmpi slt, %add3A_160, %add3A_82 : i32
      %convert_element_type3A = arith.extui %lt3A_161 : i1 to i32
      %cond3A = arith.constant 0 : i32
      %cond3A_162 = arith.cmpi ne, %convert_element_type3A, %cond3A : i32
      scf.if %cond3A_162 {
        %add3A_590 = arith.constant 1 : i32
        %add3A_591 = arith.addi %while3A_130, %add3A_590 : i32
        %sub3A_592 = arith.constant 1 : i32
        %sub3A_593 = arith.subi %sub3A_592, %rem3A_132 : i32
        %mul3A_594 = arith.constant 128 : i32
        %mul3A_595 = arith.muli %add3A_591, %mul3A_594 : i32
        %dma_start3A_596 = arith.constant 0 : i32
        %dma_start3A_597 = arith.constant 0 : i32
        %dma_start3A_598 = tpu.memref_slice %arg6[%sub3A_593, %dma_start3A_597] : memref<2x128xi32, #tpu.memory_space<vmem>> -> memref<1x128xi32, #tpu.memory_space<vmem>>
        %dma_start3A_599 = tpu.memref_squeeze %dma_start3A_598 : memref<1x128xi32, #tpu.memory_space<vmem>> -> memref<128xi32, #tpu.memory_space<vmem>>
        %dma_start3A_600 = tpu.memref_slice %arg3[%dma_start3A_596, %mul3A_595] : memref<2x320000xi32, #tpu.memory_space<hbm>> -> memref<1x128xi32, #tpu.memory_space<hbm>>
        %dma_start3A_601 = tpu.memref_squeeze %dma_start3A_600 : memref<1x128xi32, #tpu.memory_space<hbm>> -> memref<128xi32, #tpu.memory_space<hbm>>
        %dma_start3A_602 = arith.constant 0 : i32
        %dma_start3A_603 = tpu.memref_slice %arg6[%sub3A_593, %dma_start3A_602] : memref<2x128xi32, #tpu.memory_space<vmem>> -> memref<1x128xi32, #tpu.memory_space<vmem>>
        %dma_start3A_604 = tpu.memref_squeeze %dma_start3A_603 : memref<1x128xi32, #tpu.memory_space<vmem>> -> memref<128xi32, #tpu.memory_space<vmem>>
        %dma_start3A_605 = tpu.memref_slice %arg3[%dma_start3A_596, %mul3A_595] : memref<2x320000xi32, #tpu.memory_space<hbm>> -> memref<1x128xi32, #tpu.memory_space<hbm>>
        %dma_start3A_606 = tpu.memref_squeeze %dma_start3A_605 : memref<1x128xi32, #tpu.memory_space<hbm>> -> memref<128xi32, #tpu.memory_space<hbm>>
        tpu.enqueue_dma source(%dma_start3A_606 : memref<128xi32, #tpu.memory_space<hbm>>) target(%dma_start3A_604 : memref<128xi32, #tpu.memory_space<vmem>>) target_semaphore(%arg13 : memref<!tpu.dma_semaphore, #tpu.memory_space<semaphore_mem>>)
        %mul3A_607 = arith.constant 128 : i32
        %mul3A_608 = arith.muli %add3A_591, %mul3A_607 : i32
        %dma_start3A_609 = arith.constant 0 : i32
        %dma_start3A_610 = arith.constant 0 : i32
        %dma_start3A_611 = tpu.memref_slice %arg9[%sub3A_593, %dma_start3A_609, %dma_start3A_610] : memref<2x16x128xf32, #tpu.memory_space<vmem>> -> memref<1x16x128xf32, #tpu.memory_space<vmem>>
        %dma_start3A_612 = tpu.memref_squeeze %dma_start3A_611 : memref<1x16x128xf32, #tpu.memory_space<vmem>> -> memref<16x128xf32, #tpu.memory_space<vmem>>
        %dma_start3A_613 = arith.constant 0 : i32
        %dma_start3A_614 = tpu.memref_slice %arg2[%dma_start3A_613, %mul3A_608] : memref<16x320000xf32, #tpu.memory_space<hbm>> -> memref<16x128xf32, #tpu.memory_space<hbm>>
        %dma_start3A_615 = arith.constant 0 : i32
        %dma_start3A_616 = arith.constant 0 : i32
        %dma_start3A_617 = tpu.memref_slice %arg9[%sub3A_593, %dma_start3A_615, %dma_start3A_616] : memref<2x16x128xf32, #tpu.memory_space<vmem>> -> memref<1x16x128xf32, #tpu.memory_space<vmem>>
        %dma_start3A_618 = tpu.memref_squeeze %dma_start3A_617 : memref<1x16x128xf32, #tpu.memory_space<vmem>> -> memref<16x128xf32, #tpu.memory_space<vmem>>
        %dma_start3A_619 = arith.constant 0 : i32
        %dma_start3A_620 = tpu.memref_slice %arg2[%dma_start3A_619, %mul3A_608] : memref<16x320000xf32, #tpu.memory_space<hbm>> -> memref<16x128xf32, #tpu.memory_space<hbm>>
        tpu.enqueue_dma source(%dma_start3A_620 : memref<16x128xf32, #tpu.memory_space<hbm>>) target(%dma_start3A_618 : memref<16x128xf32, #tpu.memory_space<vmem>>) target_semaphore(%arg14 : memref<!tpu.dma_semaphore, #tpu.memory_space<semaphore_mem>>)
      } else {
      }
      %dma_start3A_163 = arith.constant 0 : i32
      %dma_start3A_164 = arith.constant 0 : i32
      %dma_start3A_165 = arith.constant 0 : i32
      %dma_start3A_166 = tpu.memref_slice %arg9[%rem3A_132, %dma_start3A_163, %dma_start3A_165] : memref<2x16x128xf32, #tpu.memory_space<vmem>> -> memref<1x1x128xf32, #tpu.memory_space<vmem>>
      %dma_start3A_167 = tpu.memref_squeeze %dma_start3A_166 : memref<1x1x128xf32, #tpu.memory_space<vmem>> -> memref<128xf32, #tpu.memory_space<vmem>>
      %dma_start3A_168 = arith.constant 0 : i32
      %dma_start3A_169 = tpu.memref_slice %arg6[%rem3A_132, %dma_start3A_168] : memref<2x128xi32, #tpu.memory_space<vmem>> -> memref<1x128xi32, #tpu.memory_space<vmem>>
      %dma_start3A_170 = tpu.memref_squeeze %dma_start3A_169 : memref<1x128xi32, #tpu.memory_space<vmem>> -> memref<128xi32, #tpu.memory_space<vmem>>
      %dma_start3A_171 = arith.constant 0 : i32
      %dma_start3A_172 = tpu.memref_slice %arg10[%dma_start3A_164, %dma_start3A_171] : memref<16x10240xf32, #tpu.memory_space<vmem_shared>> -> memref<1x10240xf32, #tpu.memory_space<vmem_shared>>
      %dma_start3A_173 = tpu.memref_squeeze %dma_start3A_172 : memref<1x10240xf32, #tpu.memory_space<vmem_shared>> -> memref<10240xf32, #tpu.memory_space<vmem_shared>>
      %dma_start3A_174 = arith.constant 0 : i32
      %dma_start3A_175 = tpu.memref_slice %dma_start3A_173[%dma_start3A_174] : memref<10240xf32, #tpu.memory_space<vmem_shared>> -> memref<10240xf32, #tpu.memory_space<vmem_shared>>
      tpu.enqueue_indirect_dma source(%dma_start3A_167 : memref<128xf32, #tpu.memory_space<vmem>>) target(%dma_start3A_175 : memref<10240xf32, #tpu.memory_space<vmem_shared>>) offsets(%dma_start3A_170 : memref<128xi32, #tpu.memory_space<vmem>>) semaphore(%arg12 : memref<!tpu.dma_semaphore, #tpu.memory_space<semaphore_mem>>) {add = true}
      %dma_start3A_176 = arith.constant 1 : i32
      %dma_start3A_177 = arith.constant 1 : i32
      %dma_start3A_178 = arith.constant 0 : i32
      %dma_start3A_179 = tpu.memref_slice %arg9[%rem3A_132, %dma_start3A_176, %dma_start3A_178] : memref<2x16x128xf32, #tpu.memory_space<vmem>> -> memref<1x1x128xf32, #tpu.memory_space<vmem>>
      %dma_start3A_180 = tpu.memref_squeeze %dma_start3A_179 : memref<1x1x128xf32, #tpu.memory_space<vmem>> -> memref<128xf32, #tpu.memory_space<vmem>>
      %dma_start3A_181 = arith.constant 0 : i32
      %dma_start3A_182 = tpu.memref_slice %arg6[%rem3A_132, %dma_start3A_181] : memref<2x128xi32, #tpu.memory_space<vmem>> -> memref<1x128xi32, #tpu.memory_space<vmem>>
      %dma_start3A_183 = tpu.memref_squeeze %dma_start3A_182 : memref<1x128xi32, #tpu.memory_space<vmem>> -> memref<128xi32, #tpu.memory_space<vmem>>
      %dma_start3A_184 = arith.constant 0 : i32
      %dma_start3A_185 = tpu.memref_slice %arg10[%dma_start3A_177, %dma_start3A_184] : memref<16x10240xf32, #tpu.memory_space<vmem_shared>> -> memref<1x10240xf32, #tpu.memory_space<vmem_shared>>
      %dma_start3A_186 = tpu.memref_squeeze %dma_start3A_185 : memref<1x10240xf32, #tpu.memory_space<vmem_shared>> -> memref<10240xf32, #tpu.memory_space<vmem_shared>>
      %dma_start3A_187 = arith.constant 0 : i32
      %dma_start3A_188 = tpu.memref_slice %dma_start3A_186[%dma_start3A_187] : memref<10240xf32, #tpu.memory_space<vmem_shared>> -> memref<10240xf32, #tpu.memory_space<vmem_shared>>
      tpu.enqueue_indirect_dma source(%dma_start3A_180 : memref<128xf32, #tpu.memory_space<vmem>>) target(%dma_start3A_188 : memref<10240xf32, #tpu.memory_space<vmem_shared>>) offsets(%dma_start3A_183 : memref<128xi32, #tpu.memory_space<vmem>>) semaphore(%arg12 : memref<!tpu.dma_semaphore, #tpu.memory_space<semaphore_mem>>) {add = true}
      %dma_start3A_189 = arith.constant 2 : i32
      %dma_start3A_190 = arith.constant 2 : i32
      %dma_start3A_191 = arith.constant 0 : i32
      %dma_start3A_192 = tpu.memref_slice %arg9[%rem3A_132, %dma_start3A_189, %dma_start3A_191] : memref<2x16x128xf32, #tpu.memory_space<vmem>> -> memref<1x1x128xf32, #tpu.memory_space<vmem>>
      %dma_start3A_193 = tpu.memref_squeeze %dma_start3A_192 : memref<1x1x128xf32, #tpu.memory_space<vmem>> -> memref<128xf32, #tpu.memory_space<vmem>>
      %dma_start3A_194 = arith.constant 0 : i32
      %dma_start3A_195 = tpu.memref_slice %arg6[%rem3A_132, %dma_start3A_194] : memref<2x128xi32, #tpu.memory_space<vmem>> -> memref<1x128xi32, #tpu.memory_space<vmem>>
      %dma_start3A_196 = tpu.memref_squeeze %dma_start3A_195 : memref<1x128xi32, #tpu.memory_space<vmem>> -> memref<128xi32, #tpu.memory_space<vmem>>
      %dma_start3A_197 = arith.constant 0 : i32
      %dma_start3A_198 = tpu.memref_slice %arg10[%dma_start3A_190, %dma_start3A_197] : memref<16x10240xf32, #tpu.memory_space<vmem_shared>> -> memref<1x10240xf32, #tpu.memory_space<vmem_shared>>
      %dma_start3A_199 = tpu.memref_squeeze %dma_start3A_198 : memref<1x10240xf32, #tpu.memory_space<vmem_shared>> -> memref<10240xf32, #tpu.memory_space<vmem_shared>>
      %dma_start3A_200 = arith.constant 0 : i32
      %dma_start3A_201 = tpu.memref_slice %dma_start3A_199[%dma_start3A_200] : memref<10240xf32, #tpu.memory_space<vmem_shared>> -> memref<10240xf32, #tpu.memory_space<vmem_shared>>
      tpu.enqueue_indirect_dma source(%dma_start3A_193 : memref<128xf32, #tpu.memory_space<vmem>>) target(%dma_start3A_201 : memref<10240xf32, #tpu.memory_space<vmem_shared>>) offsets(%dma_start3A_196 : memref<128xi32, #tpu.memory_space<vmem>>) semaphore(%arg12 : memref<!tpu.dma_semaphore, #tpu.memory_space<semaphore_mem>>) {add = true}
      %dma_start3A_202 = arith.constant 3 : i32
      %dma_start3A_203 = arith.constant 3 : i32
      %dma_start3A_204 = arith.constant 0 : i32
      %dma_start3A_205 = tpu.memref_slice %arg9[%rem3A_132, %dma_start3A_202, %dma_start3A_204] : memref<2x16x128xf32, #tpu.memory_space<vmem>> -> memref<1x1x128xf32, #tpu.memory_space<vmem>>
      %dma_start3A_206 = tpu.memref_squeeze %dma_start3A_205 : memref<1x1x128xf32, #tpu.memory_space<vmem>> -> memref<128xf32, #tpu.memory_space<vmem>>
      %dma_start3A_207 = arith.constant 0 : i32
      %dma_start3A_208 = tpu.memref_slice %arg6[%rem3A_132, %dma_start3A_207] : memref<2x128xi32, #tpu.memory_space<vmem>> -> memref<1x128xi32, #tpu.memory_space<vmem>>
      %dma_start3A_209 = tpu.memref_squeeze %dma_start3A_208 : memref<1x128xi32, #tpu.memory_space<vmem>> -> memref<128xi32, #tpu.memory_space<vmem>>
      %dma_start3A_210 = arith.constant 0 : i32
      %dma_start3A_211 = tpu.memref_slice %arg10[%dma_start3A_203, %dma_start3A_210] : memref<16x10240xf32, #tpu.memory_space<vmem_shared>> -> memref<1x10240xf32, #tpu.memory_space<vmem_shared>>
      %dma_start3A_212 = tpu.memref_squeeze %dma_start3A_211 : memref<1x10240xf32, #tpu.memory_space<vmem_shared>> -> memref<10240xf32, #tpu.memory_space<vmem_shared>>
      %dma_start3A_213 = arith.constant 0 : i32
      %dma_start3A_214 = tpu.memref_slice %dma_start3A_212[%dma_start3A_213] : memref<10240xf32, #tpu.memory_space<vmem_shared>> -> memref<10240xf32, #tpu.memory_space<vmem_shared>>
      tpu.enqueue_indirect_dma source(%dma_start3A_206 : memref<128xf32, #tpu.memory_space<vmem>>) target(%dma_start3A_214 : memref<10240xf32, #tpu.memory_space<vmem_shared>>) offsets(%dma_start3A_209 : memref<128xi32, #tpu.memory_space<vmem>>) semaphore(%arg12 : memref<!tpu.dma_semaphore, #tpu.memory_space<semaphore_mem>>) {add = true}
      %dma_start3A_215 = arith.constant 4 : i32
      %dma_start3A_216 = arith.constant 4 : i32
      %dma_start3A_217 = arith.constant 0 : i32
      %dma_start3A_218 = tpu.memref_slice %arg9[%rem3A_132, %dma_start3A_215, %dma_start3A_217] : memref<2x16x128xf32, #tpu.memory_space<vmem>> -> memref<1x1x128xf32, #tpu.memory_space<vmem>>
      %dma_start3A_219 = tpu.memref_squeeze %dma_start3A_218 : memref<1x1x128xf32, #tpu.memory_space<vmem>> -> memref<128xf32, #tpu.memory_space<vmem>>
      %dma_start3A_220 = arith.constant 0 : i32
      %dma_start3A_221 = tpu.memref_slice %arg6[%rem3A_132, %dma_start3A_220] : memref<2x128xi32, #tpu.memory_space<vmem>> -> memref<1x128xi32, #tpu.memory_space<vmem>>
      %dma_start3A_222 = tpu.memref_squeeze %dma_start3A_221 : memref<1x128xi32, #tpu.memory_space<vmem>> -> memref<128xi32, #tpu.memory_space<vmem>>
      %dma_start3A_223 = arith.constant 0 : i32
      %dma_start3A_224 = tpu.memref_slice %arg10[%dma_start3A_216, %dma_start3A_223] : memref<16x10240xf32, #tpu.memory_space<vmem_shared>> -> memref<1x10240xf32, #tpu.memory_space<vmem_shared>>
      %dma_start3A_225 = tpu.memref_squeeze %dma_start3A_224 : memref<1x10240xf32, #tpu.memory_space<vmem_shared>> -> memref<10240xf32, #tpu.memory_space<vmem_shared>>
      %dma_start3A_226 = arith.constant 0 : i32
      %dma_start3A_227 = tpu.memref_slice %dma_start3A_225[%dma_start3A_226] : memref<10240xf32, #tpu.memory_space<vmem_shared>> -> memref<10240xf32, #tpu.memory_space<vmem_shared>>
      tpu.enqueue_indirect_dma source(%dma_start3A_219 : memref<128xf32, #tpu.memory_space<vmem>>) target(%dma_start3A_227 : memref<10240xf32, #tpu.memory_space<vmem_shared>>) offsets(%dma_start3A_222 : memref<128xi32, #tpu.memory_space<vmem>>) semaphore(%arg12 : memref<!tpu.dma_semaphore, #tpu.memory_space<semaphore_mem>>) {add = true}
      %dma_start3A_228 = arith.constant 5 : i32
      %dma_start3A_229 = arith.constant 5 : i32
      %dma_start3A_230 = arith.constant 0 : i32
      %dma_start3A_231 = tpu.memref_slice %arg9[%rem3A_132, %dma_start3A_228, %dma_start3A_230] : memref<2x16x128xf32, #tpu.memory_space<vmem>> -> memref<1x1x128xf32, #tpu.memory_space<vmem>>
      %dma_start3A_232 = tpu.memref_squeeze %dma_start3A_231 : memref<1x1x128xf32, #tpu.memory_space<vmem>> -> memref<128xf32, #tpu.memory_space<vmem>>
      %dma_start3A_233 = arith.constant 0 : i32
      %dma_start3A_234 = tpu.memref_slice %arg6[%rem3A_132, %dma_start3A_233] : memref<2x128xi32, #tpu.memory_space<vmem>> -> memref<1x128xi32, #tpu.memory_space<vmem>>
      %dma_start3A_235 = tpu.memref_squeeze %dma_start3A_234 : memref<1x128xi32, #tpu.memory_space<vmem>> -> memref<128xi32, #tpu.memory_space<vmem>>
      %dma_start3A_236 = arith.constant 0 : i32
      %dma_start3A_237 = tpu.memref_slice %arg10[%dma_start3A_229, %dma_start3A_236] : memref<16x10240xf32, #tpu.memory_space<vmem_shared>> -> memref<1x10240xf32, #tpu.memory_space<vmem_shared>>
      %dma_start3A_238 = tpu.memref_squeeze %dma_start3A_237 : memref<1x10240xf32, #tpu.memory_space<vmem_shared>> -> memref<10240xf32, #tpu.memory_space<vmem_shared>>
      %dma_start3A_239 = arith.constant 0 : i32
      %dma_start3A_240 = tpu.memref_slice %dma_start3A_238[%dma_start3A_239] : memref<10240xf32, #tpu.memory_space<vmem_shared>> -> memref<10240xf32, #tpu.memory_space<vmem_shared>>
      tpu.enqueue_indirect_dma source(%dma_start3A_232 : memref<128xf32, #tpu.memory_space<vmem>>) target(%dma_start3A_240 : memref<10240xf32, #tpu.memory_space<vmem_shared>>) offsets(%dma_start3A_235 : memref<128xi32, #tpu.memory_space<vmem>>) semaphore(%arg12 : memref<!tpu.dma_semaphore, #tpu.memory_space<semaphore_mem>>) {add = true}
      %dma_start3A_241 = arith.constant 6 : i32
      %dma_start3A_242 = arith.constant 6 : i32
      %dma_start3A_243 = arith.constant 0 : i32
      %dma_start3A_244 = tpu.memref_slice %arg9[%rem3A_132, %dma_start3A_241, %dma_start3A_243] : memref<2x16x128xf32, #tpu.memory_space<vmem>> -> memref<1x1x128xf32, #tpu.memory_space<vmem>>
      %dma_start3A_245 = tpu.memref_squeeze %dma_start3A_244 : memref<1x1x128xf32, #tpu.memory_space<vmem>> -> memref<128xf32, #tpu.memory_space<vmem>>
      %dma_start3A_246 = arith.constant 0 : i32
      %dma_start3A_247 = tpu.memref_slice %arg6[%rem3A_132, %dma_start3A_246] : memref<2x128xi32, #tpu.memory_space<vmem>> -> memref<1x128xi32, #tpu.memory_space<vmem>>
      %dma_start3A_248 = tpu.memref_squeeze %dma_start3A_247 : memref<1x128xi32, #tpu.memory_space<vmem>> -> memref<128xi32, #tpu.memory_space<vmem>>
      %dma_start3A_249 = arith.constant 0 : i32
      %dma_start3A_250 = tpu.memref_slice %arg10[%dma_start3A_242, %dma_start3A_249] : memref<16x10240xf32, #tpu.memory_space<vmem_shared>> -> memref<1x10240xf32, #tpu.memory_space<vmem_shared>>
      %dma_start3A_251 = tpu.memref_squeeze %dma_start3A_250 : memref<1x10240xf32, #tpu.memory_space<vmem_shared>> -> memref<10240xf32, #tpu.memory_space<vmem_shared>>
      %dma_start3A_252 = arith.constant 0 : i32
      %dma_start3A_253 = tpu.memref_slice %dma_start3A_251[%dma_start3A_252] : memref<10240xf32, #tpu.memory_space<vmem_shared>> -> memref<10240xf32, #tpu.memory_space<vmem_shared>>
      tpu.enqueue_indirect_dma source(%dma_start3A_245 : memref<128xf32, #tpu.memory_space<vmem>>) target(%dma_start3A_253 : memref<10240xf32, #tpu.memory_space<vmem_shared>>) offsets(%dma_start3A_248 : memref<128xi32, #tpu.memory_space<vmem>>) semaphore(%arg12 : memref<!tpu.dma_semaphore, #tpu.memory_space<semaphore_mem>>) {add = true}
      %dma_start3A_254 = arith.constant 7 : i32
      %dma_start3A_255 = arith.constant 7 : i32
      %dma_start3A_256 = arith.constant 0 : i32
      %dma_start3A_257 = tpu.memref_slice %arg9[%rem3A_132, %dma_start3A_254, %dma_start3A_256] : memref<2x16x128xf32, #tpu.memory_space<vmem>> -> memref<1x1x128xf32, #tpu.memory_space<vmem>>
      %dma_start3A_258 = tpu.memref_squeeze %dma_start3A_257 : memref<1x1x128xf32, #tpu.memory_space<vmem>> -> memref<128xf32, #tpu.memory_space<vmem>>
      %dma_start3A_259 = arith.constant 0 : i32
      %dma_start3A_260 = tpu.memref_slice %arg6[%rem3A_132, %dma_start3A_259] : memref<2x128xi32, #tpu.memory_space<vmem>> -> memref<1x128xi32, #tpu.memory_space<vmem>>
      %dma_start3A_261 = tpu.memref_squeeze %dma_start3A_260 : memref<1x128xi32, #tpu.memory_space<vmem>> -> memref<128xi32, #tpu.memory_space<vmem>>
      %dma_start3A_262 = arith.constant 0 : i32
      %dma_start3A_263 = tpu.memref_slice %arg10[%dma_start3A_255, %dma_start3A_262] : memref<16x10240xf32, #tpu.memory_space<vmem_shared>> -> memref<1x10240xf32, #tpu.memory_space<vmem_shared>>
      %dma_start3A_264 = tpu.memref_squeeze %dma_start3A_263 : memref<1x10240xf32, #tpu.memory_space<vmem_shared>> -> memref<10240xf32, #tpu.memory_space<vmem_shared>>
      %dma_start3A_265 = arith.constant 0 : i32
      %dma_start3A_266 = tpu.memref_slice %dma_start3A_264[%dma_start3A_265] : memref<10240xf32, #tpu.memory_space<vmem_shared>> -> memref<10240xf32, #tpu.memory_space<vmem_shared>>
      tpu.enqueue_indirect_dma source(%dma_start3A_258 : memref<128xf32, #tpu.memory_space<vmem>>) target(%dma_start3A_266 : memref<10240xf32, #tpu.memory_space<vmem_shared>>) offsets(%dma_start3A_261 : memref<128xi32, #tpu.memory_space<vmem>>) semaphore(%arg12 : memref<!tpu.dma_semaphore, #tpu.memory_space<semaphore_mem>>) {add = true}
      %dma_start3A_267 = arith.constant 8 : i32
      %dma_start3A_268 = arith.constant 8 : i32
      %dma_start3A_269 = arith.constant 0 : i32
      %dma_start3A_270 = tpu.memref_slice %arg9[%rem3A_132, %dma_start3A_267, %dma_start3A_269] : memref<2x16x128xf32, #tpu.memory_space<vmem>> -> memref<1x1x128xf32, #tpu.memory_space<vmem>>
      %dma_start3A_271 = tpu.memref_squeeze %dma_start3A_270 : memref<1x1x128xf32, #tpu.memory_space<vmem>> -> memref<128xf32, #tpu.memory_space<vmem>>
      %dma_start3A_272 = arith.constant 0 : i32
      %dma_start3A_273 = tpu.memref_slice %arg6[%rem3A_132, %dma_start3A_272] : memref<2x128xi32, #tpu.memory_space<vmem>> -> memref<1x128xi32, #tpu.memory_space<vmem>>
      %dma_start3A_274 = tpu.memref_squeeze %dma_start3A_273 : memref<1x128xi32, #tpu.memory_space<vmem>> -> memref<128xi32, #tpu.memory_space<vmem>>
      %dma_start3A_275 = arith.constant 0 : i32
      %dma_start3A_276 = tpu.memref_slice %arg10[%dma_start3A_268, %dma_start3A_275] : memref<16x10240xf32, #tpu.memory_space<vmem_shared>> -> memref<1x10240xf32, #tpu.memory_space<vmem_shared>>
      %dma_start3A_277 = tpu.memref_squeeze %dma_start3A_276 : memref<1x10240xf32, #tpu.memory_space<vmem_shared>> -> memref<10240xf32, #tpu.memory_space<vmem_shared>>
      %dma_start3A_278 = arith.constant 0 : i32
      %dma_start3A_279 = tpu.memref_slice %dma_start3A_277[%dma_start3A_278] : memref<10240xf32, #tpu.memory_space<vmem_shared>> -> memref<10240xf32, #tpu.memory_space<vmem_shared>>
      tpu.enqueue_indirect_dma source(%dma_start3A_271 : memref<128xf32, #tpu.memory_space<vmem>>) target(%dma_start3A_279 : memref<10240xf32, #tpu.memory_space<vmem_shared>>) offsets(%dma_start3A_274 : memref<128xi32, #tpu.memory_space<vmem>>) semaphore(%arg12 : memref<!tpu.dma_semaphore, #tpu.memory_space<semaphore_mem>>) {add = true}
      %dma_start3A_280 = arith.constant 9 : i32
      %dma_start3A_281 = arith.constant 9 : i32
      %dma_start3A_282 = arith.constant 0 : i32
      %dma_start3A_283 = tpu.memref_slice %arg9[%rem3A_132, %dma_start3A_280, %dma_start3A_282] : memref<2x16x128xf32, #tpu.memory_space<vmem>> -> memref<1x1x128xf32, #tpu.memory_space<vmem>>
      %dma_start3A_284 = tpu.memref_squeeze %dma_start3A_283 : memref<1x1x128xf32, #tpu.memory_space<vmem>> -> memref<128xf32, #tpu.memory_space<vmem>>
      %dma_start3A_285 = arith.constant 0 : i32
      %dma_start3A_286 = tpu.memref_slice %arg6[%rem3A_132, %dma_start3A_285] : memref<2x128xi32, #tpu.memory_space<vmem>> -> memref<1x128xi32, #tpu.memory_space<vmem>>
      %dma_start3A_287 = tpu.memref_squeeze %dma_start3A_286 : memref<1x128xi32, #tpu.memory_space<vmem>> -> memref<128xi32, #tpu.memory_space<vmem>>
      %dma_start3A_288 = arith.constant 0 : i32
      %dma_start3A_289 = tpu.memref_slice %arg10[%dma_start3A_281, %dma_start3A_288] : memref<16x10240xf32, #tpu.memory_space<vmem_shared>> -> memref<1x10240xf32, #tpu.memory_space<vmem_shared>>
      %dma_start3A_290 = tpu.memref_squeeze %dma_start3A_289 : memref<1x10240xf32, #tpu.memory_space<vmem_shared>> -> memref<10240xf32, #tpu.memory_space<vmem_shared>>
      %dma_start3A_291 = arith.constant 0 : i32
      %dma_start3A_292 = tpu.memref_slice %dma_start3A_290[%dma_start3A_291] : memref<10240xf32, #tpu.memory_space<vmem_shared>> -> memref<10240xf32, #tpu.memory_space<vmem_shared>>
      tpu.enqueue_indirect_dma source(%dma_start3A_284 : memref<128xf32, #tpu.memory_space<vmem>>) target(%dma_start3A_292 : memref<10240xf32, #tpu.memory_space<vmem_shared>>) offsets(%dma_start3A_287 : memref<128xi32, #tpu.memory_space<vmem>>) semaphore(%arg12 : memref<!tpu.dma_semaphore, #tpu.memory_space<semaphore_mem>>) {add = true}
      %dma_start3A_293 = arith.constant 10 : i32
      %dma_start3A_294 = arith.constant 10 : i32
      %dma_start3A_295 = arith.constant 0 : i32
      %dma_start3A_296 = tpu.memref_slice %arg9[%rem3A_132, %dma_start3A_293, %dma_start3A_295] : memref<2x16x128xf32, #tpu.memory_space<vmem>> -> memref<1x1x128xf32, #tpu.memory_space<vmem>>
      %dma_start3A_297 = tpu.memref_squeeze %dma_start3A_296 : memref<1x1x128xf32, #tpu.memory_space<vmem>> -> memref<128xf32, #tpu.memory_space<vmem>>
      %dma_start3A_298 = arith.constant 0 : i32
      %dma_start3A_299 = tpu.memref_slice %arg6[%rem3A_132, %dma_start3A_298] : memref<2x128xi32, #tpu.memory_space<vmem>> -> memref<1x128xi32, #tpu.memory_space<vmem>>
      %dma_start3A_300 = tpu.memref_squeeze %dma_start3A_299 : memref<1x128xi32, #tpu.memory_space<vmem>> -> memref<128xi32, #tpu.memory_space<vmem>>
      %dma_start3A_301 = arith.constant 0 : i32
      %dma_start3A_302 = tpu.memref_slice %arg10[%dma_start3A_294, %dma_start3A_301] : memref<16x10240xf32, #tpu.memory_space<vmem_shared>> -> memref<1x10240xf32, #tpu.memory_space<vmem_shared>>
      %dma_start3A_303 = tpu.memref_squeeze %dma_start3A_302 : memref<1x10240xf32, #tpu.memory_space<vmem_shared>> -> memref<10240xf32, #tpu.memory_space<vmem_shared>>
      %dma_start3A_304 = arith.constant 0 : i32
      %dma_start3A_305 = tpu.memref_slice %dma_start3A_303[%dma_start3A_304] : memref<10240xf32, #tpu.memory_space<vmem_shared>> -> memref<10240xf32, #tpu.memory_space<vmem_shared>>
      tpu.enqueue_indirect_dma source(%dma_start3A_297 : memref<128xf32, #tpu.memory_space<vmem>>) target(%dma_start3A_305 : memref<10240xf32, #tpu.memory_space<vmem_shared>>) offsets(%dma_start3A_300 : memref<128xi32, #tpu.memory_space<vmem>>) semaphore(%arg12 : memref<!tpu.dma_semaphore, #tpu.memory_space<semaphore_mem>>) {add = true}
      %dma_start3A_306 = arith.constant 11 : i32
      %dma_start3A_307 = arith.constant 11 : i32
      %dma_start3A_308 = arith.constant 0 : i32
      %dma_start3A_309 = tpu.memref_slice %arg9[%rem3A_132, %dma_start3A_306, %dma_start3A_308] : memref<2x16x128xf32, #tpu.memory_space<vmem>> -> memref<1x1x128xf32, #tpu.memory_space<vmem>>
      %dma_start3A_310 = tpu.memref_squeeze %dma_start3A_309 : memref<1x1x128xf32, #tpu.memory_space<vmem>> -> memref<128xf32, #tpu.memory_space<vmem>>
      %dma_start3A_311 = arith.constant 0 : i32
      %dma_start3A_312 = tpu.memref_slice %arg6[%rem3A_132, %dma_start3A_311] : memref<2x128xi32, #tpu.memory_space<vmem>> -> memref<1x128xi32, #tpu.memory_space<vmem>>
      %dma_start3A_313 = tpu.memref_squeeze %dma_start3A_312 : memref<1x128xi32, #tpu.memory_space<vmem>> -> memref<128xi32, #tpu.memory_space<vmem>>
      %dma_start3A_314 = arith.constant 0 : i32
      %dma_start3A_315 = tpu.memref_slice %arg10[%dma_start3A_307, %dma_start3A_314] : memref<16x10240xf32, #tpu.memory_space<vmem_shared>> -> memref<1x10240xf32, #tpu.memory_space<vmem_shared>>
      %dma_start3A_316 = tpu.memref_squeeze %dma_start3A_315 : memref<1x10240xf32, #tpu.memory_space<vmem_shared>> -> memref<10240xf32, #tpu.memory_space<vmem_shared>>
      %dma_start3A_317 = arith.constant 0 : i32
      %dma_start3A_318 = tpu.memref_slice %dma_start3A_316[%dma_start3A_317] : memref<10240xf32, #tpu.memory_space<vmem_shared>> -> memref<10240xf32, #tpu.memory_space<vmem_shared>>
      tpu.enqueue_indirect_dma source(%dma_start3A_310 : memref<128xf32, #tpu.memory_space<vmem>>) target(%dma_start3A_318 : memref<10240xf32, #tpu.memory_space<vmem_shared>>) offsets(%dma_start3A_313 : memref<128xi32, #tpu.memory_space<vmem>>) semaphore(%arg12 : memref<!tpu.dma_semaphore, #tpu.memory_space<semaphore_mem>>) {add = true}
      %dma_start3A_319 = arith.constant 12 : i32
      %dma_start3A_320 = arith.constant 12 : i32
      %dma_start3A_321 = arith.constant 0 : i32
      %dma_start3A_322 = tpu.memref_slice %arg9[%rem3A_132, %dma_start3A_319, %dma_start3A_321] : memref<2x16x128xf32, #tpu.memory_space<vmem>> -> memref<1x1x128xf32, #tpu.memory_space<vmem>>
      %dma_start3A_323 = tpu.memref_squeeze %dma_start3A_322 : memref<1x1x128xf32, #tpu.memory_space<vmem>> -> memref<128xf32, #tpu.memory_space<vmem>>
      %dma_start3A_324 = arith.constant 0 : i32
      %dma_start3A_325 = tpu.memref_slice %arg6[%rem3A_132, %dma_start3A_324] : memref<2x128xi32, #tpu.memory_space<vmem>> -> memref<1x128xi32, #tpu.memory_space<vmem>>
      %dma_start3A_326 = tpu.memref_squeeze %dma_start3A_325 : memref<1x128xi32, #tpu.memory_space<vmem>> -> memref<128xi32, #tpu.memory_space<vmem>>
      %dma_start3A_327 = arith.constant 0 : i32
      %dma_start3A_328 = tpu.memref_slice %arg10[%dma_start3A_320, %dma_start3A_327] : memref<16x10240xf32, #tpu.memory_space<vmem_shared>> -> memref<1x10240xf32, #tpu.memory_space<vmem_shared>>
      %dma_start3A_329 = tpu.memref_squeeze %dma_start3A_328 : memref<1x10240xf32, #tpu.memory_space<vmem_shared>> -> memref<10240xf32, #tpu.memory_space<vmem_shared>>
      %dma_start3A_330 = arith.constant 0 : i32
      %dma_start3A_331 = tpu.memref_slice %dma_start3A_329[%dma_start3A_330] : memref<10240xf32, #tpu.memory_space<vmem_shared>> -> memref<10240xf32, #tpu.memory_space<vmem_shared>>
      tpu.enqueue_indirect_dma source(%dma_start3A_323 : memref<128xf32, #tpu.memory_space<vmem>>) target(%dma_start3A_331 : memref<10240xf32, #tpu.memory_space<vmem_shared>>) offsets(%dma_start3A_326 : memref<128xi32, #tpu.memory_space<vmem>>) semaphore(%arg12 : memref<!tpu.dma_semaphore, #tpu.memory_space<semaphore_mem>>) {add = true}
      %dma_start3A_332 = arith.constant 13 : i32
      %dma_start3A_333 = arith.constant 13 : i32
      %dma_start3A_334 = arith.constant 0 : i32
      %dma_start3A_335 = tpu.memref_slice %arg9[%rem3A_132, %dma_start3A_332, %dma_start3A_334] : memref<2x16x128xf32, #tpu.memory_space<vmem>> -> memref<1x1x128xf32, #tpu.memory_space<vmem>>
      %dma_start3A_336 = tpu.memref_squeeze %dma_start3A_335 : memref<1x1x128xf32, #tpu.memory_space<vmem>> -> memref<128xf32, #tpu.memory_space<vmem>>
      %dma_start3A_337 = arith.constant 0 : i32
      %dma_start3A_338 = tpu.memref_slice %arg6[%rem3A_132, %dma_start3A_337] : memref<2x128xi32, #tpu.memory_space<vmem>> -> memref<1x128xi32, #tpu.memory_space<vmem>>
      %dma_start3A_339 = tpu.memref_squeeze %dma_start3A_338 : memref<1x128xi32, #tpu.memory_space<vmem>> -> memref<128xi32, #tpu.memory_space<vmem>>
      %dma_start3A_340 = arith.constant 0 : i32
      %dma_start3A_341 = tpu.memref_slice %arg10[%dma_start3A_333, %dma_start3A_340] : memref<16x10240xf32, #tpu.memory_space<vmem_shared>> -> memref<1x10240xf32, #tpu.memory_space<vmem_shared>>
      %dma_start3A_342 = tpu.memref_squeeze %dma_start3A_341 : memref<1x10240xf32, #tpu.memory_space<vmem_shared>> -> memref<10240xf32, #tpu.memory_space<vmem_shared>>
      %dma_start3A_343 = arith.constant 0 : i32
      %dma_start3A_344 = tpu.memref_slice %dma_start3A_342[%dma_start3A_343] : memref<10240xf32, #tpu.memory_space<vmem_shared>> -> memref<10240xf32, #tpu.memory_space<vmem_shared>>
      tpu.enqueue_indirect_dma source(%dma_start3A_336 : memref<128xf32, #tpu.memory_space<vmem>>) target(%dma_start3A_344 : memref<10240xf32, #tpu.memory_space<vmem_shared>>) offsets(%dma_start3A_339 : memref<128xi32, #tpu.memory_space<vmem>>) semaphore(%arg12 : memref<!tpu.dma_semaphore, #tpu.memory_space<semaphore_mem>>) {add = true}
      %dma_start3A_345 = arith.constant 14 : i32
      %dma_start3A_346 = arith.constant 14 : i32
      %dma_start3A_347 = arith.constant 0 : i32
      %dma_start3A_348 = tpu.memref_slice %arg9[%rem3A_132, %dma_start3A_345, %dma_start3A_347] : memref<2x16x128xf32, #tpu.memory_space<vmem>> -> memref<1x1x128xf32, #tpu.memory_space<vmem>>
      %dma_start3A_349 = tpu.memref_squeeze %dma_start3A_348 : memref<1x1x128xf32, #tpu.memory_space<vmem>> -> memref<128xf32, #tpu.memory_space<vmem>>
      %dma_start3A_350 = arith.constant 0 : i32
      %dma_start3A_351 = tpu.memref_slice %arg6[%rem3A_132, %dma_start3A_350] : memref<2x128xi32, #tpu.memory_space<vmem>> -> memref<1x128xi32, #tpu.memory_space<vmem>>
      %dma_start3A_352 = tpu.memref_squeeze %dma_start3A_351 : memref<1x128xi32, #tpu.memory_space<vmem>> -> memref<128xi32, #tpu.memory_space<vmem>>
      %dma_start3A_353 = arith.constant 0 : i32
      %dma_start3A_354 = tpu.memref_slice %arg10[%dma_start3A_346, %dma_start3A_353] : memref<16x10240xf32, #tpu.memory_space<vmem_shared>> -> memref<1x10240xf32, #tpu.memory_space<vmem_shared>>
      %dma_start3A_355 = tpu.memref_squeeze %dma_start3A_354 : memref<1x10240xf32, #tpu.memory_space<vmem_shared>> -> memref<10240xf32, #tpu.memory_space<vmem_shared>>
      %dma_start3A_356 = arith.constant 0 : i32
      %dma_start3A_357 = tpu.memref_slice %dma_start3A_355[%dma_start3A_356] : memref<10240xf32, #tpu.memory_space<vmem_shared>> -> memref<10240xf32, #tpu.memory_space<vmem_shared>>
      tpu.enqueue_indirect_dma source(%dma_start3A_349 : memref<128xf32, #tpu.memory_space<vmem>>) target(%dma_start3A_357 : memref<10240xf32, #tpu.memory_space<vmem_shared>>) offsets(%dma_start3A_352 : memref<128xi32, #tpu.memory_space<vmem>>) semaphore(%arg12 : memref<!tpu.dma_semaphore, #tpu.memory_space<semaphore_mem>>) {add = true}
      %dma_start3A_358 = arith.constant 15 : i32
      %dma_start3A_359 = arith.constant 15 : i32
      %dma_start3A_360 = arith.constant 0 : i32
      %dma_start3A_361 = tpu.memref_slice %arg9[%rem3A_132, %dma_start3A_358, %dma_start3A_360] : memref<2x16x128xf32, #tpu.memory_space<vmem>> -> memref<1x1x128xf32, #tpu.memory_space<vmem>>
      %dma_start3A_362 = tpu.memref_squeeze %dma_start3A_361 : memref<1x1x128xf32, #tpu.memory_space<vmem>> -> memref<128xf32, #tpu.memory_space<vmem>>
      %dma_start3A_363 = arith.constant 0 : i32
      %dma_start3A_364 = tpu.memref_slice %arg6[%rem3A_132, %dma_start3A_363] : memref<2x128xi32, #tpu.memory_space<vmem>> -> memref<1x128xi32, #tpu.memory_space<vmem>>
      %dma_start3A_365 = tpu.memref_squeeze %dma_start3A_364 : memref<1x128xi32, #tpu.memory_space<vmem>> -> memref<128xi32, #tpu.memory_space<vmem>>
      %dma_start3A_366 = arith.constant 0 : i32
      %dma_start3A_367 = tpu.memref_slice %arg10[%dma_start3A_359, %dma_start3A_366] : memref<16x10240xf32, #tpu.memory_space<vmem_shared>> -> memref<1x10240xf32, #tpu.memory_space<vmem_shared>>
      %dma_start3A_368 = tpu.memref_squeeze %dma_start3A_367 : memref<1x10240xf32, #tpu.memory_space<vmem_shared>> -> memref<10240xf32, #tpu.memory_space<vmem_shared>>
      %dma_start3A_369 = arith.constant 0 : i32
      %dma_start3A_370 = tpu.memref_slice %dma_start3A_368[%dma_start3A_369] : memref<10240xf32, #tpu.memory_space<vmem_shared>> -> memref<10240xf32, #tpu.memory_space<vmem_shared>>
      tpu.enqueue_indirect_dma source(%dma_start3A_362 : memref<128xf32, #tpu.memory_space<vmem>>) target(%dma_start3A_370 : memref<10240xf32, #tpu.memory_space<vmem_shared>>) offsets(%dma_start3A_365 : memref<128xi32, #tpu.memory_space<vmem>>) semaphore(%arg12 : memref<!tpu.dma_semaphore, #tpu.memory_space<semaphore_mem>>) {add = true}
      %dma_start3A_371 = arith.constant 0 : i32
      %dma_start3A_372 = tpu.memref_slice %arg6[%rem3A_132, %dma_start3A_371] : memref<2x128xi32, #tpu.memory_space<vmem>> -> memref<1x128xi32, #tpu.memory_space<vmem>>
      %dma_start3A_373 = tpu.memref_squeeze %dma_start3A_372 : memref<1x128xi32, #tpu.memory_space<vmem>> -> memref<128xi32, #tpu.memory_space<vmem>>
      %dma_start3A_374 = arith.constant 0 : i32
      %dma_start3A_375 = tpu.memref_slice %arg11[%dma_start3A_374] : memref<10240xf32, #tpu.memory_space<vmem_shared>> -> memref<10240xf32, #tpu.memory_space<vmem_shared>>
      tpu.enqueue_indirect_dma source(%arg7 : memref<128xf32, #tpu.memory_space<vmem>>) target(%dma_start3A_375 : memref<10240xf32, #tpu.memory_space<vmem_shared>>) offsets(%dma_start3A_373 : memref<128xi32, #tpu.memory_space<vmem>>) semaphore(%arg12 : memref<!tpu.dma_semaphore, #tpu.memory_space<semaphore_mem>>) {add = true}
      %dma_wait3A_376 = arith.constant 0 : i32
      %dma_wait3A_377 = arith.constant 0 : i32
      %dma_wait3A_378 = arith.constant 0 : i32
      %dma_wait3A_379 = tpu.memref_slice %arg9[%rem3A_132, %dma_wait3A_376, %dma_wait3A_378] : memref<2x16x128xf32, #tpu.memory_space<vmem>> -> memref<1x1x128xf32, #tpu.memory_space<vmem>>
      %dma_wait3A_380 = tpu.memref_squeeze %dma_wait3A_379 : memref<1x1x128xf32, #tpu.memory_space<vmem>> -> memref<128xf32, #tpu.memory_space<vmem>>
      %dma_wait3A_381 = arith.constant 0 : i32
      %dma_wait3A_382 = tpu.memref_slice %arg6[%rem3A_132, %dma_wait3A_381] : memref<2x128xi32, #tpu.memory_space<vmem>> -> memref<1x128xi32, #tpu.memory_space<vmem>>
      %dma_wait3A_383 = tpu.memref_squeeze %dma_wait3A_382 : memref<1x128xi32, #tpu.memory_space<vmem>> -> memref<128xi32, #tpu.memory_space<vmem>>
      %dma_wait3A_384 = arith.constant 0 : i32
      %dma_wait3A_385 = tpu.memref_slice %arg10[%dma_wait3A_377, %dma_wait3A_384] : memref<16x10240xf32, #tpu.memory_space<vmem_shared>> -> memref<1x10240xf32, #tpu.memory_space<vmem_shared>>
      %dma_wait3A_386 = tpu.memref_squeeze %dma_wait3A_385 : memref<1x10240xf32, #tpu.memory_space<vmem_shared>> -> memref<10240xf32, #tpu.memory_space<vmem_shared>>
      %dma_wait3A_387 = arith.constant 0 : i32
      %dma_wait3A_388 = tpu.memref_slice %dma_wait3A_386[%dma_wait3A_387] : memref<10240xf32, #tpu.memory_space<vmem_shared>> -> memref<10240xf32, #tpu.memory_space<vmem_shared>>
      tpu.wait_indirect_dma semaphore(%arg12 : memref<!tpu.dma_semaphore, #tpu.memory_space<semaphore_mem>>) src(%dma_wait3A_380 : memref<128xf32, #tpu.memory_space<vmem>>) dst(%dma_wait3A_388 : memref<10240xf32, #tpu.memory_space<vmem_shared>>)
      %dma_wait3A_389 = arith.constant 1 : i32
      %dma_wait3A_390 = arith.constant 1 : i32
      %dma_wait3A_391 = arith.constant 0 : i32
      %dma_wait3A_392 = tpu.memref_slice %arg9[%rem3A_132, %dma_wait3A_389, %dma_wait3A_391] : memref<2x16x128xf32, #tpu.memory_space<vmem>> -> memref<1x1x128xf32, #tpu.memory_space<vmem>>
      %dma_wait3A_393 = tpu.memref_squeeze %dma_wait3A_392 : memref<1x1x128xf32, #tpu.memory_space<vmem>> -> memref<128xf32, #tpu.memory_space<vmem>>
      %dma_wait3A_394 = arith.constant 0 : i32
      %dma_wait3A_395 = tpu.memref_slice %arg6[%rem3A_132, %dma_wait3A_394] : memref<2x128xi32, #tpu.memory_space<vmem>> -> memref<1x128xi32, #tpu.memory_space<vmem>>
      %dma_wait3A_396 = tpu.memref_squeeze %dma_wait3A_395 : memref<1x128xi32, #tpu.memory_space<vmem>> -> memref<128xi32, #tpu.memory_space<vmem>>
      %dma_wait3A_397 = arith.constant 0 : i32
      %dma_wait3A_398 = tpu.memref_slice %arg10[%dma_wait3A_390, %dma_wait3A_397] : memref<16x10240xf32, #tpu.memory_space<vmem_shared>> -> memref<1x10240xf32, #tpu.memory_space<vmem_shared>>
      %dma_wait3A_399 = tpu.memref_squeeze %dma_wait3A_398 : memref<1x10240xf32, #tpu.memory_space<vmem_shared>> -> memref<10240xf32, #tpu.memory_space<vmem_shared>>
      %dma_wait3A_400 = arith.constant 0 : i32
      %dma_wait3A_401 = tpu.memref_slice %dma_wait3A_399[%dma_wait3A_400] : memref<10240xf32, #tpu.memory_space<vmem_shared>> -> memref<10240xf32, #tpu.memory_space<vmem_shared>>
      tpu.wait_indirect_dma semaphore(%arg12 : memref<!tpu.dma_semaphore, #tpu.memory_space<semaphore_mem>>) src(%dma_wait3A_393 : memref<128xf32, #tpu.memory_space<vmem>>) dst(%dma_wait3A_401 : memref<10240xf32, #tpu.memory_space<vmem_shared>>)
      %dma_wait3A_402 = arith.constant 2 : i32
      %dma_wait3A_403 = arith.constant 2 : i32
      %dma_wait3A_404 = arith.constant 0 : i32
      %dma_wait3A_405 = tpu.memref_slice %arg9[%rem3A_132, %dma_wait3A_402, %dma_wait3A_404] : memref<2x16x128xf32, #tpu.memory_space<vmem>> -> memref<1x1x128xf32, #tpu.memory_space<vmem>>
      %dma_wait3A_406 = tpu.memref_squeeze %dma_wait3A_405 : memref<1x1x128xf32, #tpu.memory_space<vmem>> -> memref<128xf32, #tpu.memory_space<vmem>>
      %dma_wait3A_407 = arith.constant 0 : i32
      %dma_wait3A_408 = tpu.memref_slice %arg6[%rem3A_132, %dma_wait3A_407] : memref<2x128xi32, #tpu.memory_space<vmem>> -> memref<1x128xi32, #tpu.memory_space<vmem>>
      %dma_wait3A_409 = tpu.memref_squeeze %dma_wait3A_408 : memref<1x128xi32, #tpu.memory_space<vmem>> -> memref<128xi32, #tpu.memory_space<vmem>>
      %dma_wait3A_410 = arith.constant 0 : i32
      %dma_wait3A_411 = tpu.memref_slice %arg10[%dma_wait3A_403, %dma_wait3A_410] : memref<16x10240xf32, #tpu.memory_space<vmem_shared>> -> memref<1x10240xf32, #tpu.memory_space<vmem_shared>>
      %dma_wait3A_412 = tpu.memref_squeeze %dma_wait3A_411 : memref<1x10240xf32, #tpu.memory_space<vmem_shared>> -> memref<10240xf32, #tpu.memory_space<vmem_shared>>
      %dma_wait3A_413 = arith.constant 0 : i32
      %dma_wait3A_414 = tpu.memref_slice %dma_wait3A_412[%dma_wait3A_413] : memref<10240xf32, #tpu.memory_space<vmem_shared>> -> memref<10240xf32, #tpu.memory_space<vmem_shared>>
      tpu.wait_indirect_dma semaphore(%arg12 : memref<!tpu.dma_semaphore, #tpu.memory_space<semaphore_mem>>) src(%dma_wait3A_406 : memref<128xf32, #tpu.memory_space<vmem>>) dst(%dma_wait3A_414 : memref<10240xf32, #tpu.memory_space<vmem_shared>>)
      %dma_wait3A_415 = arith.constant 3 : i32
      %dma_wait3A_416 = arith.constant 3 : i32
      %dma_wait3A_417 = arith.constant 0 : i32
      %dma_wait3A_418 = tpu.memref_slice %arg9[%rem3A_132, %dma_wait3A_415, %dma_wait3A_417] : memref<2x16x128xf32, #tpu.memory_space<vmem>> -> memref<1x1x128xf32, #tpu.memory_space<vmem>>
      %dma_wait3A_419 = tpu.memref_squeeze %dma_wait3A_418 : memref<1x1x128xf32, #tpu.memory_space<vmem>> -> memref<128xf32, #tpu.memory_space<vmem>>
      %dma_wait3A_420 = arith.constant 0 : i32
      %dma_wait3A_421 = tpu.memref_slice %arg6[%rem3A_132, %dma_wait3A_420] : memref<2x128xi32, #tpu.memory_space<vmem>> -> memref<1x128xi32, #tpu.memory_space<vmem>>
      %dma_wait3A_422 = tpu.memref_squeeze %dma_wait3A_421 : memref<1x128xi32, #tpu.memory_space<vmem>> -> memref<128xi32, #tpu.memory_space<vmem>>
      %dma_wait3A_423 = arith.constant 0 : i32
      %dma_wait3A_424 = tpu.memref_slice %arg10[%dma_wait3A_416, %dma_wait3A_423] : memref<16x10240xf32, #tpu.memory_space<vmem_shared>> -> memref<1x10240xf32, #tpu.memory_space<vmem_shared>>
      %dma_wait3A_425 = tpu.memref_squeeze %dma_wait3A_424 : memref<1x10240xf32, #tpu.memory_space<vmem_shared>> -> memref<10240xf32, #tpu.memory_space<vmem_shared>>
      %dma_wait3A_426 = arith.constant 0 : i32
      %dma_wait3A_427 = tpu.memref_slice %dma_wait3A_425[%dma_wait3A_426] : memref<10240xf32, #tpu.memory_space<vmem_shared>> -> memref<10240xf32, #tpu.memory_space<vmem_shared>>
      tpu.wait_indirect_dma semaphore(%arg12 : memref<!tpu.dma_semaphore, #tpu.memory_space<semaphore_mem>>) src(%dma_wait3A_419 : memref<128xf32, #tpu.memory_space<vmem>>) dst(%dma_wait3A_427 : memref<10240xf32, #tpu.memory_space<vmem_shared>>)
      %dma_wait3A_428 = arith.constant 4 : i32
      %dma_wait3A_429 = arith.constant 4 : i32
      %dma_wait3A_430 = arith.constant 0 : i32
      %dma_wait3A_431 = tpu.memref_slice %arg9[%rem3A_132, %dma_wait3A_428, %dma_wait3A_430] : memref<2x16x128xf32, #tpu.memory_space<vmem>> -> memref<1x1x128xf32, #tpu.memory_space<vmem>>
      %dma_wait3A_432 = tpu.memref_squeeze %dma_wait3A_431 : memref<1x1x128xf32, #tpu.memory_space<vmem>> -> memref<128xf32, #tpu.memory_space<vmem>>
      %dma_wait3A_433 = arith.constant 0 : i32
      %dma_wait3A_434 = tpu.memref_slice %arg6[%rem3A_132, %dma_wait3A_433] : memref<2x128xi32, #tpu.memory_space<vmem>> -> memref<1x128xi32, #tpu.memory_space<vmem>>
      %dma_wait3A_435 = tpu.memref_squeeze %dma_wait3A_434 : memref<1x128xi32, #tpu.memory_space<vmem>> -> memref<128xi32, #tpu.memory_space<vmem>>
      %dma_wait3A_436 = arith.constant 0 : i32
      %dma_wait3A_437 = tpu.memref_slice %arg10[%dma_wait3A_429, %dma_wait3A_436] : memref<16x10240xf32, #tpu.memory_space<vmem_shared>> -> memref<1x10240xf32, #tpu.memory_space<vmem_shared>>
      %dma_wait3A_438 = tpu.memref_squeeze %dma_wait3A_437 : memref<1x10240xf32, #tpu.memory_space<vmem_shared>> -> memref<10240xf32, #tpu.memory_space<vmem_shared>>
      %dma_wait3A_439 = arith.constant 0 : i32
      %dma_wait3A_440 = tpu.memref_slice %dma_wait3A_438[%dma_wait3A_439] : memref<10240xf32, #tpu.memory_space<vmem_shared>> -> memref<10240xf32, #tpu.memory_space<vmem_shared>>
      tpu.wait_indirect_dma semaphore(%arg12 : memref<!tpu.dma_semaphore, #tpu.memory_space<semaphore_mem>>) src(%dma_wait3A_432 : memref<128xf32, #tpu.memory_space<vmem>>) dst(%dma_wait3A_440 : memref<10240xf32, #tpu.memory_space<vmem_shared>>)
      %dma_wait3A_441 = arith.constant 5 : i32
      %dma_wait3A_442 = arith.constant 5 : i32
      %dma_wait3A_443 = arith.constant 0 : i32
      %dma_wait3A_444 = tpu.memref_slice %arg9[%rem3A_132, %dma_wait3A_441, %dma_wait3A_443] : memref<2x16x128xf32, #tpu.memory_space<vmem>> -> memref<1x1x128xf32, #tpu.memory_space<vmem>>
      %dma_wait3A_445 = tpu.memref_squeeze %dma_wait3A_444 : memref<1x1x128xf32, #tpu.memory_space<vmem>> -> memref<128xf32, #tpu.memory_space<vmem>>
      %dma_wait3A_446 = arith.constant 0 : i32
      %dma_wait3A_447 = tpu.memref_slice %arg6[%rem3A_132, %dma_wait3A_446] : memref<2x128xi32, #tpu.memory_space<vmem>> -> memref<1x128xi32, #tpu.memory_space<vmem>>
      %dma_wait3A_448 = tpu.memref_squeeze %dma_wait3A_447 : memref<1x128xi32, #tpu.memory_space<vmem>> -> memref<128xi32, #tpu.memory_space<vmem>>
      %dma_wait3A_449 = arith.constant 0 : i32
      %dma_wait3A_450 = tpu.memref_slice %arg10[%dma_wait3A_442, %dma_wait3A_449] : memref<16x10240xf32, #tpu.memory_space<vmem_shared>> -> memref<1x10240xf32, #tpu.memory_space<vmem_shared>>
      %dma_wait3A_451 = tpu.memref_squeeze %dma_wait3A_450 : memref<1x10240xf32, #tpu.memory_space<vmem_shared>> -> memref<10240xf32, #tpu.memory_space<vmem_shared>>
      %dma_wait3A_452 = arith.constant 0 : i32
      %dma_wait3A_453 = tpu.memref_slice %dma_wait3A_451[%dma_wait3A_452] : memref<10240xf32, #tpu.memory_space<vmem_shared>> -> memref<10240xf32, #tpu.memory_space<vmem_shared>>
      tpu.wait_indirect_dma semaphore(%arg12 : memref<!tpu.dma_semaphore, #tpu.memory_space<semaphore_mem>>) src(%dma_wait3A_445 : memref<128xf32, #tpu.memory_space<vmem>>) dst(%dma_wait3A_453 : memref<10240xf32, #tpu.memory_space<vmem_shared>>)
      %dma_wait3A_454 = arith.constant 6 : i32
      %dma_wait3A_455 = arith.constant 6 : i32
      %dma_wait3A_456 = arith.constant 0 : i32
      %dma_wait3A_457 = tpu.memref_slice %arg9[%rem3A_132, %dma_wait3A_454, %dma_wait3A_456] : memref<2x16x128xf32, #tpu.memory_space<vmem>> -> memref<1x1x128xf32, #tpu.memory_space<vmem>>
      %dma_wait3A_458 = tpu.memref_squeeze %dma_wait3A_457 : memref<1x1x128xf32, #tpu.memory_space<vmem>> -> memref<128xf32, #tpu.memory_space<vmem>>
      %dma_wait3A_459 = arith.constant 0 : i32
      %dma_wait3A_460 = tpu.memref_slice %arg6[%rem3A_132, %dma_wait3A_459] : memref<2x128xi32, #tpu.memory_space<vmem>> -> memref<1x128xi32, #tpu.memory_space<vmem>>
      %dma_wait3A_461 = tpu.memref_squeeze %dma_wait3A_460 : memref<1x128xi32, #tpu.memory_space<vmem>> -> memref<128xi32, #tpu.memory_space<vmem>>
      %dma_wait3A_462 = arith.constant 0 : i32
      %dma_wait3A_463 = tpu.memref_slice %arg10[%dma_wait3A_455, %dma_wait3A_462] : memref<16x10240xf32, #tpu.memory_space<vmem_shared>> -> memref<1x10240xf32, #tpu.memory_space<vmem_shared>>
      %dma_wait3A_464 = tpu.memref_squeeze %dma_wait3A_463 : memref<1x10240xf32, #tpu.memory_space<vmem_shared>> -> memref<10240xf32, #tpu.memory_space<vmem_shared>>
      %dma_wait3A_465 = arith.constant 0 : i32
      %dma_wait3A_466 = tpu.memref_slice %dma_wait3A_464[%dma_wait3A_465] : memref<10240xf32, #tpu.memory_space<vmem_shared>> -> memref<10240xf32, #tpu.memory_space<vmem_shared>>
      tpu.wait_indirect_dma semaphore(%arg12 : memref<!tpu.dma_semaphore, #tpu.memory_space<semaphore_mem>>) src(%dma_wait3A_458 : memref<128xf32, #tpu.memory_space<vmem>>) dst(%dma_wait3A_466 : memref<10240xf32, #tpu.memory_space<vmem_shared>>)
      %dma_wait3A_467 = arith.constant 7 : i32
      %dma_wait3A_468 = arith.constant 7 : i32
      %dma_wait3A_469 = arith.constant 0 : i32
      %dma_wait3A_470 = tpu.memref_slice %arg9[%rem3A_132, %dma_wait3A_467, %dma_wait3A_469] : memref<2x16x128xf32, #tpu.memory_space<vmem>> -> memref<1x1x128xf32, #tpu.memory_space<vmem>>
      %dma_wait3A_471 = tpu.memref_squeeze %dma_wait3A_470 : memref<1x1x128xf32, #tpu.memory_space<vmem>> -> memref<128xf32, #tpu.memory_space<vmem>>
      %dma_wait3A_472 = arith.constant 0 : i32
      %dma_wait3A_473 = tpu.memref_slice %arg6[%rem3A_132, %dma_wait3A_472] : memref<2x128xi32, #tpu.memory_space<vmem>> -> memref<1x128xi32, #tpu.memory_space<vmem>>
      %dma_wait3A_474 = tpu.memref_squeeze %dma_wait3A_473 : memref<1x128xi32, #tpu.memory_space<vmem>> -> memref<128xi32, #tpu.memory_space<vmem>>
      %dma_wait3A_475 = arith.constant 0 : i32
      %dma_wait3A_476 = tpu.memref_slice %arg10[%dma_wait3A_468, %dma_wait3A_475] : memref<16x10240xf32, #tpu.memory_space<vmem_shared>> -> memref<1x10240xf32, #tpu.memory_space<vmem_shared>>
      %dma_wait3A_477 = tpu.memref_squeeze %dma_wait3A_476 : memref<1x10240xf32, #tpu.memory_space<vmem_shared>> -> memref<10240xf32, #tpu.memory_space<vmem_shared>>
      %dma_wait3A_478 = arith.constant 0 : i32
      %dma_wait3A_479 = tpu.memref_slice %dma_wait3A_477[%dma_wait3A_478] : memref<10240xf32, #tpu.memory_space<vmem_shared>> -> memref<10240xf32, #tpu.memory_space<vmem_shared>>
      tpu.wait_indirect_dma semaphore(%arg12 : memref<!tpu.dma_semaphore, #tpu.memory_space<semaphore_mem>>) src(%dma_wait3A_471 : memref<128xf32, #tpu.memory_space<vmem>>) dst(%dma_wait3A_479 : memref<10240xf32, #tpu.memory_space<vmem_shared>>)
      %dma_wait3A_480 = arith.constant 8 : i32
      %dma_wait3A_481 = arith.constant 8 : i32
      %dma_wait3A_482 = arith.constant 0 : i32
      %dma_wait3A_483 = tpu.memref_slice %arg9[%rem3A_132, %dma_wait3A_480, %dma_wait3A_482] : memref<2x16x128xf32, #tpu.memory_space<vmem>> -> memref<1x1x128xf32, #tpu.memory_space<vmem>>
      %dma_wait3A_484 = tpu.memref_squeeze %dma_wait3A_483 : memref<1x1x128xf32, #tpu.memory_space<vmem>> -> memref<128xf32, #tpu.memory_space<vmem>>
      %dma_wait3A_485 = arith.constant 0 : i32
      %dma_wait3A_486 = tpu.memref_slice %arg6[%rem3A_132, %dma_wait3A_485] : memref<2x128xi32, #tpu.memory_space<vmem>> -> memref<1x128xi32, #tpu.memory_space<vmem>>
      %dma_wait3A_487 = tpu.memref_squeeze %dma_wait3A_486 : memref<1x128xi32, #tpu.memory_space<vmem>> -> memref<128xi32, #tpu.memory_space<vmem>>
      %dma_wait3A_488 = arith.constant 0 : i32
      %dma_wait3A_489 = tpu.memref_slice %arg10[%dma_wait3A_481, %dma_wait3A_488] : memref<16x10240xf32, #tpu.memory_space<vmem_shared>> -> memref<1x10240xf32, #tpu.memory_space<vmem_shared>>
      %dma_wait3A_490 = tpu.memref_squeeze %dma_wait3A_489 : memref<1x10240xf32, #tpu.memory_space<vmem_shared>> -> memref<10240xf32, #tpu.memory_space<vmem_shared>>
      %dma_wait3A_491 = arith.constant 0 : i32
      %dma_wait3A_492 = tpu.memref_slice %dma_wait3A_490[%dma_wait3A_491] : memref<10240xf32, #tpu.memory_space<vmem_shared>> -> memref<10240xf32, #tpu.memory_space<vmem_shared>>
      tpu.wait_indirect_dma semaphore(%arg12 : memref<!tpu.dma_semaphore, #tpu.memory_space<semaphore_mem>>) src(%dma_wait3A_484 : memref<128xf32, #tpu.memory_space<vmem>>) dst(%dma_wait3A_492 : memref<10240xf32, #tpu.memory_space<vmem_shared>>)
      %dma_wait3A_493 = arith.constant 9 : i32
      %dma_wait3A_494 = arith.constant 9 : i32
      %dma_wait3A_495 = arith.constant 0 : i32
      %dma_wait3A_496 = tpu.memref_slice %arg9[%rem3A_132, %dma_wait3A_493, %dma_wait3A_495] : memref<2x16x128xf32, #tpu.memory_space<vmem>> -> memref<1x1x128xf32, #tpu.memory_space<vmem>>
      %dma_wait3A_497 = tpu.memref_squeeze %dma_wait3A_496 : memref<1x1x128xf32, #tpu.memory_space<vmem>> -> memref<128xf32, #tpu.memory_space<vmem>>
      %dma_wait3A_498 = arith.constant 0 : i32
      %dma_wait3A_499 = tpu.memref_slice %arg6[%rem3A_132, %dma_wait3A_498] : memref<2x128xi32, #tpu.memory_space<vmem>> -> memref<1x128xi32, #tpu.memory_space<vmem>>
      %dma_wait3A_500 = tpu.memref_squeeze %dma_wait3A_499 : memref<1x128xi32, #tpu.memory_space<vmem>> -> memref<128xi32, #tpu.memory_space<vmem>>
      %dma_wait3A_501 = arith.constant 0 : i32
      %dma_wait3A_502 = tpu.memref_slice %arg10[%dma_wait3A_494, %dma_wait3A_501] : memref<16x10240xf32, #tpu.memory_space<vmem_shared>> -> memref<1x10240xf32, #tpu.memory_space<vmem_shared>>
      %dma_wait3A_503 = tpu.memref_squeeze %dma_wait3A_502 : memref<1x10240xf32, #tpu.memory_space<vmem_shared>> -> memref<10240xf32, #tpu.memory_space<vmem_shared>>
      %dma_wait3A_504 = arith.constant 0 : i32
      %dma_wait3A_505 = tpu.memref_slice %dma_wait3A_503[%dma_wait3A_504] : memref<10240xf32, #tpu.memory_space<vmem_shared>> -> memref<10240xf32, #tpu.memory_space<vmem_shared>>
      tpu.wait_indirect_dma semaphore(%arg12 : memref<!tpu.dma_semaphore, #tpu.memory_space<semaphore_mem>>) src(%dma_wait3A_497 : memref<128xf32, #tpu.memory_space<vmem>>) dst(%dma_wait3A_505 : memref<10240xf32, #tpu.memory_space<vmem_shared>>)
      %dma_wait3A_506 = arith.constant 10 : i32
      %dma_wait3A_507 = arith.constant 10 : i32
      %dma_wait3A_508 = arith.constant 0 : i32
      %dma_wait3A_509 = tpu.memref_slice %arg9[%rem3A_132, %dma_wait3A_506, %dma_wait3A_508] : memref<2x16x128xf32, #tpu.memory_space<vmem>> -> memref<1x1x128xf32, #tpu.memory_space<vmem>>
      %dma_wait3A_510 = tpu.memref_squeeze %dma_wait3A_509 : memref<1x1x128xf32, #tpu.memory_space<vmem>> -> memref<128xf32, #tpu.memory_space<vmem>>
      %dma_wait3A_511 = arith.constant 0 : i32
      %dma_wait3A_512 = tpu.memref_slice %arg6[%rem3A_132, %dma_wait3A_511] : memref<2x128xi32, #tpu.memory_space<vmem>> -> memref<1x128xi32, #tpu.memory_space<vmem>>
      %dma_wait3A_513 = tpu.memref_squeeze %dma_wait3A_512 : memref<1x128xi32, #tpu.memory_space<vmem>> -> memref<128xi32, #tpu.memory_space<vmem>>
      %dma_wait3A_514 = arith.constant 0 : i32
      %dma_wait3A_515 = tpu.memref_slice %arg10[%dma_wait3A_507, %dma_wait3A_514] : memref<16x10240xf32, #tpu.memory_space<vmem_shared>> -> memref<1x10240xf32, #tpu.memory_space<vmem_shared>>
      %dma_wait3A_516 = tpu.memref_squeeze %dma_wait3A_515 : memref<1x10240xf32, #tpu.memory_space<vmem_shared>> -> memref<10240xf32, #tpu.memory_space<vmem_shared>>
      %dma_wait3A_517 = arith.constant 0 : i32
      %dma_wait3A_518 = tpu.memref_slice %dma_wait3A_516[%dma_wait3A_517] : memref<10240xf32, #tpu.memory_space<vmem_shared>> -> memref<10240xf32, #tpu.memory_space<vmem_shared>>
      tpu.wait_indirect_dma semaphore(%arg12 : memref<!tpu.dma_semaphore, #tpu.memory_space<semaphore_mem>>) src(%dma_wait3A_510 : memref<128xf32, #tpu.memory_space<vmem>>) dst(%dma_wait3A_518 : memref<10240xf32, #tpu.memory_space<vmem_shared>>)
      %dma_wait3A_519 = arith.constant 11 : i32
      %dma_wait3A_520 = arith.constant 11 : i32
      %dma_wait3A_521 = arith.constant 0 : i32
      %dma_wait3A_522 = tpu.memref_slice %arg9[%rem3A_132, %dma_wait3A_519, %dma_wait3A_521] : memref<2x16x128xf32, #tpu.memory_space<vmem>> -> memref<1x1x128xf32, #tpu.memory_space<vmem>>
      %dma_wait3A_523 = tpu.memref_squeeze %dma_wait3A_522 : memref<1x1x128xf32, #tpu.memory_space<vmem>> -> memref<128xf32, #tpu.memory_space<vmem>>
      %dma_wait3A_524 = arith.constant 0 : i32
      %dma_wait3A_525 = tpu.memref_slice %arg6[%rem3A_132, %dma_wait3A_524] : memref<2x128xi32, #tpu.memory_space<vmem>> -> memref<1x128xi32, #tpu.memory_space<vmem>>
      %dma_wait3A_526 = tpu.memref_squeeze %dma_wait3A_525 : memref<1x128xi32, #tpu.memory_space<vmem>> -> memref<128xi32, #tpu.memory_space<vmem>>
      %dma_wait3A_527 = arith.constant 0 : i32
      %dma_wait3A_528 = tpu.memref_slice %arg10[%dma_wait3A_520, %dma_wait3A_527] : memref<16x10240xf32, #tpu.memory_space<vmem_shared>> -> memref<1x10240xf32, #tpu.memory_space<vmem_shared>>
      %dma_wait3A_529 = tpu.memref_squeeze %dma_wait3A_528 : memref<1x10240xf32, #tpu.memory_space<vmem_shared>> -> memref<10240xf32, #tpu.memory_space<vmem_shared>>
      %dma_wait3A_530 = arith.constant 0 : i32
      %dma_wait3A_531 = tpu.memref_slice %dma_wait3A_529[%dma_wait3A_530] : memref<10240xf32, #tpu.memory_space<vmem_shared>> -> memref<10240xf32, #tpu.memory_space<vmem_shared>>
      tpu.wait_indirect_dma semaphore(%arg12 : memref<!tpu.dma_semaphore, #tpu.memory_space<semaphore_mem>>) src(%dma_wait3A_523 : memref<128xf32, #tpu.memory_space<vmem>>) dst(%dma_wait3A_531 : memref<10240xf32, #tpu.memory_space<vmem_shared>>)
      %dma_wait3A_532 = arith.constant 12 : i32
      %dma_wait3A_533 = arith.constant 12 : i32
      %dma_wait3A_534 = arith.constant 0 : i32
      %dma_wait3A_535 = tpu.memref_slice %arg9[%rem3A_132, %dma_wait3A_532, %dma_wait3A_534] : memref<2x16x128xf32, #tpu.memory_space<vmem>> -> memref<1x1x128xf32, #tpu.memory_space<vmem>>
      %dma_wait3A_536 = tpu.memref_squeeze %dma_wait3A_535 : memref<1x1x128xf32, #tpu.memory_space<vmem>> -> memref<128xf32, #tpu.memory_space<vmem>>
      %dma_wait3A_537 = arith.constant 0 : i32
      %dma_wait3A_538 = tpu.memref_slice %arg6[%rem3A_132, %dma_wait3A_537] : memref<2x128xi32, #tpu.memory_space<vmem>> -> memref<1x128xi32, #tpu.memory_space<vmem>>
      %dma_wait3A_539 = tpu.memref_squeeze %dma_wait3A_538 : memref<1x128xi32, #tpu.memory_space<vmem>> -> memref<128xi32, #tpu.memory_space<vmem>>
      %dma_wait3A_540 = arith.constant 0 : i32
      %dma_wait3A_541 = tpu.memref_slice %arg10[%dma_wait3A_533, %dma_wait3A_540] : memref<16x10240xf32, #tpu.memory_space<vmem_shared>> -> memref<1x10240xf32, #tpu.memory_space<vmem_shared>>
      %dma_wait3A_542 = tpu.memref_squeeze %dma_wait3A_541 : memref<1x10240xf32, #tpu.memory_space<vmem_shared>> -> memref<10240xf32, #tpu.memory_space<vmem_shared>>
      %dma_wait3A_543 = arith.constant 0 : i32
      %dma_wait3A_544 = tpu.memref_slice %dma_wait3A_542[%dma_wait3A_543] : memref<10240xf32, #tpu.memory_space<vmem_shared>> -> memref<10240xf32, #tpu.memory_space<vmem_shared>>
      tpu.wait_indirect_dma semaphore(%arg12 : memref<!tpu.dma_semaphore, #tpu.memory_space<semaphore_mem>>) src(%dma_wait3A_536 : memref<128xf32, #tpu.memory_space<vmem>>) dst(%dma_wait3A_544 : memref<10240xf32, #tpu.memory_space<vmem_shared>>)
      %dma_wait3A_545 = arith.constant 13 : i32
      %dma_wait3A_546 = arith.constant 13 : i32
      %dma_wait3A_547 = arith.constant 0 : i32
      %dma_wait3A_548 = tpu.memref_slice %arg9[%rem3A_132, %dma_wait3A_545, %dma_wait3A_547] : memref<2x16x128xf32, #tpu.memory_space<vmem>> -> memref<1x1x128xf32, #tpu.memory_space<vmem>>
      %dma_wait3A_549 = tpu.memref_squeeze %dma_wait3A_548 : memref<1x1x128xf32, #tpu.memory_space<vmem>> -> memref<128xf32, #tpu.memory_space<vmem>>
      %dma_wait3A_550 = arith.constant 0 : i32
      %dma_wait3A_551 = tpu.memref_slice %arg6[%rem3A_132, %dma_wait3A_550] : memref<2x128xi32, #tpu.memory_space<vmem>> -> memref<1x128xi32, #tpu.memory_space<vmem>>
      %dma_wait3A_552 = tpu.memref_squeeze %dma_wait3A_551 : memref<1x128xi32, #tpu.memory_space<vmem>> -> memref<128xi32, #tpu.memory_space<vmem>>
      %dma_wait3A_553 = arith.constant 0 : i32
      %dma_wait3A_554 = tpu.memref_slice %arg10[%dma_wait3A_546, %dma_wait3A_553] : memref<16x10240xf32, #tpu.memory_space<vmem_shared>> -> memref<1x10240xf32, #tpu.memory_space<vmem_shared>>
      %dma_wait3A_555 = tpu.memref_squeeze %dma_wait3A_554 : memref<1x10240xf32, #tpu.memory_space<vmem_shared>> -> memref<10240xf32, #tpu.memory_space<vmem_shared>>
      %dma_wait3A_556 = arith.constant 0 : i32
      %dma_wait3A_557 = tpu.memref_slice %dma_wait3A_555[%dma_wait3A_556] : memref<10240xf32, #tpu.memory_space<vmem_shared>> -> memref<10240xf32, #tpu.memory_space<vmem_shared>>
      tpu.wait_indirect_dma semaphore(%arg12 : memref<!tpu.dma_semaphore, #tpu.memory_space<semaphore_mem>>) src(%dma_wait3A_549 : memref<128xf32, #tpu.memory_space<vmem>>) dst(%dma_wait3A_557 : memref<10240xf32, #tpu.memory_space<vmem_shared>>)
      %dma_wait3A_558 = arith.constant 14 : i32
      %dma_wait3A_559 = arith.constant 14 : i32
      %dma_wait3A_560 = arith.constant 0 : i32
      %dma_wait3A_561 = tpu.memref_slice %arg9[%rem3A_132, %dma_wait3A_558, %dma_wait3A_560] : memref<2x16x128xf32, #tpu.memory_space<vmem>> -> memref<1x1x128xf32, #tpu.memory_space<vmem>>
      %dma_wait3A_562 = tpu.memref_squeeze %dma_wait3A_561 : memref<1x1x128xf32, #tpu.memory_space<vmem>> -> memref<128xf32, #tpu.memory_space<vmem>>
      %dma_wait3A_563 = arith.constant 0 : i32
      %dma_wait3A_564 = tpu.memref_slice %arg6[%rem3A_132, %dma_wait3A_563] : memref<2x128xi32, #tpu.memory_space<vmem>> -> memref<1x128xi32, #tpu.memory_space<vmem>>
      %dma_wait3A_565 = tpu.memref_squeeze %dma_wait3A_564 : memref<1x128xi32, #tpu.memory_space<vmem>> -> memref<128xi32, #tpu.memory_space<vmem>>
      %dma_wait3A_566 = arith.constant 0 : i32
      %dma_wait3A_567 = tpu.memref_slice %arg10[%dma_wait3A_559, %dma_wait3A_566] : memref<16x10240xf32, #tpu.memory_space<vmem_shared>> -> memref<1x10240xf32, #tpu.memory_space<vmem_shared>>
      %dma_wait3A_568 = tpu.memref_squeeze %dma_wait3A_567 : memref<1x10240xf32, #tpu.memory_space<vmem_shared>> -> memref<10240xf32, #tpu.memory_space<vmem_shared>>
      %dma_wait3A_569 = arith.constant 0 : i32
      %dma_wait3A_570 = tpu.memref_slice %dma_wait3A_568[%dma_wait3A_569] : memref<10240xf32, #tpu.memory_space<vmem_shared>> -> memref<10240xf32, #tpu.memory_space<vmem_shared>>
      tpu.wait_indirect_dma semaphore(%arg12 : memref<!tpu.dma_semaphore, #tpu.memory_space<semaphore_mem>>) src(%dma_wait3A_562 : memref<128xf32, #tpu.memory_space<vmem>>) dst(%dma_wait3A_570 : memref<10240xf32, #tpu.memory_space<vmem_shared>>)
      %dma_wait3A_571 = arith.constant 15 : i32
      %dma_wait3A_572 = arith.constant 15 : i32
      %dma_wait3A_573 = arith.constant 0 : i32
      %dma_wait3A_574 = tpu.memref_slice %arg9[%rem3A_132, %dma_wait3A_571, %dma_wait3A_573] : memref<2x16x128xf32, #tpu.memory_space<vmem>> -> memref<1x1x128xf32, #tpu.memory_space<vmem>>
      %dma_wait3A_575 = tpu.memref_squeeze %dma_wait3A_574 : memref<1x1x128xf32, #tpu.memory_space<vmem>> -> memref<128xf32, #tpu.memory_space<vmem>>
      %dma_wait3A_576 = arith.constant 0 : i32
      %dma_wait3A_577 = tpu.memref_slice %arg6[%rem3A_132, %dma_wait3A_576] : memref<2x128xi32, #tpu.memory_space<vmem>> -> memref<1x128xi32, #tpu.memory_space<vmem>>
      %dma_wait3A_578 = tpu.memref_squeeze %dma_wait3A_577 : memref<1x128xi32, #tpu.memory_space<vmem>> -> memref<128xi32, #tpu.memory_space<vmem>>
      %dma_wait3A_579 = arith.constant 0 : i32
      %dma_wait3A_580 = tpu.memref_slice %arg10[%dma_wait3A_572, %dma_wait3A_579] : memref<16x10240xf32, #tpu.memory_space<vmem_shared>> -> memref<1x10240xf32, #tpu.memory_space<vmem_shared>>
      %dma_wait3A_581 = tpu.memref_squeeze %dma_wait3A_580 : memref<1x10240xf32, #tpu.memory_space<vmem_shared>> -> memref<10240xf32, #tpu.memory_space<vmem_shared>>
      %dma_wait3A_582 = arith.constant 0 : i32
      %dma_wait3A_583 = tpu.memref_slice %dma_wait3A_581[%dma_wait3A_582] : memref<10240xf32, #tpu.memory_space<vmem_shared>> -> memref<10240xf32, #tpu.memory_space<vmem_shared>>
      tpu.wait_indirect_dma semaphore(%arg12 : memref<!tpu.dma_semaphore, #tpu.memory_space<semaphore_mem>>) src(%dma_wait3A_575 : memref<128xf32, #tpu.memory_space<vmem>>) dst(%dma_wait3A_583 : memref<10240xf32, #tpu.memory_space<vmem_shared>>)
      %dma_wait3A_584 = arith.constant 0 : i32
      %dma_wait3A_585 = tpu.memref_slice %arg6[%rem3A_132, %dma_wait3A_584] : memref<2x128xi32, #tpu.memory_space<vmem>> -> memref<1x128xi32, #tpu.memory_space<vmem>>
      %dma_wait3A_586 = tpu.memref_squeeze %dma_wait3A_585 : memref<1x128xi32, #tpu.memory_space<vmem>> -> memref<128xi32, #tpu.memory_space<vmem>>
      %dma_wait3A_587 = arith.constant 0 : i32
      %dma_wait3A_588 = tpu.memref_slice %arg11[%dma_wait3A_587] : memref<10240xf32, #tpu.memory_space<vmem_shared>> -> memref<10240xf32, #tpu.memory_space<vmem_shared>>
      tpu.wait_indirect_dma semaphore(%arg12 : memref<!tpu.dma_semaphore, #tpu.memory_space<semaphore_mem>>) src(%arg7 : memref<128xf32, #tpu.memory_space<vmem>>) dst(%dma_wait3A_588 : memref<10240xf32, #tpu.memory_space<vmem_shared>>)
      %while3A_589 = arith.constant 0 : i32
      scf.yield %while3A_589 : i32
    }
    %barrier3A_121 = arith.constant 0 : index
    tpu.barrier barrier_id(%barrier3A_121)
    %mul3A_122 = arith.constant 640 : i32
    %mul3A_123 = arith.muli %arg1, %mul3A_122 : i32
    %mul3A_124 = arith.constant 640 : i32
    %mul3A_125 = arith.muli %arg1, %mul3A_124 : i32
    "tpu.region"() ({
      %run_scoped3A_130 = tpu.sem_alloc : memref<!tpu.dma_semaphore, #tpu.memory_space<semaphore_mem>>
      %dma_start3A_131 = arith.constant 0 : i32
      %dma_start3A_132 = tpu.memref_slice %arg4[%arg0, %dma_start3A_131, %mul3A_125] : memref<2x16x10240xf32, #tpu.memory_space<hbm>> -> memref<1x16x640xf32, #tpu.memory_space<hbm>>
      %dma_start3A_133 = tpu.memref_squeeze %dma_start3A_132 : memref<1x16x640xf32, #tpu.memory_space<hbm>> -> memref<16x640xf32, #tpu.memory_space<hbm>>
      %dma_start3A_134 = arith.constant 0 : i32
      %dma_start3A_135 = tpu.memref_slice %arg10[%dma_start3A_134, %mul3A_123] : memref<16x10240xf32, #tpu.memory_space<vmem_shared>> -> memref<16x640xf32, #tpu.memory_space<vmem_shared>>
      tpu.enqueue_dma source(%dma_start3A_135 : memref<16x640xf32, #tpu.memory_space<vmem_shared>>) target(%dma_start3A_133 : memref<16x640xf32, #tpu.memory_space<hbm>>) target_semaphore(%run_scoped3A_130 : memref<!tpu.dma_semaphore, #tpu.memory_space<semaphore_mem>>)
      %dma_wait3A = arith.constant 0 : i32
      %dma_wait3A_136 = tpu.memref_slice %arg4[%arg0, %dma_wait3A, %mul3A_125] : memref<2x16x10240xf32, #tpu.memory_space<hbm>> -> memref<1x16x640xf32, #tpu.memory_space<hbm>>
      %dma_wait3A_137 = tpu.memref_squeeze %dma_wait3A_136 : memref<1x16x640xf32, #tpu.memory_space<hbm>> -> memref<16x640xf32, #tpu.memory_space<hbm>>
      %dma_wait3A_138 = arith.constant 0 : i32
      %dma_wait3A_139 = tpu.memref_slice %arg10[%dma_wait3A_138, %mul3A_123] : memref<16x10240xf32, #tpu.memory_space<vmem_shared>> -> memref<16x640xf32, #tpu.memory_space<vmem_shared>>
      tpu.wait_dma2 semaphore(%run_scoped3A_130 : memref<!tpu.dma_semaphore, #tpu.memory_space<semaphore_mem>>) src(%dma_wait3A_139 : memref<16x640xf32, #tpu.memory_space<vmem_shared>>) dst(%dma_wait3A_137 : memref<16x640xf32, #tpu.memory_space<hbm>>)
      tpu.yield
    }) : () -> ()
    %mul3A_126 = arith.constant 640 : i32
    %mul3A_127 = arith.muli %arg1, %mul3A_126 : i32
    %mul3A_128 = arith.constant 640 : i32
    %mul3A_129 = arith.muli %arg1, %mul3A_128 : i32
    "tpu.region"() ({
      %run_scoped3A_130 = tpu.sem_alloc : memref<!tpu.dma_semaphore, #tpu.memory_space<semaphore_mem>>
      %dma_start3A_131 = tpu.memref_slice %arg5[%arg0, %mul3A_129] : memref<2x10240xf32, #tpu.memory_space<hbm>> -> memref<1x640xf32, #tpu.memory_space<hbm>>
      %dma_start3A_132 = tpu.memref_squeeze %dma_start3A_131 : memref<1x640xf32, #tpu.memory_space<hbm>> -> memref<640xf32, #tpu.memory_space<hbm>>
      %dma_start3A_133 = tpu.memref_slice %arg11[%mul3A_127] : memref<10240xf32, #tpu.memory_space<vmem_shared>> -> memref<640xf32, #tpu.memory_space<vmem_shared>>
      tpu.enqueue_dma source(%dma_start3A_133 : memref<640xf32, #tpu.memory_space<vmem_shared>>) target(%dma_start3A_132 : memref<640xf32, #tpu.memory_space<hbm>>) target_semaphore(%run_scoped3A_130 : memref<!tpu.dma_semaphore, #tpu.memory_space<semaphore_mem>>)
      %dma_wait3A = tpu.memref_slice %arg5[%arg0, %mul3A_129] : memref<2x10240xf32, #tpu.memory_space<hbm>> -> memref<1x640xf32, #tpu.memory_space<hbm>>
      %dma_wait3A_134 = tpu.memref_squeeze %dma_wait3A : memref<1x640xf32, #tpu.memory_space<hbm>> -> memref<640xf32, #tpu.memory_space<hbm>>
      %dma_wait3A_135 = tpu.memref_slice %arg11[%mul3A_127] : memref<10240xf32, #tpu.memory_space<vmem_shared>> -> memref<640xf32, #tpu.memory_space<vmem_shared>>
      tpu.wait_dma2 semaphore(%run_scoped3A_130 : memref<!tpu.dma_semaphore, #tpu.memory_space<semaphore_mem>>) src(%dma_wait3A_135 : memref<640xf32, #tpu.memory_space<vmem_shared>>) dst(%dma_wait3A_134 : memref<640xf32, #tpu.memory_space<hbm>>)
      tpu.yield
    }) : () -> ()
    return
  }
}

module attributes {stable_mosaic.version = 14 : i64} {
  func.func @_tc_body(%arg0: i32, %arg1: memref<1024x128xf32, #tpu.memory_space<vmem>>, %arg2: memref<2x16x1024xf32, #tpu.memory_space<vmem>>, %arg3: memref<2x1024xf32, #tpu.memory_space<vmem>>, %arg4: memref<128x128xf32, #tpu.memory_space<vmem>>, %arg5: memref<16x128xf32, #tpu.memory_space<vmem>>, %arg6: memref<1x128xf32, #tpu.memory_space<vmem>>, %arg7: memref<1024x128xf32, #tpu.memory_space<vmem>>) attributes {dimension_semantics = [#tpu.dimension_semantics<arbitrary>], iteration_bounds = array<i64: 10>, scalar_prefetch = 0 : i64, scratch_operands = 0 : i64, tpu.core_type = #tpu.core_type<tc>, window_params = [{transform_indices = @transform_0, window_bounds = array<i64: 1024, 128>}, {transform_indices = @transform_1, window_bounds = array<i64: 2, 16, 1024>}, {transform_indices = @transform_2, window_bounds = array<i64: 2, 1024>}, {pipeline_mode = #tpu.pipeline_mode<synchronous>, transform_indices = @transform_3, window_bounds = array<i64: 128, 128>}, {pipeline_mode = #tpu.pipeline_mode<synchronous>, transform_indices = @transform_4, window_bounds = array<i64: 16, 128>}, {pipeline_mode = #tpu.pipeline_mode<synchronous>, transform_indices = @transform_5, window_bounds = array<i64: 1, 128>}, {transform_indices = @transform_6, window_bounds = array<i64: 1024, 128>}]} {
    %get3A = arith.constant 0 : index
    %get3A_0 = arith.constant 0 : index
    %get3A_1 = arith.constant 0 : index
    %get3A_2 = vector.load %arg2[%get3A, %get3A_0, %get3A_1] : memref<2x16x1024xf32, #tpu.memory_space<vmem>>, vector<1x16x1024xf32>
    %get3A_3 = vector.shape_cast %get3A_2 : vector<1x16x1024xf32> to vector<16x1024xf32>
    %get3A_4 = arith.constant 1 : index
    %get3A_5 = arith.constant 0 : index
    %get3A_6 = arith.constant 0 : index
    %get3A_7 = vector.load %arg2[%get3A_4, %get3A_5, %get3A_6] : memref<2x16x1024xf32, #tpu.memory_space<vmem>>, vector<1x16x1024xf32>
    %get3A_8 = vector.shape_cast %get3A_7 : vector<1x16x1024xf32> to vector<16x1024xf32>
    %add3A = arith.addf %get3A_3, %get3A_8 : vector<16x1024xf32>
    %get3A_9 = arith.constant 0 : index
    %get3A_10 = arith.constant 0 : index
    %get3A_11 = vector.load %arg3[%get3A_9, %get3A_10] : memref<2x1024xf32, #tpu.memory_space<vmem>>, vector<1x1024xf32>
    %get3A_12 = vector.shape_cast %get3A_11 : vector<1x1024xf32> to vector<1024xf32>
    %get3A_13 = arith.constant 1 : index
    %get3A_14 = arith.constant 0 : index
    %get3A_15 = vector.load %arg3[%get3A_13, %get3A_14] : memref<2x1024xf32, #tpu.memory_space<vmem>>, vector<1x1024xf32>
    %get3A_16 = vector.shape_cast %get3A_15 : vector<1x1024xf32> to vector<1024xf32>
    %add3A_17 = arith.addf %get3A_12, %get3A_16 : vector<1024xf32>
    %max3A = arith.constant 1.000000e+00 : f32
    %max3A_18 = vector.broadcast %max3A : f32 to vector<1024xf32>
    %max3A_19 = arith.maximumf %add3A_17, %max3A_18 : vector<1024xf32>
    %broadcast_in_dim3A = vector.shape_cast %max3A_19 : vector<1024xf32> to vector<1x1024xf32>
    %div3A = vector.broadcast %broadcast_in_dim3A : vector<1x1024xf32> to vector<16x1024xf32>
    %div3A_20 = arith.divf %add3A, %div3A : vector<16x1024xf32>
    %get3A_21 = arith.constant 0 : index
    %get3A_22 = arith.constant 0 : index
    %get3A_23 = vector.load %arg1[%get3A_21, %get3A_22] : memref<1024x128xf32, #tpu.memory_space<vmem>>, vector<1024x128xf32>
    %get3A_24 = arith.constant 0 : index
    %get3A_25 = arith.constant 0 : index
    %get3A_26 = vector.load %arg4[%get3A_24, %get3A_25] : memref<128x128xf32, #tpu.memory_space<vmem>>, vector<128x128xf32>
    %dot_general3A = arith.constant dense<0.000000e+00> : vector<1024x128xf32>
    %dot_general3A_27 = tpu.matmul %get3A_23, %get3A_26, %dot_general3A {dimension_numbers = #tpu.dot_dimension_numbers<[1], [0], [0], [1], [0, 0, 1, 1], [], []>, transpose_lhs_hint = false} : vector<1024x128xf32>, vector<128x128xf32>, vector<1024x128xf32> -> vector<1024x128xf32>
    %get3A_28 = arith.constant 0 : index
    %get3A_29 = arith.constant 0 : index
    %get3A_30 = vector.load %arg5[%get3A_28, %get3A_29] : memref<16x128xf32, #tpu.memory_space<vmem>>, vector<16x128xf32>
    %dot_general3A_31 = arith.constant dense<0.000000e+00> : vector<1024x128xf32>
    %dot_general3A_32 = tpu.matmul %div3A_20, %get3A_30, %dot_general3A_31 {dimension_numbers = #tpu.dot_dimension_numbers<[0], [0], [1], [1], [0, 1, 1, 1], [], []>, transpose_lhs_hint = false} : vector<16x1024xf32>, vector<16x128xf32>, vector<1024x128xf32> -> vector<1024x128xf32>
    %add3A_33 = arith.addf %dot_general3A_27, %dot_general3A_32 : vector<1024x128xf32>
    %get3A_34 = arith.constant 0 : index
    %get3A_35 = arith.constant 0 : index
    %get3A_36 = vector.load %arg6[%get3A_34, %get3A_35] : memref<1x128xf32, #tpu.memory_space<vmem>>, vector<1x128xf32>
    %add3A_37 = vector.broadcast %get3A_36 : vector<1x128xf32> to vector<1024x128xf32>
    %add3A_38 = arith.addf %add3A_33, %add3A_37 : vector<1024x128xf32>
    %logistic3A = arith.negf %add3A_38 : vector<1024x128xf32>
    %logistic3A_39 = math.exp %logistic3A : vector<1024x128xf32>
    %logistic3A_40 = arith.constant 1.000000e+00 : f32
    %logistic3A_41 = vector.broadcast %logistic3A_40 : f32 to vector<1024x128xf32>
    %logistic3A_42 = arith.addf %logistic3A_41, %logistic3A_39 : vector<1024x128xf32>
    %logistic3A_43 = arith.divf %logistic3A_41, %logistic3A_42 : vector<1024x128xf32>
    %swap3A = arith.constant 0 : index
    %swap3A_44 = arith.constant 0 : index
    %swap3A_45 = vector.load %arg7[%swap3A, %swap3A_44] : memref<1024x128xf32, #tpu.memory_space<vmem>>, vector<1024x128xf32>
    tpu.vector_store %arg7[%swap3A, %swap3A_44], %logistic3A_43 {strides = array<i32>} : memref<1024x128xf32, #tpu.memory_space<vmem>>, vector<1024x128xf32>,
    return
  }
  func.func @transform_0(%arg0: i32) -> (i32, i32) {
    %c0_i32 = arith.constant 0 : i32
    %c0_i32_0 = arith.constant 0 : i32
    return %arg0, %c0_i32 : i32, i32
  }
  func.func @transform_1(%arg0: i32) -> (i32, i32, i32) {
    %c0_i32 = arith.constant 0 : i32
    %c0_i32_0 = arith.constant 0 : i32
    %c0_i32_1 = arith.constant 0 : i32
    return %c0_i32, %c0_i32_0, %arg0 : i32, i32, i32
  }
  func.func @transform_2(%arg0: i32) -> (i32, i32) {
    %c0_i32 = arith.constant 0 : i32
    %c0_i32_0 = arith.constant 0 : i32
    return %c0_i32, %arg0 : i32, i32
  }
  func.func @transform_3(%arg0: i32) -> (i32, i32) {
    %c0_i32 = arith.constant 0 : i32
    %c0_i32_0 = arith.constant 0 : i32
    %c0_i32_1 = arith.constant 0 : i32
    return %c0_i32, %c0_i32_0 : i32, i32
  }
  func.func @transform_4(%arg0: i32) -> (i32, i32) {
    %c0_i32 = arith.constant 0 : i32
    %c0_i32_0 = arith.constant 0 : i32
    %c0_i32_1 = arith.constant 0 : i32
    return %c0_i32, %c0_i32_0 : i32, i32
  }
  func.func @transform_5(%arg0: i32) -> (i32, i32) {
    %c0_i32 = arith.constant 0 : i32
    %c0_i32_0 = arith.constant 0 : i32
    %c0_i32_1 = arith.constant 0 : i32
    return %c0_i32, %c0_i32_0 : i32, i32
  }
  func.func @transform_6(%arg0: i32) -> (i32, i32) {
    %c0_i32 = arith.constant 0 : i32
    %c0_i32_0 = arith.constant 0 : i32
    return %arg0, %c0_i32 : i32, i32
  }
}

</mosaic_0001>

<sc_bundles>
// kernel: kernel.4.cloned.1.call-start
scs
__scs_entry_jumppad:
0x0: {  	(pc) =	sbr.rel $0x88, $3  }
0x1: {  	(tag) =	ssettag $0x0;
	lr =	simm.s32 $0x1  }
0x2: {  	[smem:$0x3F9C] =	sst lr;
	_ =	strace $0xD0000000  }
0x3: {  	_ = 	snop  }
0x4: {  	_ = 	snop  }
0x5: {  	_ = 	snop  }
0x6: {  	_ = 	snop  }
0x7: {  	_ = 	snop  }
__scs_overlays_trampoline_lowered:
0x8: {  	[smem:$0x3FAB] =	sst s0  }
0x9: {  	[smem:$0x3FAC] =	sst s1  }
0xa: {  	[smem:$0x3FAD] =	sst s2  }
0xb: {  	[smem:$0x3FAE] =	sst s3  }
0xc: {  	[smem:$0x3FAF] =	sst s4  }
0xd: {  	[smem:$0x3FB0] =	sst s5  }
0xe: {  	[smem:$0x3FB1] =	sst s6  }
0xf: {  	[smem:$0x3FB2] =	sst s7  }
0x10: {  	[smem:$0x3FB3] =	sst s8  }
0x11: {  	[smem:$0x3FB4] =	sst s9;
	s0 =	simm.s32 @!p0 $0x0  }
0x12: {  	s1 =	sld [smem:$0x3F9A];
	s0 =	simm.s32 @p0 $0x1  }
0x13: {  	[smem:$0x3FB5] =	sst s0;
	s0 =	simm.s32 @!p1 $0x0  }
0x14: {  	s2 =	sld [smem:$0x3F99];
	s0 =	simm.s32 @p1 $0x1  }
0x15: {  	[smem:$0x3FB6] =	sst s0;
	s0 =	simm.s32 @!p2 $0x0  }
0x16: {  	s3 =	sld [smem:$0x3FDB];
	s0 =	simm.s32 @p2 $0x1  }
0x17: {  	s4 =	simm.s32 $0x1BF5;
	[smem:$0x3FB8] =	sst s0  }
0x18: {  	s0 =	sld [smem:$0x3F9B];
	_ =	swait.ge [sflag:s4], $0x0  }
0x19: {  	s7 =	sld [smem:$0x3F9C]  }
0x1a: {  	s8 =	sadd.s32 $0xFFFFE003, lr  }
0x1b: {  	s9 =	sadd.s32 $0xFFFFFEF7, lr;
	s5 =	simm.s32 $0xFFFFFFFF;
	p2 =	slt.u32 s8, $0xFFFFF086  }
0x1c: {  	p1 =	slt.u32 s9, $0xF7A;
	s5 =	simm.s32 @!p2 $0x0  }
0x1d: {  	s5 =	simm.s32 @p1 $0x1;
	p0 =	seq.s32 s7, s2  }
0x1e: {  	s7 =	smul.u32 @!p0 $0xF7A, s2;
	p2 =	seq.s32 @!p0 s5, $0x0  }
0x1f: {  	s9 =	smul.u32 $0xF7A, s1;
	s8 =	simm.s32 @!p0 $0x1BF5;
	p2 =	por !p2, p0  }
0x20: {  	[sflag:s8] =	ssyncset.s32 @!p0 $0xFFFFF086;
	s6 =	sadd.s32 @!p0 s3, s7;
	s7 =	simm.s32 @!p0 $0x108  }
0x21: {  	s3 =	sadd.s32 s3, s9;
	s6 =	sadd.s32 @!p0 $0x88, s6;
	s7 =	simm.s32 @p2 $0x1082  }
0x22: {  	[simem:s7], [sflag:s8] =	dma.local @!p0 [hbm:s6], $0xF7A  }
0x23: {  	s9 =	sor.u32 $0xD0000000, s2;
	s6 =	simm.s32 $0x108;
	_ =	swait.ge @!p0 [sflag:s8], $0x0  }
0x24: {  	s3 =	sadd.s32 $0x88, s3;
	s6 =	simm.s32 @!p1 $0x1082;
	[sflag:s4] =	ssyncset.s32 $0xFFFFF086  }
0x25: {  	[simem:s6], [sflag:s4] =	dma.local [hbm:s3], $0xF7A  }
0x26: {  	[smem:$0x3F9C] =	sst s1;
	(tag) =	ssettag s2;
	_ =	strace s9  }
0x27: {  	s1 =	sld [smem:$0x3FAC]  }
0x28: {  	s2 =	sld [smem:$0x3FAD]  }
0x29: {  	s4 =	sld [smem:$0x3FAF]  }
0x2a: {  	p0 =	seq.s32 s5, $0x0;
	s5 =	sld [smem:$0x3FB0]  }
0x2b: {  	s6 =	sld [smem:$0x3FB1]  }
0x2c: {  	s7 =	sld [smem:$0x3FB2]  }
0x2d: {  	s3 =	simm.s32 $0x108;
	s8 =	sld [smem:$0x3FB3]  }
0x2e: {  	s3 =	simm.s32 @!p0 $0x1082;
	s9 =	sld [smem:$0x3FB4]  }
0x2f: {  	lr =	sadd.s32 s0, s3;
	s0 =	sld [smem:$0x3FAB]  }
0x30: {  	s3 =	sld [smem:$0x3FAE]  }
0x31: {  	[smem:$0x3FB7] =	sst s10  }
0x32: {  	s10 =	sld [smem:$0x3FB5];
	_ =	sdelay $0x3  }
0x33: {  	p0 =	seq.s32 s10, $0x1;
	s10 =	sld [smem:$0x3FB7];
	_ =	sdelay $0x3  }
0x34: {  	[smem:$0x3FB7] =	sst s10  }
0x35: {  	s10 =	sld [smem:$0x3FB6];
	_ =	sdelay $0x3  }
0x36: {  	p1 =	seq.s32 s10, $0x1;
	s10 =	sld [smem:$0x3FB7];
	_ =	sdelay $0x3  }
0x37: {  	[smem:$0x3FB7] =	sst s10  }
0x38: {  	s10 =	sld [smem:$0x3FB8]  }
0x39: {  	_ = 	snop;
	(pc) =	sbr.ind lr, $3  }
0x3a: {  	_ = 	snop  }
0x3b: {  	_ = 	snop  }
0x3c: {  	p2 =	seq.s32 s10, $0x1;
	s10 =	sld [smem:$0x3FB7]  }
0x3d: {  	_ =	shalt  }
0x3e: {  	_ =	shalt  }
0x3f: {  	_ =	shalt  }
0x40: {  	_ =	shalt  }
0x41: {  	_ =	shalt  }
0x42: {  	_ =	shalt  }
0x43: {  	_ =	shalt  }
0x44: {  	_ =	shalt  }
0x45: {  	_ =	shalt  }
0x46: {  	_ =	shalt  }
0x47: {  	_ =	shalt  }
0x48: {  	_ =	shalt  }
0x49: {  	_ =	shalt  }
0x4a: {  	_ =	shalt  }
0x4b: {  	_ =	shalt  }
0x4c: {  	_ =	shalt  }
0x4d: {  	_ =	shalt  }
0x4e: {  	_ =	shalt  }
0x4f: {  	_ =	shalt  }
0x50: {  	_ =	shalt  }
0x51: {  	_ =	shalt  }
0x52: {  	_ =	shalt  }
0x53: {  	_ =	shalt  }
0x54: {  	_ =	shalt  }
0x55: {  	_ =	shalt  }
0x56: {  	_ =	shalt  }
0x57: {  	_ =	shalt  }
0x58: {  	_ =	shalt  }
0x59: {  	_ =	shalt  }
0x5a: {  	_ =	shalt  }
0x5b: {  	_ =	shalt  }
0x5c: {  	_ =	shalt  }
0x5d: {  	_ =	shalt  }
0x5e: {  	_ =	shalt  }
0x5f: {  	_ =	shalt  }
0x60: {  	_ =	shalt  }
0x61: {  	_ =	shalt  }
0x62: {  	_ =	shalt  }
0x63: {  	_ =	shalt  }
0x64: {  	_ =	shalt  }
0x65: {  	_ =	shalt  }
0x66: {  	_ =	shalt  }
0x67: {  	_ =	shalt  }
0x68: {  	_ =	shalt  }
0x69: {  	_ =	shalt  }
0x6a: {  	_ =	shalt  }
0x6b: {  	_ =	shalt  }
0x6c: {  	_ =	shalt  }
0x6d: {  	_ =	shalt  }
0x6e: {  	_ =	shalt  }
0x6f: {  	_ =	shalt  }
0x70: {  	_ =	shalt  }
0x71: {  	_ =	shalt  }
0x72: {  	_ =	shalt  }
0x73: {  	_ =	shalt  }
0x74: {  	_ =	shalt  }
0x75: {  	_ =	shalt  }
0x76: {  	_ =	shalt  }
0x77: {  	_ =	shalt  }
0x78: {  	_ =	shalt  }
0x79: {  	_ =	shalt  }
0x7a: {  	_ =	shalt  }
0x7b: {  	_ =	shalt  }
0x7c: {  	_ =	shalt  }
0x7d: {  	_ =	shalt  }
0x7e: {  	_ =	shalt  }
0x7f: {  	_ =	shalt  }
0x80: {  	_ =	shalt  }
0x81: {  	_ =	shalt  }
0x82: {  	_ =	shalt  }
0x83: {  	_ =	shalt  }
0x84: {  	_ =	shalt  }
0x85: {  	_ =	shalt  }
0x86: {  	_ =	shalt  }
0x87: {  	_ =	shalt  }
.Lfunc_end0:
.L_simem_size_0:
called_computation_lowered:
.L_overlay_start_0:
0x88: {  	s2 =	sld [smem:$0x3FD9]  }
0x89: {  	s3 =	sld [smem:$0x3FFE];
	_ =	sdelay $0x1  }
0x8a: {  	s1 =	srdreg.scid  }
0x8b: {  	s0 =	sand.u32 $0x1, s1  }
0x8c: {  	s17 =	sshll.u32 s0, $0xA;
	s2 =	sadd.s32 s3, s2  }
0x8d: {  	s2 =	sadd.s32 s2, s17  }
0x8e: {  	[smem:$0x3FC3] =	sst s2  }
0x8f: {  	_ = 	snop  }
0x90: {  	s2 =	sld [smem:$0x3FD0];
	(tm) =	ssettm $0x1  }
0x91: {  	s18 =	sld [smem:$0x3FFB];
	_ =	sdelay $0x3  }
0x92: {  	_ =	strace s18  }
0x93: {  	s3 =	sld [smem:$0x3FFC];
	_ =	sdelay $0x3  }
0x94: {  	_ =	strace s3  }
0x95: {  	s3 =	sld [smem:$0x3FFD];
	_ =	sdelay $0x3  }
0x96: {  	_ =	strace s3  }
0x97: {  	_ =	strace $0x8FFFFFFF  }
0x98: {  	s19 =	sld [smem:$0x3FDB];
	_ =	sdelay $0x1  }
0x99: {  	s4 =	simm.s32 $_scs_section_size  }
0x9a: {  	s5 =	simm.s32 $_size__tile_overlayer_lowered;
	s6 =	simm.s32 $_tile_overlayer_lowered  }
0x9b: {  	s22 =	simm.s32 $0x1BFF;
	s21 =	sshll.u32 s6, $0x1;
	s3 =	sadd.s32 s4, s19  }
0x9c: {  	s7 =	simm.s32 $0x0;
	s20 =	sshll.u32 s5, $0x1;
	s5 =	sadd.s32 s21, s3  }
0x9d: {  	[timem:s7], [sflag:s22] =	dma.local [hbm:s5], s20  }
0x9e: {  	_ =	swait.ge [sflag:s22], s20  }
0x9f: {  	s4 =	ssub.s32 $0x0, s20;
	[sflag:s22] =	ssyncset.done $0x0  }
0xa0: {  	[sflag:s22] =	ssyncadd.s32 s4;
	_ =	sdelay $0x1  }
0xa1: {  	s23 =	simm.s32 $0x1B8B  }
0xa2: {  	_ =	swait.ge [sflag:s23], $0x1  }
0xa3: {  	[sflag:s23] =	ssyncset.done $0x0  }
0xa4: {  	s25 =	simm.s32 $0x1B8E;
	s24 =	sld [smem:$0x3FFE];
	[sflag:s23] =	ssyncadd.s32 $0xFFFFFFFF  }
0xa5: {  	s26 =	simm.s32 $execute0_lowered;
	[smem:$0x3FD2] =	sst s25  }
0xa6: {  	s5 =	sshll.u32 s26, $0x1;
	_ =	strace $0x80000046;
	[dreg:$0x1] =	wrdreg $0xFFFFFFFF  }
0xa7: {  	s28 =	simm.s32 $_size_execute0_lowered;
	s3 =	sadd.s32 s3, s5;
	[dreg:$0x0] =	wrdreg $0x0  }
0xa8: {  	s5 =	sshll.u32 s28, $0x1;
	[dreg:$0x2] =	wrdreg s3  }
0xa9: {  	[dreg:$0x3] =	wrdreg s5  }
0xaa: {  	[dreg:$0x4] =	wrdreg $0xC0  }
0xab: {  	_ =	task [dreg:s7], $0x5FFFF  }
0xac: {  	[dreg:$0x1] =	wrdreg $0xFFFFFFFF  }
0xad: {  	[dreg:$0x0] =	wrdreg $0x60  }
0xae: {  	[dreg:$0x2] =	wrdreg s24  }
0xaf: {  	[dreg:$0x3] =	wrdreg s2  }
0xb0: {  	[dreg:$0x4] =	wrdreg $0x14000  }
0xb1: {  	[dreg:$0x5] =	wrdreg $0x3C000  }
0xb2: {  	[dreg:$0x6] =	wrdreg $0x9  }
0xb3: {  	_ =	task.clear_ibuf [dreg:s7], $0x7FFFF;
	_ =	strace $0x90000046  }
0xb4: {  	s29 =	simm.s32 $0x9;
	_ =	strace $0x80000048  }
0xb5: {  	_ =	swait.ge [sflag:s29], $0x1  }
0xb6: {  	[sflag:s29] =	ssyncadd.s32 $0xFFFFFFFF  }
0xb7: {  	_ =	strace $0x90000048  }
0xb8: {  	_ =	sfence  }
0xb9: {  	s30 =	sld [smem:$0x0];
	_ =	sdelay $0x2  }
0xba: {  	s31 =	sshll.u32 s1, $0xD;
	s1 =	sshrl.u32 s1, $0x2  }
0xbb: {  	s3 =	sand.u32 $0x4000, s31;
	s1 =	sadd.s32 s1, s30  }
0xbc: {  	s0 =	sor.u32 s3, s0;
	s1 =	sshll.u32 s1, $0x11  }
0xbd: {  	s0 =	sor.u32 s1, s0  }
0xbe: {  	s0 =	sadd.s32 $0x8F2B, s0  }
0xbf: {  	[sflag:s0] =	ssyncadd.remote.s32 $0x1  }
0xc0: {  	_ =	sfence.sel $0xFFFF  }
0xc1: {  	[dreg:$0x0] =	wrdreg $0xFFFFFFFF;
	(pc) =	sbr.abs _section_cstart, $3  }
0xc2: {  	[dreg:$0x1] =	wrdreg $0xFFFFFFFF  }
0xc3: {  	_ =	task.clear_ibuf [dreg:s7], $0x2FFFF;
	_ =	strace $0x9FFFFFFF  }
0xc4: {  	(tm) =	ssettm $0x7FFFFFFF  }
0xc5: {  	_ =	shalt  }
tec
execute0_lowered:
.L_overlay_start_1:
0x0: {  	(tag) =	ssettag $0x1  }
0x1: {  	s5 =	rddreg [dreg:$0x0]  }
0x2: {  	s0 =	rddreg [dreg:$0x1]  }
0x3: {  	s2 =	rddreg [dreg:$0x2]  }
0x4: {  	s1 =	srdreg.scid;
	s15 =	stileid.u32  }
0x5: {  	s3 =	rddreg [dreg:$0x3];
	s6 =	simm.s32 $0x0;
	s9 =	sand.u32 $0x1, s1  }
0x6: {  	s1 =	smul.u32 $0x280, s15;
	[smem:$0x7FF] =	sst s6;
	s17 =	sadd.s32 $0x5000, s2  }
0x7: {  	s18 =	sadd.s32 $0x7800, s2;
	_ =	strace $0x80000047;
	[dreg:$0x6] =	wrdreg s17  }
0x8: {  	s6 =	sadd.s32 $0x1600, s5;
	s19 =	sadd.s32 $0xA000, s2;
	[dreg:$0x7] =	wrdreg s18  }
0x9: {  	s20 =	sadd.s32 $0xC800, s2;
	s21 =	sadd.s32 $0xF000, s2;
	[dreg:$0x8] =	wrdreg s19  }
0xa: {  	s22 =	sadd.s32 $0x11800, s2;
	s4 =	smul.u32 $0x28000, s9;
	[dreg:$0x9] =	wrdreg s20  }
0xb: {  	s7 =	smul.u32 $0x2800, s9;
	s8 =	ssub.s32 $0x2, s9;
	[dreg:$0xa] =	wrdreg s21  }
0xc: {  	s10 =	sshll.u32 s9, $0x4;
	[dreg:$0xb] =	wrdreg s22;
	s17 =	sadd.s32 $0x1E000, s2  }
0xd: {  	s9 =	smul.u32 $0x4E0, s9;
	s18 =	sadd.s32 $0x20800, s2;
	[dreg:$0x10] =	wrdreg s17  }
0xe: {  	s20 =	sadd.s32 $0x23000, s2;
	s22 =	sadd.s32 $0x25800, s2;
	[dreg:$0x11] =	wrdreg s18  }
0xf: {  	s23 =	sshrl.u32 s8, $0x1;
	s10 =	sor.u32 s15, s10;
	[dreg:$0x12] =	wrdreg s20  }
0x10: {  	[dreg:$0x13] =	wrdreg s22;
	s20 =	sadd.s32 s1, s3;
	s4 =	sor.u32 s1, s4  }
0x11: {  	s7 =	sadd.s32 s1, s7;
	s8 =	ssub.s32 s8, s23;
	s16 =	smul.u32 $0x4E, s10  }
0x12: {  	p0 =	slt.u32 s10, $0x4;
	s23 =	sadd.s32 $0x14000, s2;
	s4 =	sshrl.u32 s4, $0x3  }
0x13: {  	s7 =	sshrl.u32 s7, $0x3;
	[dreg:$0xc] =	wrdreg s23;
	s23 =	simm.s32 $0x100  }
0x14: {  	s4 =	sadd.s32 s4, s5;
	s7 =	sadd.s32 s7, s5;
	s5 =	sadd.s32 s1, s2  }
0x15: {  	[dreg:$0x14] =	wrdreg s23;
	s23 =	smax.u32 s8, $0x1;
	s11 =	sadd.s32 $0x2800, s5  }
0x16: {  	s8 =	simm.s32 $0x3;
	s24 =	sadd.s32 $0x5000, s5;
	[dreg:$0x15] =	wrdreg s11  }
0x17: {  	s25 =	sadd.s32 $0x7800, s5;
	s26 =	sadd.s32 $0xA000, s5;
	[dreg:$0x16] =	wrdreg s24  }
0x18: {  	s12 =	sadd.s32 $0xC800, s5;
	s13 =	sadd.s32 $0xF000, s5;
	[dreg:$0x17] =	wrdreg s25  }
0x19: {  	s14 =	sadd.s32 $0x11800, s5;
	s22 =	sadd.s32 $0xA7A00, s7;
	[dreg:$0x18] =	wrdreg s26  }
0x1a: {  	s28 =	sadd.s32 $0x1B800, s5;
	s29 =	sadd.s32 $0x1E000, s5;
	[dreg:$0x19] =	wrdreg s12  }
0x1b: {  	s30 =	sadd.s32 $0x20800, s5;
	s31 =	sadd.s32 $0x23000, s5;
	[dreg:$0x1a] =	wrdreg s13  }
0x1c: {  	s1 =	sadd.s32 $0x25800, s5;
	[dreg:$0x1b] =	wrdreg s14;
	s12 =	sadd.s32 $0x2800, s2  }
0x1d: {  	s7 =	simm.s32 $0x2;
	s25 =	sadd.s32 $0x16800, s2;
	[dreg:$0x5] =	wrdreg s12  }
0x1e: {  	s13 =	smin.u32 s10, $0x4;
	s26 =	sadd.s32 $0x19000, s2;
	[dreg:$0xd] =	wrdreg s25  }
0x1f: {  	s11 =	sadd.s32 s13, s16;
	s12 =	simm.s32 $0x4F;
	[dreg:$0xe] =	wrdreg s26  }
0x20: {  	s16 =	smul.u32 $0x4E, s15;
	s25 =	sadd.s32 $0x16800, s5;
	s26 =	sadd.s32 $0x9DA00, s4  }
0x21: {  	s4 =	simm.s32 $0x180;
	s12 =	simm.s32 @!p0 $0x4E;
	[smem:$0x7FC] =	sst s25  }
0x22: {  	[smem:$0x7FD] =	sst s26;
	s14 =	sadd.s32 s12, s11;
	s12 =	sadd.s32 $0x1B800, s2  }
0x23: {  	s11 =	sshll.u32 s11, $0x4;
	s19 =	sadd.s32 s16, s9;
	[dreg:$0xf] =	wrdreg s12  }
0x24: {  	s26 =	sadd.s32 $0x19000, s5;
	s24 =	sadd.s32 s0, s11;
	[dreg:$0x1e] =	wrdreg s19  }
0x25: {  	s11 =	sadd.s32 s6, s11;
	s21 =	sadd.s32 s13, s19;
	[dreg:$0x1c] =	wrdreg s24  }
0x26: {  	s9 =	simm.s32 $0x1;
	[dreg:$0x1d] =	wrdreg s11;
	s10 =	sshll.u32 s21, $0x4  }
0x27: {  	s24 =	sadd.s32 $0x14000, s5;
	s0 =	sadd.s32 s10, s0;
	s6 =	sadd.s32 s10, s6  }
0x28: {  	[dreg:$0x1f] =	wrdreg s24;
	s10 =	simm.s32 $0x0;
	s15 =	sadd.s32 $0x10, s0  }
0x29: {  	v0 =	vimm.f32 $1.000000000e+00;
	v1 =	vimm.f32 $0.0e+00;
	s12 =	sadd.s32 $0x10, s6;
	s0 =	simm.s32 $0x4;
	s6 =	simm.s32 $0x80  }
.LBB2_1:
0x2a: {  	[tilespmem:$0x100] =	vst v0  }
0x2b: {  	[tilespmem:$0x110] =	vst v0  }
0x2c: {  	[tilespmem:$0x120] =	vst v0  }
0x2d: {  	[tilespmem:$0x130] =	vst v0  }
0x2e: {  	[tilespmem:$0x140] =	vst v0  }
0x2f: {  	[tilespmem:$0x150] =	vst v0  }
0x30: {  	[tilespmem:$0x160] =	vst v0  }
0x31: {  	[tilespmem:$0x170] =	vst v0  }
0x32: {  	[tilespmem:$0x180] =	vst v1  }
0x33: {  	[tilespmem:$0x190] =	vst v1  }
0x34: {  	[tilespmem:$0x1A0] =	vst v1  }
0x35: {  	[tilespmem:$0x1B0] =	vst v1  }
0x36: {  	[tilespmem:$0x1C0] =	vst v1  }
0x37: {  	[tilespmem:$0x1D0] =	vst v1  }
0x38: {  	[tilespmem:$0x1E0] =	vst v1  }
0x39: {  	[tilespmem:$0x1F0] =	vst v1  }
0x3a: {  	[tilespmem:$0x200] =	vst v1  }
0x3b: {  	[tilespmem:$0x210] =	vst v1  }
0x3c: {  	[tilespmem:$0x220] =	vst v1  }
0x3d: {  	[tilespmem:$0x230] =	vst v1  }
0x3e: {  	[tilespmem:$0x240] =	vst v1  }
0x3f: {  	[tilespmem:$0x250] =	vst v1  }
0x40: {  	[tilespmem:$0x260] =	vst v1  }
0x41: {  	[tilespmem:$0x270] =	vst v1  }
0x42: {  	[tilespmem:$0x280] =	vst v1  }
0x43: {  	[tilespmem:$0x290] =	vst v1  }
0x44: {  	[tilespmem:$0x2A0] =	vst v1  }
0x45: {  	[tilespmem:$0x2B0] =	vst v1  }
0x46: {  	[tilespmem:$0x2C0] =	vst v1  }
0x47: {  	[tilespmem:$0x2D0] =	vst v1  }
0x48: {  	[tilespmem:$0x2E0] =	vst v1  }
0x49: {  	[tilespmem:$0x2F0] =	vst v1  }
0x4a: {  	[tilespmem:$0x300] =	vst v1  }
0x4b: {  	[tilespmem:$0x310] =	vst v1  }
0x4c: {  	[tilespmem:$0x320] =	vst v1  }
0x4d: {  	[tilespmem:$0x330] =	vst v1  }
0x4e: {  	[tilespmem:$0x340] =	vst v1  }
0x4f: {  	[tilespmem:$0x350] =	vst v1  }
0x50: {  	[tilespmem:$0x360] =	vst v1  }
0x51: {  	[tilespmem:$0x370] =	vst v1  }
0x52: {  	[tilespmem:$0x380] =	vst v1  }
0x53: {  	[tilespmem:$0x390] =	vst v1  }
0x54: {  	[tilespmem:$0x3A0] =	vst v1  }
0x55: {  	[tilespmem:$0x3B0] =	vst v1  }
0x56: {  	[tilespmem:$0x3C0] =	vst v1  }
0x57: {  	[tilespmem:$0x3D0] =	vst v1  }
0x58: {  	[tilespmem:$0x3E0] =	vst v1  }
0x59: {  	[tilespmem:$0x3F0] =	vst v1  }
0x5a: {  	[spmem:s5] =	stream.linear.scatter [tilespmem:s4], [sflag:$0x4], $0x280, $0x38;
	[tilespmem:$0x3E80] =	vst v63  }
0x5b: {  	_ =	swait.ge [sflag:s0], $0x280  }
0x5c: {  	[sflag:s0] =	ssyncset.done $0x0  }
0x5d: {  	s11 =	rddreg [dreg:$0x15];
	[sflag:s0] =	ssyncadd.s32 $0xFFFFFD80  }
0x5e: {  	[spmem:s11] =	stream.linear.scatter [tilespmem:s4], [sflag:$0x4], $0x280, $0x38;
	[tilespmem:$0x3E80] =	vst v63  }
0x5f: {  	_ =	swait.ge [sflag:s0], $0x280  }
0x60: {  	[sflag:s0] =	ssyncset.done $0x0  }
0x61: {  	s19 =	rddreg [dreg:$0x16];
	[sflag:s0] =	ssyncadd.s32 $0xFFFFFD80  }
0x62: {  	[spmem:s19] =	stream.linear.scatter [tilespmem:s4], [sflag:$0x4], $0x280, $0x38;
	[tilespmem:$0x3E80] =	vst v63  }
0x63: {  	_ =	swait.ge [sflag:s0], $0x280  }
0x64: {  	[sflag:s0] =	ssyncset.done $0x0  }
0x65: {  	s21 =	rddreg [dreg:$0x17];
	[sflag:s0] =	ssyncadd.s32 $0xFFFFFD80  }
0x66: {  	[spmem:s21] =	stream.linear.scatter [tilespmem:s4], [sflag:$0x4], $0x280, $0x38;
	[tilespmem:$0x3E80] =	vst v63  }
0x67: {  	_ =	swait.ge [sflag:s0], $0x280  }
0x68: {  	[sflag:s0] =	ssyncset.done $0x0  }
0x69: {  	s24 =	rddreg [dreg:$0x18];
	[sflag:s0] =	ssyncadd.s32 $0xFFFFFD80  }
0x6a: {  	[spmem:s24] =	stream.linear.scatter [tilespmem:s4], [sflag:$0x4], $0x280, $0x38;
	[tilespmem:$0x3E80] =	vst v63  }
0x6b: {  	_ =	swait.ge [sflag:s0], $0x280  }
0x6c: {  	[sflag:s0] =	ssyncset.done $0x0  }
0x6d: {  	s25 =	rddreg [dreg:$0x19];
	[sflag:s0] =	ssyncadd.s32 $0xFFFFFD80  }
0x6e: {  	[spmem:s25] =	stream.linear.scatter [tilespmem:s4], [sflag:$0x4], $0x280, $0x38;
	[tilespmem:$0x3E80] =	vst v63  }
0x6f: {  	_ =	swait.ge [sflag:s0], $0x280  }
0x70: {  	[sflag:s0] =	ssyncset.done $0x0  }
0x71: {  	s16 =	rddreg [dreg:$0x1a];
	[sflag:s0] =	ssyncadd.s32 $0xFFFFFD80  }
0x72: {  	[spmem:s16] =	stream.linear.scatter [tilespmem:s4], [sflag:$0x4], $0x280, $0x38;
	[tilespmem:$0x3E80] =	vst v63  }
0x73: {  	_ =	swait.ge [sflag:s0], $0x280  }
0x74: {  	[sflag:s0] =	ssyncset.done $0x0  }
0x75: {  	s17 =	rddreg [dreg:$0x1b];
	[sflag:s0] =	ssyncadd.s32 $0xFFFFFD80  }
0x76: {  	[spmem:s17] =	stream.linear.scatter [tilespmem:s4], [sflag:$0x4], $0x280, $0x38;
	[tilespmem:$0x3E80] =	vst v63  }
0x77: {  	_ =	swait.ge [sflag:s0], $0x280  }
0x78: {  	[sflag:s0] =	ssyncset.done $0x0  }
0x79: {  	s18 =	rddreg [dreg:$0x1f];
	[sflag:s0] =	ssyncadd.s32 $0xFFFFFD80  }
0x7a: {  	[spmem:s18] =	stream.linear.scatter [tilespmem:s4], [sflag:$0x4], $0x280, $0x38;
	[tilespmem:$0x3E80] =	vst v63  }
0x7b: {  	_ =	swait.ge [sflag:s0], $0x280  }
0x7c: {  	s19 =	sld [smem:$0x7FC]  }
0x7d: {  	[sflag:s0] =	ssyncset.done $0x0  }
0x7e: {  	[sflag:s0] =	ssyncadd.s32 $0xFFFFFD80  }
0x7f: {  	[spmem:s19] =	stream.linear.scatter [tilespmem:s4], [sflag:$0x4], $0x280, $0x38;
	[tilespmem:$0x3E80] =	vst v63  }
0x80: {  	_ =	swait.ge [sflag:s0], $0x280  }
0x81: {  	[sflag:s0] =	ssyncset.done $0x0  }
0x82: {  	[sflag:s0] =	ssyncadd.s32 $0xFFFFFD80  }
0x83: {  	[spmem:s26] =	stream.linear.scatter [tilespmem:s4], [sflag:$0x4], $0x280, $0x38;
	[tilespmem:$0x3E80] =	vst v63  }
0x84: {  	_ =	swait.ge [sflag:s0], $0x280  }
0x85: {  	[sflag:s0] =	ssyncset.done $0x0  }
0x86: {  	[sflag:s0] =	ssyncadd.s32 $0xFFFFFD80  }
0x87: {  	[spmem:s28] =	stream.linear.scatter [tilespmem:s4], [sflag:$0x4], $0x280, $0x38;
	[tilespmem:$0x3E80] =	vst v63  }
0x88: {  	_ =	swait.ge [sflag:s0], $0x280  }
0x89: {  	[sflag:s0] =	ssyncset.done $0x0  }
0x8a: {  	[sflag:s0] =	ssyncadd.s32 $0xFFFFFD80  }
0x8b: {  	[spmem:s29] =	stream.linear.scatter [tilespmem:s4], [sflag:$0x4], $0x280, $0x38;
	[tilespmem:$0x3E80] =	vst v63  }
0x8c: {  	_ =	swait.ge [sflag:s0], $0x280  }
0x8d: {  	[sflag:s0] =	ssyncset.done $0x0  }
0x8e: {  	[sflag:s0] =	ssyncadd.s32 $0xFFFFFD80  }
0x8f: {  	[spmem:s30] =	stream.linear.scatter [tilespmem:s4], [sflag:$0x4], $0x280, $0x38;
	[tilespmem:$0x3E80] =	vst v63  }
0x90: {  	_ =	swait.ge [sflag:s0], $0x280  }
0x91: {  	[sflag:s0] =	ssyncset.done $0x0  }
0x92: {  	[sflag:s0] =	ssyncadd.s32 $0xFFFFFD80  }
0x93: {  	[spmem:s31] =	stream.linear.scatter [tilespmem:s4], [sflag:$0x4], $0x280, $0x38;
	[tilespmem:$0x3E80] =	vst v63  }
0x94: {  	_ =	swait.ge [sflag:s0], $0x280  }
0x95: {  	[sflag:s0] =	ssyncset.done $0x0  }
0x96: {  	[sflag:s0] =	ssyncadd.s32 $0xFFFFFD80  }
0x97: {  	[spmem:s1] =	stream.linear.scatter [tilespmem:s4], [sflag:$0x4], $0x280, $0x38;
	[tilespmem:$0x3E80] =	vst v63  }
0x98: {  	_ =	swait.ge [sflag:s0], $0x280  }
0x99: {  	[sflag:s0] =	ssyncset.done $0x0  }
0x9a: {  	[sflag:s0] =	ssyncadd.s32 $0xFFFFFD80  }
0x9b: {  	[spmem:s20] =	stream.linear.scatter [tilespmem:s4], [sflag:$0x4], $0x280, $0x38;
	[tilespmem:$0x3E80] =	vst v63  }
0x9c: {  	_ =	swait.ge [sflag:s0], $0x280  }
0x9d: {  	[sflag:s0] =	ssyncset.done $0x0  }
0x9e: {  	[sflag:s0] =	ssyncadd.s32 $0xFFFFFD80  }
0x9f: {  	[bflag:$0x0] =	sbarrier.arrive $0xFFFF  }
0xa0: {  	s21 =	simm.s32 $0x0;
	s16 =	rddreg [dreg:$0x1c]  }
0xa1: {  	[tilespmem:s21], [sflag:$0x2] =	stream.linear.gather [hbm4b:s16+s21], $0x80, $0x38;
	[tilespmem:$0x3E80] =	vst v63  }
0xa2: {  	s25 =	simm.s32 $0x4E200;
	s17 =	simm.s32 $0x400;
	s24 =	rddreg [dreg:$0x1d]  }
0xa3: {  	[tilespmem:s17], [sflag:$0x3] =	stream.strided.gather [hbm4b:s24+s6], $0x800, s25, s6, $0x38;
	[tilespmem:$0x3E80] =	vst v63  }
0xa4: {  	s17 =	rddreg [dreg:$0x1e];
	s25 =	smov.u32 s12;
	s24 =	smov.u32 s15  }
.LBB2_2:
0xa5: {  	_ =	swait.ge [sflag:s7], $0x80  }
0xa6: {  	s16 =	sadd.s32 s17, s13;
	[sflag:s7] =	ssyncset.done $0x0  }
0xa7: {  	s16 =	sadd.s32 $0x1, s16;
	[sflag:s7] =	ssyncadd.s32 $0xFFFFFF80  }
0xa8: {  	s18 =	sand.u32 $0x1, s17;
	p0 =	sge.u32 s16, s14;
	_ =	swait.ge [sflag:s8], $0x800  }
0xa9: {  	s16 =	sxor.u32 @!p0 $0x1, s18;
	[sflag:s8] =	ssyncset.done $0x0  }
0xaa: {  	s11 =	simm.s32 @!p0 $0x0;
	s19 =	sshll.u32 @!p0 s16, $0x7;
	[sflag:s8] =	ssyncadd.s32 $0xFFFFF800  }
0xab: {  	[tilespmem:s19], [sflag:$0x2] =	stream.linear.gather @!p0 [hbm4b:s24+s11], $0x80, $0x38;
	[tilespmem:$0x3E80] =	vst v63  }
0xac: {  	s11 =	sshll.u32 @!p0 s16, $0xB  }
0xad: {  	s16 =	simm.s32 @!p0 $0x80;
	s19 =	simm.s32 @!p0 $0x4E200;
	s11 =	sor.u32 @!p0 $0x400, s11  }
0xae: {  	[tilespmem:s11], [sflag:$0x3] =	stream.strided.gather @!p0 [hbm4b:s25+s16], $0x800, s19, s16, $0x38;
	[tilespmem:$0x3E80] =	vst v63  }
0xaf: {  	s11 =	sshll.u32 s18, $0xB  }
0xb0: {  	s16 =	sshll.u32 s18, $0x7;
	s21 =	sor.u32 $0x400, s11  }
0xb1: {  	[spmem:s2] =	stream.indirect.scatter.add.f32 [tilespmem:s21], [sflag:$0x1], $0x1, s16, s6, $0xb8;
	[tilespmem:$0x3E80] =	vst v63  }
0xb2: {  	s19 =	rddreg [dreg:$0x5];
	s18 =	sor.u32 $0x480, s11  }
0xb3: {  	[spmem:s19] =	stream.indirect.scatter.add.f32 [tilespmem:s18], [sflag:$0x1], $0x1, s16, s6, $0xb8;
	[tilespmem:$0x3E80] =	vst v63  }
0xb4: {  	s21 =	rddreg [dreg:$0x6];
	s18 =	sor.u32 $0x500, s11  }
0xb5: {  	[spmem:s21] =	stream.indirect.scatter.add.f32 [tilespmem:s18], [sflag:$0x1], $0x1, s16, s6, $0xb8;
	[tilespmem:$0x3E80] =	vst v63  }
0xb6: {  	s19 =	rddreg [dreg:$0x7];
	s18 =	sor.u32 $0x580, s11  }
0xb7: {  	[spmem:s19] =	stream.indirect.scatter.add.f32 [tilespmem:s18], [sflag:$0x1], $0x1, s16, s6, $0xb8;
	[tilespmem:$0x3E80] =	vst v63  }
0xb8: {  	s21 =	rddreg [dreg:$0x8];
	s18 =	sor.u32 $0x600, s11  }
0xb9: {  	[spmem:s21] =	stream.indirect.scatter.add.f32 [tilespmem:s18], [sflag:$0x1], $0x1, s16, s6, $0xb8;
	[tilespmem:$0x3E80] =	vst v63  }
0xba: {  	s19 =	rddreg [dreg:$0x9];
	s18 =	sor.u32 $0x680, s11  }
0xbb: {  	[spmem:s19] =	stream.indirect.scatter.add.f32 [tilespmem:s18], [sflag:$0x1], $0x1, s16, s6, $0xb8;
	[tilespmem:$0x3E80] =	vst v63  }
0xbc: {  	s21 =	rddreg [dreg:$0xa];
	s18 =	sor.u32 $0x700, s11  }
0xbd: {  	[spmem:s21] =	stream.indirect.scatter.add.f32 [tilespmem:s18], [sflag:$0x1], $0x1, s16, s6, $0xb8;
	[tilespmem:$0x3E80] =	vst v63  }
0xbe: {  	s19 =	rddreg [dreg:$0xb];
	s18 =	sor.u32 $0x780, s11  }
0xbf: {  	[spmem:s19] =	stream.indirect.scatter.add.f32 [tilespmem:s18], [sflag:$0x1], $0x1, s16, s6, $0xb8;
	[tilespmem:$0x3E80] =	vst v63  }
0xc0: {  	s21 =	rddreg [dreg:$0xc];
	s18 =	sadd.s32 $0x800, s11  }
0xc1: {  	[spmem:s21] =	stream.indirect.scatter.add.f32 [tilespmem:s18], [sflag:$0x1], $0x1, s16, s6, $0xb8;
	[tilespmem:$0x3E80] =	vst v63  }
0xc2: {  	s19 =	rddreg [dreg:$0xd];
	s18 =	sadd.s32 $0x880, s11  }
0xc3: {  	[spmem:s19] =	stream.indirect.scatter.add.f32 [tilespmem:s18], [sflag:$0x1], $0x1, s16, s6, $0xb8;
	[tilespmem:$0x3E80] =	vst v63  }
0xc4: {  	s21 =	rddreg [dreg:$0xe];
	s18 =	sadd.s32 $0x900, s11  }
0xc5: {  	[spmem:s21] =	stream.indirect.scatter.add.f32 [tilespmem:s18], [sflag:$0x1], $0x1, s16, s6, $0xb8;
	[tilespmem:$0x3E80] =	vst v63  }
0xc6: {  	s19 =	rddreg [dreg:$0xf];
	s18 =	sadd.s32 $0x980, s11  }
0xc7: {  	[spmem:s19] =	stream.indirect.scatter.add.f32 [tilespmem:s18], [sflag:$0x1], $0x1, s16, s6, $0xb8;
	[tilespmem:$0x3E80] =	vst v63  }
0xc8: {  	s21 =	rddreg [dreg:$0x10];
	s18 =	sadd.s32 $0xA00, s11  }
0xc9: {  	[spmem:s21] =	stream.indirect.scatter.add.f32 [tilespmem:s18], [sflag:$0x1], $0x1, s16, s6, $0xb8;
	[tilespmem:$0x3E80] =	vst v63  }
0xca: {  	s19 =	rddreg [dreg:$0x11];
	s18 =	sadd.s32 $0xA80, s11  }
0xcb: {  	[spmem:s19] =	stream.indirect.scatter.add.f32 [tilespmem:s18], [sflag:$0x1], $0x1, s16, s6, $0xb8;
	[tilespmem:$0x3E80] =	vst v63  }
0xcc: {  	s21 =	rddreg [dreg:$0x12];
	s18 =	sadd.s32 $0xB00, s11  }
0xcd: {  	[spmem:s21] =	stream.indirect.scatter.add.f32 [tilespmem:s18], [sflag:$0x1], $0x1, s16, s6, $0xb8;
	[tilespmem:$0x3E80] =	vst v63  }
0xce: {  	s19 =	rddreg [dreg:$0x13];
	s11 =	sadd.s32 $0xB80, s11  }
0xcf: {  	[spmem:s19] =	stream.indirect.scatter.add.f32 [tilespmem:s11], [sflag:$0x1], $0x1, s16, s6, $0xb8;
	[tilespmem:$0x3E80] =	vst v63  }
0xd0: {  	s21 =	rddreg [dreg:$0x14]  }
0xd1: {  	[spmem:s3] =	stream.indirect.scatter.add.f32 [tilespmem:s21], [sflag:$0x1], $0x1, s16, s6, $0xb8;
	[tilespmem:$0x3E80] =	vst v63  }
0xd2: {  	_ =	swait.ge [sflag:s9], $0x80  }
0xd3: {  	[sflag:s9] =	ssyncset.done $0x0  }
0xd4: {  	[sflag:s9] =	ssyncadd.s32 $0xFFFFFF80  }
0xd5: {  	_ =	swait.ge [sflag:s9], $0x80  }
0xd6: {  	[sflag:s9] =	ssyncset.done $0x0  }
0xd7: {  	[sflag:s9] =	ssyncadd.s32 $0xFFFFFF80  }
0xd8: {  	_ =	swait.ge [sflag:s9], $0x80  }
0xd9: {  	[sflag:s9] =	ssyncset.done $0x0  }
0xda: {  	[sflag:s9] =	ssyncadd.s32 $0xFFFFFF80  }
0xdb: {  	_ =	swait.ge [sflag:s9], $0x80  }
0xdc: {  	[sflag:s9] =	ssyncset.done $0x0  }
0xdd: {  	[sflag:s9] =	ssyncadd.s32 $0xFFFFFF80  }
0xde: {  	_ =	swait.ge [sflag:s9], $0x80  }
0xdf: {  	[sflag:s9] =	ssyncset.done $0x0  }
0xe0: {  	[sflag:s9] =	ssyncadd.s32 $0xFFFFFF80  }
0xe1: {  	_ =	swait.ge [sflag:s9], $0x80  }
0xe2: {  	[sflag:s9] =	ssyncset.done $0x0  }
0xe3: {  	[sflag:s9] =	ssyncadd.s32 $0xFFFFFF80  }
0xe4: {  	_ =	swait.ge [sflag:s9], $0x80  }
0xe5: {  	[sflag:s9] =	ssyncset.done $0x0  }
0xe6: {  	[sflag:s9] =	ssyncadd.s32 $0xFFFFFF80  }
0xe7: {  	_ =	swait.ge [sflag:s9], $0x80  }
0xe8: {  	[sflag:s9] =	ssyncset.done $0x0  }
0xe9: {  	[sflag:s9] =	ssyncadd.s32 $0xFFFFFF80  }
0xea: {  	_ =	swait.ge [sflag:s9], $0x80  }
0xeb: {  	[sflag:s9] =	ssyncset.done $0x0  }
0xec: {  	[sflag:s9] =	ssyncadd.s32 $0xFFFFFF80  }
0xed: {  	_ =	swait.ge [sflag:s9], $0x80  }
0xee: {  	[sflag:s9] =	ssyncset.done $0x0  }
0xef: {  	[sflag:s9] =	ssyncadd.s32 $0xFFFFFF80  }
0xf0: {  	_ =	swait.ge [sflag:s9], $0x80  }
0xf1: {  	[sflag:s9] =	ssyncset.done $0x0  }
0xf2: {  	[sflag:s9] =	ssyncadd.s32 $0xFFFFFF80  }
0xf3: {  	_ =	swait.ge [sflag:s9], $0x80  }
0xf4: {  	[sflag:s9] =	ssyncset.done $0x0  }
0xf5: {  	[sflag:s9] =	ssyncadd.s32 $0xFFFFFF80  }
0xf6: {  	_ =	swait.ge [sflag:s9], $0x80  }
0xf7: {  	[sflag:s9] =	ssyncset.done $0x0  }
0xf8: {  	[sflag:s9] =	ssyncadd.s32 $0xFFFFFF80  }
0xf9: {  	_ =	swait.ge [sflag:s9], $0x80  }
0xfa: {  	[sflag:s9] =	ssyncset.done $0x0  }
0xfb: {  	[sflag:s9] =	ssyncadd.s32 $0xFFFFFF80  }
0xfc: {  	_ =	swait.ge [sflag:s9], $0x80  }
0xfd: {  	s17 =	sadd.s32 $0x1, s17;
	[sflag:s9] =	ssyncset.done $0x0  }
0xfe: {  	s21 =	sadd.s32 s17, s13;
	[sflag:s9] =	ssyncadd.s32 $0xFFFFFF80  }
0xff: {  	p0 =	slt.u32 s21, s14;
	_ =	swait.ge [sflag:s9], $0x80  }
.Ltmp0:
0x100: {  	[sflag:s9] =	ssyncset.done $0x0;
	(pc) =	sbr.rel @p0 .LBB2_2-.Ltmp0, $4  }
0x101: {  	[sflag:s9] =	ssyncadd.s32 $0xFFFFFF80  }
0x102: {  	_ =	swait.ge [sflag:s9], $0x80  }
0x103: {  	[sflag:s9] =	ssyncset.done $0x0  }
0x104: {  	s24 =	sadd.s32 $0x10, s24;
	s25 =	sadd.s32 $0x10, s25;
	[sflag:s9] =	ssyncadd.s32 $0xFFFFFF80  }
0x105: {  	[bflag:$0x0] =	sbarrier.arrive $0xFFFF  }
0x106: {  	s11 =	stileid.u32;
	s17 =	sld [smem:$0x7FD]  }
0x107: {  	s16 =	sshrl.u32 s5, $0x3;
	s11 =	sshll.u32 s11, $0x6  }
0x108: {  	s18 =	simm.s32 $0x5;
	s19 =	simm.s32 $0x500;
	s11 =	sor.u32 $0x1C04, s11  }
0x109: {  	[hbm:s17@s19], [sflag:s11] =	dma.strided [spmem:s16@s19], $0x500, s18, $0x10   }
0x10a: {  	s10 =	sadd.s32 $0x1, s10;
	_ =	swait.ge [sflag:s0], $0x500  }
0x10b: {  	p0 =	sne.s32 s10, s23;
	[sflag:s0] =	ssyncset.done $0x0  }
.Ltmp1:
0x10c: {  	s25 =	sshrl.u32 s20, $0x3;
	[sflag:s0] =	ssyncadd.s32 $0xFFFFFB00;
	(pc) =	sbr.rel @p0 .LBB2_1-.Ltmp1, $4  }
0x10d: {  	[hbm:s22], [sflag:s11] =	dma.local [spmem:s25], $0x50  }
0x10e: {  	_ =	swait.ge [sflag:s0], $0x50  }
0x10f: {  	[sflag:s0] =	ssyncset.done $0x0  }
0x110: {  	[sflag:s0] =	ssyncadd.s32 $0xFFFFFFB0  }
0x111: {  	_ =	sfence.sel $0x180000  }
0x112: {  	[bflag:$0x0] =	sbarrier.arrive $0xFFFF  }
0x113: {  	_ =	strace $0x90000047  }
0x114: {  	s0 =	stileid.u32;
	[bflag:$0x2] =	sbarrier.arrive $0xFFFF  }
0x115: {  	p0 =	sne.s32 s0, $0x0;
	s0 =	rddreg [dreg:$0x4]  }
0x116: {  	s0 =	sadd.s32 @!p0 $0x100000, s0  }
0x117: {  	[sflag:s0] =	ssyncadd.tile.s32 @!p0 $0x1;
	_ =	shalt  }
.Lfunc_end2:
_tile_overlayer_lowered:
.L_overlay_start_2:
0x118: {  	(tag) =	ssettag $0x2  }
0x119: {  	s0 =	rddreg [dreg:$0x0];
	s2 =	stileid.u32  }
0x11a: {  	s1 =	rddreg [dreg:$0x1];
	p0 =	sne.s32 s2, $0x0  }
0x11b: {  	s3 =	rddreg [dreg:$0x2];
	[bflag:$0x3] =	sbarrier.arrive $0xFFFF;
	s2 =	simm.s32 @!p0 $0x1C04  }
0x11c: {  	[timem:s3], [sflag:s2] =	dma.local @!p0 [hbm:s0], s1  }
0x11d: {  	s0 =	simm.s32 @!p0 $0x4  }
0x11e: {  	_ =	swait.ge @!p0 [sflag:s0], s1  }
0x11f: {  	s1 =	ssub.s32 @!p0 $0x0, s1;
	[sflag:s0] =	ssyncset.done @!p0 $0x0  }
0x120: {  	[sflag:s0] =	ssyncadd.s32 @!p0 s1  }
0x121: {  	[bflag:$0x3] =	sbarrier.arrive $0xFFFF  }
0x122: {  	_ =	shalt  }

</sc_bundles>
